<compile_context>
chip_gen: v7x
topology: tpu7x:2x2x1
jax: 0.10.2.dev20260603
libtpu: 0.0.44.dev20260713+nightly
codegen_flags: <defaults>
</compile_context>

<pallas_src>
import functools

import jax
import jax.numpy as jnp
import numpy as np
from jax import lax
from jax.experimental import pallas as pl
from jax.experimental.pallas import tpu as pltpu
from jax.experimental.pallas import tpu_sc as plsc

N = 10000
E = 320000
D = 128

NC = 2
NS = 16
NW = NC * NS
DH = D // NC
CH = 128
NCHA = 160
CHD = 64
NCHD = 160
EP = NS * NCHA * CH
NBUF = 5
DBUF = 4
RPT = 632
NP = NS * RPT
BLK = 1000
GRID = N // BLK

_f32 = jnp.float32
_mesh = plsc.VectorSubcoreMesh(core_axis_name="c", subcore_axis_name="s")


@functools.partial(
    pl.kernel,
    mesh=_mesh,
    compiler_params=pltpu.CompilerParams(use_tc_tiling_on_sc=False),
    out_type=jax.ShapeDtypeStruct((NC, NP, 16), _f32),
    scratch_types=[
        pltpu.VMEM_SHARED((NP, 16), _f32),
        pltpu.VMEM((CHD, 16), _f32),
        pltpu.VMEM((NCHD, CHD), jnp.int32),
        pltpu.SemaphoreType.DMA,
        pltpu.SemaphoreType.DMA,
        pltpu.SemaphoreType.DMA,
        pltpu.SemaphoreType.DMA,
    ],
)
def _deg_sc(dst_hbm, z_hbm, out_hbm, shared, ones_v, didx, s0, s1, s2, s3):
    c = lax.axis_index("c")
    s = lax.axis_index("s")
    ssems = [s0, s1, s2, s3]

    def fill_ones(i, carry):
        ones_v[i] = jnp.full((16,), 1.0, _f32)
        return carry
    lax.fori_loop(0, CHD, fill_ones, 0)

    pltpu.sync_copy(dst_hbm.at[c * NS + s], didx)
    pltpu.sync_copy(z_hbm.at[pl.ds(s * RPT, RPT)],
                    shared.at[pl.ds(s * RPT, RPT)])
    plsc.subcore_barrier()

    def group(g, carry):
        for b in range(DBUF):
            t = g * DBUF + b

            @pl.when(t >= DBUF)
            def _():
                pltpu.make_async_copy(ones_v, shared.at[didx.at[t - DBUF]],
                                      ssems[b]).wait()
            pltpu.async_copy(ones_v, shared.at[didx.at[t]], ssems[b], add=True)
        return carry
    lax.fori_loop(0, NCHD // DBUF, group, 0)
    for b in range(DBUF):
        pltpu.make_async_copy(ones_v, shared.at[didx.at[NCHD - DBUF + b]],
                              ssems[b]).wait()

    plsc.subcore_barrier()
    pltpu.sync_copy(shared.at[pl.ds(s * RPT, RPT)],
                    out_hbm.at[c, pl.ds(s * RPT, RPT)])


@functools.partial(
    pl.kernel,
    mesh=_mesh,
    compiler_params=pltpu.CompilerParams(use_tc_tiling_on_sc=False),
    out_type=jax.ShapeDtypeStruct((NC, NP, DH), _f32),
    scratch_types=[
        pltpu.VMEM_SHARED((NP, DH), _f32),
        pltpu.VMEM((CH, DH), _f32),
        pltpu.VMEM((CH, DH), _f32),
        pltpu.VMEM((CH, DH), _f32),
        pltpu.VMEM((CH, DH), _f32),
        pltpu.VMEM((CH, DH), _f32),
        pltpu.VMEM((NCHA, CH), jnp.int32),
        pltpu.VMEM((NCHA, CH), jnp.int32),
        pltpu.SemaphoreType.DMA,
        pltpu.SemaphoreType.DMA,
        pltpu.SemaphoreType.DMA,
        pltpu.SemaphoreType.DMA,
        pltpu.SemaphoreType.DMA,
        pltpu.SemaphoreType.DMA,
        pltpu.SemaphoreType.DMA,
        pltpu.SemaphoreType.DMA,
        pltpu.SemaphoreType.DMA,
        pltpu.SemaphoreType.DMA,
    ],
)
def _agg_sc(h_hbm, src_hbm, dst_hbm, z_hbm, out_hbm, shared,
            r0, r1, r2, r3, r4, sidx, didx,
            g0, g1, g2, g3, g4,
            t0, t1, t2, t3, t4):
    c = lax.axis_index("c")
    s = lax.axis_index("s")
    rows = [r0, r1, r2, r3, r4]
    gsems = [g0, g1, g2, g3, g4]
    ssems = [t0, t1, t2, t3, t4]
    hsrc = h_hbm.at[c]

    pltpu.sync_copy(src_hbm.at[s], sidx)
    pltpu.sync_copy(dst_hbm.at[s], didx)
    pltpu.sync_copy(z_hbm.at[pl.ds(s * RPT, RPT)],
                    shared.at[pl.ds(s * RPT, RPT)])
    plsc.subcore_barrier()

    for b in range(NBUF):
        pltpu.async_copy(hsrc.at[sidx.at[b]], rows[b], gsems[b])

    def group(g, carry):
        for b in range(NBUF):
            t = g * NBUF + b
            bp = (b - 1) % NBUF
            pltpu.make_async_copy(hsrc.at[sidx.at[t]], rows[b], gsems[b]).wait()
            pltpu.async_copy(rows[b], shared.at[didx.at[t]], ssems[b], add=True)

            @pl.when(jnp.logical_and(t >= 1, t + NBUF - 1 < NCHA))
            def _():
                pltpu.make_async_copy(rows[bp], shared.at[didx.at[t - 1]],
                                      ssems[bp]).wait()
                pltpu.async_copy(hsrc.at[sidx.at[t + NBUF - 1]], rows[bp],
                                 gsems[bp])
        return carry
    lax.fori_loop(0, NCHA // NBUF, group, 0)

    for b in range(NBUF):
        t = NCHA - NBUF + b
        pltpu.make_async_copy(rows[b], shared.at[didx.at[t]], ssems[b]).wait()

    plsc.subcore_barrier()
    pltpu.sync_copy(shared.at[pl.ds(s * RPT, RPT)],
                    out_hbm.at[c, pl.ds(s * RPT, RPT)])


def _tc_mm_body(x_ref, w_ref, h_ref):
    h_ref[...] = jnp.dot(x_ref[...], w_ref[...], preferred_element_type=_f32, precision=lax.Precision.HIGHEST)


def _tc_mm(x, W1):
    return pl.pallas_call(
        _tc_mm_body,
        grid=(GRID,),
        in_specs=[
            pl.BlockSpec((BLK, D), lambda i: (i, 0)),
            pl.BlockSpec((D, D), lambda i: (0, 0)),
        ],
        out_specs=pl.BlockSpec((BLK, D), lambda i: (i, 0)),
        out_shape=jax.ShapeDtypeStruct((N, D), _f32),
    )(x, W1)


def _tc_first_body(h_ref, dp_ref, hsp_ref, dinv_ref):
    deg = 1.0 + dp_ref[0, :, 0:1] + dp_ref[1, :, 0:1]
    r0 = lax.rsqrt(deg)
    dinv = r0 * (1.5 - 0.5 * deg * r0 * r0)
    h = h_ref[...] * dinv
    hsp_ref[0] = h[:, :DH]
    hsp_ref[1] = h[:, DH:]
    dinv_ref[...] = jnp.broadcast_to(dinv, (BLK, 16))


def _pre_relu(a_ref, hsp_ref, dinv, b_ref):
    agg = jnp.concatenate([a_ref[0] + hsp_ref[0], a_ref[1] + hsp_ref[1]], axis=1)
    return jnp.maximum(agg * dinv + b_ref[...], 0.0)


def _tc_mid_body(a_ref, hsp_ref, dinv_ref, b_ref, w_ref, out_ref):
    dinv = dinv_ref[:, 0:1]
    h = _pre_relu(a_ref, hsp_ref, dinv, b_ref)
    hw = jnp.dot(h, w_ref[...], preferred_element_type=_f32, precision=lax.Precision.HIGHEST) * dinv
    out_ref[0] = hw[:, :DH]
    out_ref[1] = hw[:, DH:]


def _tc_head_body(a_ref, hsp_ref, dinv_ref, b_ref, wh_ref, bh_ref, out_ref, acc_ref):
    i = pl.program_id(0)

    @pl.when(i == 0)
    def _():
        acc_ref[...] = jnp.zeros_like(acc_ref)

    dinv = dinv_ref[:, 0:1]
    h = _pre_relu(a_ref, hsp_ref, dinv, b_ref)
    acc_ref[...] += jnp.sum(h, axis=0, keepdims=True)

    @pl.when(i == GRID - 1)
    def _():
        g = acc_ref[...] * np.float32(1.0 / N)
        out_ref[...] = jnp.dot(g, wh_ref[...], preferred_element_type=_f32, precision=lax.Precision.HIGHEST) + bh_ref[...]


def _tc_first(h1, degp):
    return pl.pallas_call(
        _tc_first_body,
        grid=(GRID,),
        in_specs=[
            pl.BlockSpec((BLK, D), lambda i: (i, 0)),
            pl.BlockSpec((NC, BLK, 16), lambda i: (0, i, 0)),
        ],
        out_specs=[
            pl.BlockSpec((NC, BLK, DH), lambda i: (0, i, 0)),
            pl.BlockSpec((BLK, 16), lambda i: (i, 0)),
        ],
        out_shape=[
            jax.ShapeDtypeStruct((NC, N, DH), _f32),
            jax.ShapeDtypeStruct((N, 16), _f32),
        ],
    )(h1, degp)


def _tc_mid(aggp, hsp, dinv16, b, W):
    return pl.pallas_call(
        _tc_mid_body,
        grid=(GRID,),
        in_specs=[
            pl.BlockSpec((NC, BLK, DH), lambda i: (0, i, 0)),
            pl.BlockSpec((NC, BLK, DH), lambda i: (0, i, 0)),
            pl.BlockSpec((BLK, 16), lambda i: (i, 0)),
            pl.BlockSpec((1, D), lambda i: (0, 0)),
            pl.BlockSpec((D, D), lambda i: (0, 0)),
        ],
        out_specs=pl.BlockSpec((NC, BLK, DH), lambda i: (0, i, 0)),
        out_shape=jax.ShapeDtypeStruct((NC, N, DH), _f32),
    )(aggp, hsp, dinv16, b, W)


def _tc_head(aggp, hsp, dinv16, b, Wh, bh):
    return pl.pallas_call(
        _tc_head_body,
        grid=(GRID,),
        in_specs=[
            pl.BlockSpec((NC, BLK, DH), lambda i: (0, i, 0)),
            pl.BlockSpec((NC, BLK, DH), lambda i: (0, i, 0)),
            pl.BlockSpec((BLK, 16), lambda i: (i, 0)),
            pl.BlockSpec((1, D), lambda i: (0, 0)),
            pl.BlockSpec((D, 1), lambda i: (0, 0)),
            pl.BlockSpec((1, 1), lambda i: (0, 0)),
        ],
        out_specs=pl.BlockSpec((1, 1), lambda i: (0, 0)),
        out_shape=jax.ShapeDtypeStruct((1, 1), _f32),
        scratch_shapes=[pltpu.VMEM((1, D), _f32)],
    )(aggp, hsp, dinv16, b, Wh, bh)


def kernel(x, edge_index, W1, b1, W2, b2, Wh, bh):
    ei = edge_index.astype(jnp.int32)
    src = ei[0]
    dst = ei[1]

    npad = EP - E
    pad_src = (jnp.arange(npad, dtype=jnp.int32) * 37) % N
    pad_dst = N + jnp.arange(npad, dtype=jnp.int32) % (NP - N)
    src_p = jnp.concatenate([src, pad_src])
    dst_p = jnp.concatenate([dst, pad_dst])
    srcA = src_p.reshape(NS, NCHA, CH)
    dstA = dst_p.reshape(NS, NCHA, CH)
    dstD = dst_p.reshape(NW, NCHD, CHD)

    zD = jnp.zeros((NP, 16), _f32)
    zA = jnp.zeros((NP, DH), _f32)
    h1 = _tc_mm(x, W1)
    degp = _deg_sc(dstD, zD)
    h1sp, dinv16 = _tc_first(h1, degp)
    agg1 = _agg_sc(h1sp, srcA, dstA, zA)
    h2sp = _tc_mid(agg1, h1sp, dinv16, b1.reshape(1, D), W2)
    agg2 = _agg_sc(h2sp, srcA, dstA, zA)
    return _tc_head(agg2, h2sp, dinv16, b2.reshape(1, D), Wh, bh.reshape(1, 1))

# --- scband reference (transcript-rebuilt; emitter-appended) ---
"""Pipeline reference for scband-gcn-19499151524293 (READ-ONLY COPY).

The authoritative reference and input builder live on the scoring server;
editing this copy changes nothing except your own understanding.
"""

import jax, jax.numpy as jnp
import numpy as np

N = 10000
E = 320000
DIN = 128
DMID = 128
DOUT = 1


def setup_inputs(seed: int = 0) -> dict:
    key = jax.random.key(seed)
    ks = jax.random.split(key, 8)
    x = jax.random.normal(ks[0], (N, DIN), dtype=jnp.float32)
    edge_index = jax.random.randint(ks[1], (2, E), 0, N, dtype=jnp.int64)
    # GCNBackbone: two GCNConv layers (din->dmid, dmid->dmid)
    W1 = jax.random.normal(ks[2], (DIN, DMID), dtype=jnp.float32) * (1.0 / np.sqrt(DIN))
    b1 = jnp.zeros((DMID,), dtype=jnp.float32)
    W2 = jax.random.normal(ks[3], (DMID, DMID), dtype=jnp.float32) * (1.0 / np.sqrt(DMID))
    b2 = jnp.zeros((DMID,), dtype=jnp.float32)
    # GraphClassificationHead: global mean pool + linear (dmid->dout)
    Wh = jax.random.normal(ks[4], (DMID, DOUT), dtype=jnp.float32) * (1.0 / np.sqrt(DMID))
    bh = jnp.zeros((DOUT,), dtype=jnp.float32)
    return {"x": x, "edge_index": edge_index, "W1": W1, "b1": b1, "W2": W2, "b2": b2, "Wh": Wh, "bh": bh}


def _gcn_conv(x, src, dst, norm, W, b, n):
    # x: [N, din] -> linear transform, then normalized scatter-add aggregation
    h = x @ W
    msg = jnp.take(h, src, axis=0) * norm[:, None]
    out = jax.ops.segment_sum(msg, dst, num_segments=n)
    return out + b


def reference(x, edge_index, W1, b1, W2, b2, Wh, bh):
    n = x.shape[0]
    src = edge_index[0]
    dst = edge_index[1]
    # add self loops (GCNConv default)
    loop = jnp.arange(n, dtype=src.dtype)
    src_sl = jnp.concatenate([src, loop])
    dst_sl = jnp.concatenate([dst, loop])
    # symmetric normalization D^{-1/2} A D^{-1/2}
    ones = jnp.ones(src_sl.shape[0], dtype=jnp.float32)
    deg = jax.ops.segment_sum(ones, dst_sl, num_segments=n)
    dinv = jnp.where(deg > 0, jax.lax.rsqrt(deg), 0.0)
    norm = dinv[src_sl] * dinv[dst_sl]
    # backbone: conv -> relu -> conv -> relu
    h = _gcn_conv(x, src_sl, dst_sl, norm, W1, b1, n)
    h = jax.nn.relu(h)
    h = _gcn_conv(h, src_sl, dst_sl, norm, W2, b2, n)
    h = jax.nn.relu(h)
    # head: global mean pool over all nodes (batch=None => single graph), then linear
    g = jnp.mean(h, axis=0, keepdims=True)  # [1, dmid]
    out = g @ Wh + bh  # [1, dout]
    return out

if __name__ == "__main__":
    import jax
    _d = setup_inputs()
    print(jax.jit(kernel)(*tuple(_d.values())))

</pallas_src>

<mosaic_0001>
#map = affine_map<(d0, d1) -> (0, 0, 0)>
#map1 = affine_map<(d0, d1) -> (0, 0)>
module attributes {stable_mosaic.version = 14 : i64} {
  func.func @_deg_sc(%arg0: i32, %arg1: i32, %arg2: memref<32x160x64xi32, #tpu.memory_space<hbm>>, %arg3: memref<10112x16xf32, #tpu.memory_space<hbm>>, %arg4: memref<2x10112x16xf32, #tpu.memory_space<hbm>>, %arg5: memref<10112x16xf32, #tpu.memory_space<vmem_shared>>, %arg6: memref<64x16xf32, #tpu.memory_space<vmem>>, %arg7: memref<160x64xi32, #tpu.memory_space<vmem>>, %arg8: memref<!tpu.dma_semaphore, #tpu.memory_space<semaphore_mem>>, %arg9: memref<!tpu.dma_semaphore, #tpu.memory_space<semaphore_mem>>, %arg10: memref<!tpu.dma_semaphore, #tpu.memory_space<semaphore_mem>>, %arg11: memref<!tpu.dma_semaphore, #tpu.memory_space<semaphore_mem>>) attributes {dimension_semantics = [#tpu.dimension_semantics<core_parallel>, #tpu.dimension_semantics<subcore_parallel>], iteration_bounds = array<i64: 2, 16>, scalar_prefetch = 0 : i64, scratch_operands = 7 : i64, tpu.core_type = #tpu.core_type<sc_vector_subcore>, window_params = [{transform_indices = #map}, {transform_indices = #map1}, {transform_indices = #map}]} {
    %scan3A = arith.constant 0 : i32
    %scan3A_0 = arith.constant 0 : i32
    %scan3A_1 = arith.constant 64 : i32
    %scan3A_2 = arith.addi %scan3A_0, %scan3A_1 : i32
    %scan3A_3 = arith.constant 1 : i32
    scf.for %scan3A_48 = %scan3A_0 to %scan3A_2 step %scan3A_3  : i32 {
      %broadcast_in_dim3A = arith.constant 1.000000e+00 : f32
      %broadcast_in_dim3A_49 = vector.broadcast %broadcast_in_dim3A : f32 to vector<16xf32>
      %swap3A = arith.index_cast %scan3A_48 : i32 to index
      %swap3A_50 = arith.constant 0 : index
      %swap3A_51 = tpu.vector_load %arg6[%swap3A, %swap3A_50] {strides = array<i32>} : memref<64x16xf32, #tpu.memory_space<vmem>>, vector<1x16xf32>,
      %swap3A_52 = vector.shape_cast %swap3A_51 : vector<1x16xf32> to vector<16xf32>
      %swap3A_53 = vector.shape_cast %broadcast_in_dim3A_49 : vector<16xf32> to vector<1x16xf32>
      tpu.vector_store %arg6[%swap3A, %swap3A_50], %swap3A_53 {strides = array<i32>} : memref<64x16xf32, #tpu.memory_space<vmem>>, vector<1x16xf32>,
    }
    %scan3A_4 = arith.constant 64 : i32
    %mul3A = arith.constant 16 : i32
    %mul3A_5 = arith.muli %arg0, %mul3A : i32
    %add3A = arith.addi %mul3A_5, %arg1 : i32
    "tpu.region"() ({
      %run_scoped3A = tpu.sem_alloc : memref<!tpu.dma_semaphore, #tpu.memory_space<semaphore_mem>>
      %dma_start3A = arith.constant 0 : i32
      %dma_start3A_48 = arith.constant 0 : i32
      %dma_start3A_49 = tpu.memref_slice %arg2[%add3A, %dma_start3A, %dma_start3A_48] : memref<32x160x64xi32, #tpu.memory_space<hbm>> -> memref<1x160x64xi32, #tpu.memory_space<hbm>>
      %dma_start3A_50 = tpu.memref_squeeze %dma_start3A_49 : memref<1x160x64xi32, #tpu.memory_space<hbm>> -> memref<160x64xi32, #tpu.memory_space<hbm>>
      %dma_start3A_51 = arith.constant 0 : i32
      %dma_start3A_52 = arith.constant 0 : i32
      %dma_start3A_53 = tpu.memref_slice %arg2[%add3A, %dma_start3A_51, %dma_start3A_52] : memref<32x160x64xi32, #tpu.memory_space<hbm>> -> memref<1x160x64xi32, #tpu.memory_space<hbm>>
      %dma_start3A_54 = tpu.memref_squeeze %dma_start3A_53 : memref<1x160x64xi32, #tpu.memory_space<hbm>> -> memref<160x64xi32, #tpu.memory_space<hbm>>
      tpu.enqueue_dma source(%dma_start3A_54 : memref<160x64xi32, #tpu.memory_space<hbm>>) target(%arg7 : memref<160x64xi32, #tpu.memory_space<vmem>>) target_semaphore(%run_scoped3A : memref<!tpu.dma_semaphore, #tpu.memory_space<semaphore_mem>>)
      %dma_wait3A_55 = arith.constant 0 : i32
      %dma_wait3A_56 = arith.constant 0 : i32
      %dma_wait3A_57 = tpu.memref_slice %arg2[%add3A, %dma_wait3A_55, %dma_wait3A_56] : memref<32x160x64xi32, #tpu.memory_space<hbm>> -> memref<1x160x64xi32, #tpu.memory_space<hbm>>
      %dma_wait3A_58 = tpu.memref_squeeze %dma_wait3A_57 : memref<1x160x64xi32, #tpu.memory_space<hbm>> -> memref<160x64xi32, #tpu.memory_space<hbm>>
      %dma_wait3A_59 = arith.constant 0 : i32
      %dma_wait3A_60 = arith.constant 0 : i32
      %dma_wait3A_61 = tpu.memref_slice %arg2[%add3A, %dma_wait3A_59, %dma_wait3A_60] : memref<32x160x64xi32, #tpu.memory_space<hbm>> -> memref<1x160x64xi32, #tpu.memory_space<hbm>>
      %dma_wait3A_62 = tpu.memref_squeeze %dma_wait3A_61 : memref<1x160x64xi32, #tpu.memory_space<hbm>> -> memref<160x64xi32, #tpu.memory_space<hbm>>
      tpu.wait_dma2 semaphore(%run_scoped3A : memref<!tpu.dma_semaphore, #tpu.memory_space<semaphore_mem>>) src(%dma_wait3A_62 : memref<160x64xi32, #tpu.memory_space<hbm>>) dst(%arg7 : memref<160x64xi32, #tpu.memory_space<vmem>>)
      tpu.yield
    }) : () -> ()
    %mul3A_6 = arith.constant 632 : i32
    %mul3A_7 = arith.muli %arg1, %mul3A_6 : i32
    %mul3A_8 = arith.constant 632 : i32
    %mul3A_9 = arith.muli %arg1, %mul3A_8 : i32
    "tpu.region"() ({
      %run_scoped3A = tpu.sem_alloc : memref<!tpu.dma_semaphore, #tpu.memory_space<semaphore_mem>>
      %dma_start3A = arith.constant 0 : i32
      %dma_start3A_48 = tpu.memref_slice %arg5[%mul3A_9, %dma_start3A] : memref<10112x16xf32, #tpu.memory_space<vmem_shared>> -> memref<632x16xf32, #tpu.memory_space<vmem_shared>>
      %dma_start3A_49 = arith.constant 0 : i32
      %dma_start3A_50 = tpu.memref_slice %arg3[%mul3A_7, %dma_start3A_49] : memref<10112x16xf32, #tpu.memory_space<hbm>> -> memref<632x16xf32, #tpu.memory_space<hbm>>
      tpu.enqueue_dma source(%dma_start3A_50 : memref<632x16xf32, #tpu.memory_space<hbm>>) target(%dma_start3A_48 : memref<632x16xf32, #tpu.memory_space<vmem_shared>>) target_semaphore(%run_scoped3A : memref<!tpu.dma_semaphore, #tpu.memory_space<semaphore_mem>>)
      %dma_wait3A_51 = arith.constant 0 : i32
      %dma_wait3A_52 = tpu.memref_slice %arg5[%mul3A_9, %dma_wait3A_51] : memref<10112x16xf32, #tpu.memory_space<vmem_shared>> -> memref<632x16xf32, #tpu.memory_space<vmem_shared>>
      %dma_wait3A_53 = arith.constant 0 : i32
      %dma_wait3A_54 = tpu.memref_slice %arg3[%mul3A_7, %dma_wait3A_53] : memref<10112x16xf32, #tpu.memory_space<hbm>> -> memref<632x16xf32, #tpu.memory_space<hbm>>
      tpu.wait_dma2 semaphore(%run_scoped3A : memref<!tpu.dma_semaphore, #tpu.memory_space<semaphore_mem>>) src(%dma_wait3A_54 : memref<632x16xf32, #tpu.memory_space<hbm>>) dst(%dma_wait3A_52 : memref<632x16xf32, #tpu.memory_space<vmem_shared>>)
      tpu.yield
    }) : () -> ()
    %barrier3A = arith.constant 0 : index
    tpu.barrier barrier_id(%barrier3A)
    %scan3A_10 = arith.constant 0 : i32
    %scan3A_11 = arith.constant 0 : i32
    %scan3A_12 = arith.constant 40 : i32
    %scan3A_13 = arith.addi %scan3A_11, %scan3A_12 : i32
    %scan3A_14 = arith.constant 1 : i32
    scf.for %scan3A_48 = %scan3A_11 to %scan3A_13 step %scan3A_14  : i32 {
      %mul3A_49 = arith.constant 4 : i32
      %mul3A_50 = arith.muli %scan3A_48, %mul3A_49 : i32
      %add3A_51 = arith.constant 0 : i32
      %add3A_52 = arith.addi %mul3A_50, %add3A_51 : i32
      %ge3A = arith.constant 4 : i32
      %ge3A_53 = arith.cmpi sge, %add3A_52, %ge3A : i32
      %convert_element_type3A = arith.extui %ge3A_53 : i1 to i32
      %cond3A = arith.constant 0 : i32
      %cond3A_54 = arith.cmpi ne, %convert_element_type3A, %cond3A : i32
      scf.if %cond3A_54 {
        %sub3A = arith.constant 4 : i32
        %sub3A_105 = arith.subi %add3A_52, %sub3A : i32
        %dma_wait3A_106 = arith.constant 0 : i32
        %dma_wait3A_107 = tpu.memref_slice %arg7[%sub3A_105, %dma_wait3A_106] : memref<160x64xi32, #tpu.memory_space<vmem>> -> memref<1x64xi32, #tpu.memory_space<vmem>>
        %dma_wait3A_108 = tpu.memref_squeeze %dma_wait3A_107 : memref<1x64xi32, #tpu.memory_space<vmem>> -> memref<64xi32, #tpu.memory_space<vmem>>
        %dma_wait3A_109 = arith.constant 0 : i32
        %dma_wait3A_110 = arith.constant 0 : i32
        %dma_wait3A_111 = tpu.memref_slice %arg5[%dma_wait3A_109, %dma_wait3A_110] : memref<10112x16xf32, #tpu.memory_space<vmem_shared>> -> memref<10112x16xf32, #tpu.memory_space<vmem_shared>>
        tpu.wait_indirect_dma semaphore(%arg8 : memref<!tpu.dma_semaphore, #tpu.memory_space<semaphore_mem>>) src(%arg6 : memref<64x16xf32, #tpu.memory_space<vmem>>) dst(%dma_wait3A_111 : memref<10112x16xf32, #tpu.memory_space<vmem_shared>>)
      } else {
      }
      %dma_start3A = arith.constant 0 : i32
      %dma_start3A_55 = tpu.memref_slice %arg7[%add3A_52, %dma_start3A] : memref<160x64xi32, #tpu.memory_space<vmem>> -> memref<1x64xi32, #tpu.memory_space<vmem>>
      %dma_start3A_56 = tpu.memref_squeeze %dma_start3A_55 : memref<1x64xi32, #tpu.memory_space<vmem>> -> memref<64xi32, #tpu.memory_space<vmem>>
      %dma_start3A_57 = arith.constant 0 : i32
      %dma_start3A_58 = arith.constant 0 : i32
      %dma_start3A_59 = tpu.memref_slice %arg5[%dma_start3A_57, %dma_start3A_58] : memref<10112x16xf32, #tpu.memory_space<vmem_shared>> -> memref<10112x16xf32, #tpu.memory_space<vmem_shared>>
      tpu.enqueue_indirect_dma source(%arg6 : memref<64x16xf32, #tpu.memory_space<vmem>>) target(%dma_start3A_59 : memref<10112x16xf32, #tpu.memory_space<vmem_shared>>) offsets(%dma_start3A_56 : memref<64xi32, #tpu.memory_space<vmem>>) semaphore(%arg8 : memref<!tpu.dma_semaphore, #tpu.memory_space<semaphore_mem>>) {add = true}
      %mul3A_60 = arith.constant 4 : i32
      %mul3A_61 = arith.muli %scan3A_48, %mul3A_60 : i32
      %add3A_62 = arith.constant 1 : i32
      %add3A_63 = arith.addi %mul3A_61, %add3A_62 : i32
      %ge3A_64 = arith.constant 4 : i32
      %ge3A_65 = arith.cmpi sge, %add3A_63, %ge3A_64 : i32
      %convert_element_type3A_66 = arith.extui %ge3A_65 : i1 to i32
      %cond3A_67 = arith.constant 0 : i32
      %cond3A_68 = arith.cmpi ne, %convert_element_type3A_66, %cond3A_67 : i32
      scf.if %cond3A_68 {
        %sub3A = arith.constant 4 : i32
        %sub3A_105 = arith.subi %add3A_63, %sub3A : i32
        %dma_wait3A_106 = arith.constant 0 : i32
        %dma_wait3A_107 = tpu.memref_slice %arg7[%sub3A_105, %dma_wait3A_106] : memref<160x64xi32, #tpu.memory_space<vmem>> -> memref<1x64xi32, #tpu.memory_space<vmem>>
        %dma_wait3A_108 = tpu.memref_squeeze %dma_wait3A_107 : memref<1x64xi32, #tpu.memory_space<vmem>> -> memref<64xi32, #tpu.memory_space<vmem>>
        %dma_wait3A_109 = arith.constant 0 : i32
        %dma_wait3A_110 = arith.constant 0 : i32
        %dma_wait3A_111 = tpu.memref_slice %arg5[%dma_wait3A_109, %dma_wait3A_110] : memref<10112x16xf32, #tpu.memory_space<vmem_shared>> -> memref<10112x16xf32, #tpu.memory_space<vmem_shared>>
        tpu.wait_indirect_dma semaphore(%arg9 : memref<!tpu.dma_semaphore, #tpu.memory_space<semaphore_mem>>) src(%arg6 : memref<64x16xf32, #tpu.memory_space<vmem>>) dst(%dma_wait3A_111 : memref<10112x16xf32, #tpu.memory_space<vmem_shared>>)
      } else {
      }
      %dma_start3A_69 = arith.constant 0 : i32
      %dma_start3A_70 = tpu.memref_slice %arg7[%add3A_63, %dma_start3A_69] : memref<160x64xi32, #tpu.memory_space<vmem>> -> memref<1x64xi32, #tpu.memory_space<vmem>>
      %dma_start3A_71 = tpu.memref_squeeze %dma_start3A_70 : memref<1x64xi32, #tpu.memory_space<vmem>> -> memref<64xi32, #tpu.memory_space<vmem>>
      %dma_start3A_72 = arith.constant 0 : i32
      %dma_start3A_73 = arith.constant 0 : i32
      %dma_start3A_74 = tpu.memref_slice %arg5[%dma_start3A_72, %dma_start3A_73] : memref<10112x16xf32, #tpu.memory_space<vmem_shared>> -> memref<10112x16xf32, #tpu.memory_space<vmem_shared>>
      tpu.enqueue_indirect_dma source(%arg6 : memref<64x16xf32, #tpu.memory_space<vmem>>) target(%dma_start3A_74 : memref<10112x16xf32, #tpu.memory_space<vmem_shared>>) offsets(%dma_start3A_71 : memref<64xi32, #tpu.memory_space<vmem>>) semaphore(%arg9 : memref<!tpu.dma_semaphore, #tpu.memory_space<semaphore_mem>>) {add = true}
      %mul3A_75 = arith.constant 4 : i32
      %mul3A_76 = arith.muli %scan3A_48, %mul3A_75 : i32
      %add3A_77 = arith.constant 2 : i32
      %add3A_78 = arith.addi %mul3A_76, %add3A_77 : i32
      %ge3A_79 = arith.constant 4 : i32
      %ge3A_80 = arith.cmpi sge, %add3A_78, %ge3A_79 : i32
      %convert_element_type3A_81 = arith.extui %ge3A_80 : i1 to i32
      %cond3A_82 = arith.constant 0 : i32
      %cond3A_83 = arith.cmpi ne, %convert_element_type3A_81, %cond3A_82 : i32
      scf.if %cond3A_83 {
        %sub3A = arith.constant 4 : i32
        %sub3A_105 = arith.subi %add3A_78, %sub3A : i32
        %dma_wait3A_106 = arith.constant 0 : i32
        %dma_wait3A_107 = tpu.memref_slice %arg7[%sub3A_105, %dma_wait3A_106] : memref<160x64xi32, #tpu.memory_space<vmem>> -> memref<1x64xi32, #tpu.memory_space<vmem>>
        %dma_wait3A_108 = tpu.memref_squeeze %dma_wait3A_107 : memref<1x64xi32, #tpu.memory_space<vmem>> -> memref<64xi32, #tpu.memory_space<vmem>>
        %dma_wait3A_109 = arith.constant 0 : i32
        %dma_wait3A_110 = arith.constant 0 : i32
        %dma_wait3A_111 = tpu.memref_slice %arg5[%dma_wait3A_109, %dma_wait3A_110] : memref<10112x16xf32, #tpu.memory_space<vmem_shared>> -> memref<10112x16xf32, #tpu.memory_space<vmem_shared>>
        tpu.wait_indirect_dma semaphore(%arg10 : memref<!tpu.dma_semaphore, #tpu.memory_space<semaphore_mem>>) src(%arg6 : memref<64x16xf32, #tpu.memory_space<vmem>>) dst(%dma_wait3A_111 : memref<10112x16xf32, #tpu.memory_space<vmem_shared>>)
      } else {
      }
      %dma_start3A_84 = arith.constant 0 : i32
      %dma_start3A_85 = tpu.memref_slice %arg7[%add3A_78, %dma_start3A_84] : memref<160x64xi32, #tpu.memory_space<vmem>> -> memref<1x64xi32, #tpu.memory_space<vmem>>
      %dma_start3A_86 = tpu.memref_squeeze %dma_start3A_85 : memref<1x64xi32, #tpu.memory_space<vmem>> -> memref<64xi32, #tpu.memory_space<vmem>>
      %dma_start3A_87 = arith.constant 0 : i32
      %dma_start3A_88 = arith.constant 0 : i32
      %dma_start3A_89 = tpu.memref_slice %arg5[%dma_start3A_87, %dma_start3A_88] : memref<10112x16xf32, #tpu.memory_space<vmem_shared>> -> memref<10112x16xf32, #tpu.memory_space<vmem_shared>>
      tpu.enqueue_indirect_dma source(%arg6 : memref<64x16xf32, #tpu.memory_space<vmem>>) target(%dma_start3A_89 : memref<10112x16xf32, #tpu.memory_space<vmem_shared>>) offsets(%dma_start3A_86 : memref<64xi32, #tpu.memory_space<vmem>>) semaphore(%arg10 : memref<!tpu.dma_semaphore, #tpu.memory_space<semaphore_mem>>) {add = true}
      %mul3A_90 = arith.constant 4 : i32
      %mul3A_91 = arith.muli %scan3A_48, %mul3A_90 : i32
      %add3A_92 = arith.constant 3 : i32
      %add3A_93 = arith.addi %mul3A_91, %add3A_92 : i32
      %ge3A_94 = arith.constant 4 : i32
      %ge3A_95 = arith.cmpi sge, %add3A_93, %ge3A_94 : i32
      %convert_element_type3A_96 = arith.extui %ge3A_95 : i1 to i32
      %cond3A_97 = arith.constant 0 : i32
      %cond3A_98 = arith.cmpi ne, %convert_element_type3A_96, %cond3A_97 : i32
      scf.if %cond3A_98 {
        %sub3A = arith.constant 4 : i32
        %sub3A_105 = arith.subi %add3A_93, %sub3A : i32
        %dma_wait3A_106 = arith.constant 0 : i32
        %dma_wait3A_107 = tpu.memref_slice %arg7[%sub3A_105, %dma_wait3A_106] : memref<160x64xi32, #tpu.memory_space<vmem>> -> memref<1x64xi32, #tpu.memory_space<vmem>>
        %dma_wait3A_108 = tpu.memref_squeeze %dma_wait3A_107 : memref<1x64xi32, #tpu.memory_space<vmem>> -> memref<64xi32, #tpu.memory_space<vmem>>
        %dma_wait3A_109 = arith.constant 0 : i32
        %dma_wait3A_110 = arith.constant 0 : i32
        %dma_wait3A_111 = tpu.memref_slice %arg5[%dma_wait3A_109, %dma_wait3A_110] : memref<10112x16xf32, #tpu.memory_space<vmem_shared>> -> memref<10112x16xf32, #tpu.memory_space<vmem_shared>>
        tpu.wait_indirect_dma semaphore(%arg11 : memref<!tpu.dma_semaphore, #tpu.memory_space<semaphore_mem>>) src(%arg6 : memref<64x16xf32, #tpu.memory_space<vmem>>) dst(%dma_wait3A_111 : memref<10112x16xf32, #tpu.memory_space<vmem_shared>>)
      } else {
      }
      %dma_start3A_99 = arith.constant 0 : i32
      %dma_start3A_100 = tpu.memref_slice %arg7[%add3A_93, %dma_start3A_99] : memref<160x64xi32, #tpu.memory_space<vmem>> -> memref<1x64xi32, #tpu.memory_space<vmem>>
      %dma_start3A_101 = tpu.memref_squeeze %dma_start3A_100 : memref<1x64xi32, #tpu.memory_space<vmem>> -> memref<64xi32, #tpu.memory_space<vmem>>
      %dma_start3A_102 = arith.constant 0 : i32
      %dma_start3A_103 = arith.constant 0 : i32
      %dma_start3A_104 = tpu.memref_slice %arg5[%dma_start3A_102, %dma_start3A_103] : memref<10112x16xf32, #tpu.memory_space<vmem_shared>> -> memref<10112x16xf32, #tpu.memory_space<vmem_shared>>
      tpu.enqueue_indirect_dma source(%arg6 : memref<64x16xf32, #tpu.memory_space<vmem>>) target(%dma_start3A_104 : memref<10112x16xf32, #tpu.memory_space<vmem_shared>>) offsets(%dma_start3A_101 : memref<64xi32, #tpu.memory_space<vmem>>) semaphore(%arg11 : memref<!tpu.dma_semaphore, #tpu.memory_space<semaphore_mem>>) {add = true}
    }
    %scan3A_15 = arith.constant 40 : i32
    %dma_wait3A = arith.constant 156 : i32
    %dma_wait3A_16 = arith.constant 0 : i32
    %dma_wait3A_17 = tpu.memref_slice %arg7[%dma_wait3A, %dma_wait3A_16] : memref<160x64xi32, #tpu.memory_space<vmem>> -> memref<1x64xi32, #tpu.memory_space<vmem>>
    %dma_wait3A_18 = tpu.memref_squeeze %dma_wait3A_17 : memref<1x64xi32, #tpu.memory_space<vmem>> -> memref<64xi32, #tpu.memory_space<vmem>>
    %dma_wait3A_19 = arith.constant 0 : i32
    %dma_wait3A_20 = arith.constant 0 : i32
    %dma_wait3A_21 = tpu.memref_slice %arg5[%dma_wait3A_19, %dma_wait3A_20] : memref<10112x16xf32, #tpu.memory_space<vmem_shared>> -> memref<10112x16xf32, #tpu.memory_space<vmem_shared>>
    tpu.wait_indirect_dma semaphore(%arg8 : memref<!tpu.dma_semaphore, #tpu.memory_space<semaphore_mem>>) src(%arg6 : memref<64x16xf32, #tpu.memory_space<vmem>>) dst(%dma_wait3A_21 : memref<10112x16xf32, #tpu.memory_space<vmem_shared>>)
    %dma_wait3A_22 = arith.constant 157 : i32
    %dma_wait3A_23 = arith.constant 0 : i32
    %dma_wait3A_24 = tpu.memref_slice %arg7[%dma_wait3A_22, %dma_wait3A_23] : memref<160x64xi32, #tpu.memory_space<vmem>> -> memref<1x64xi32, #tpu.memory_space<vmem>>
    %dma_wait3A_25 = tpu.memref_squeeze %dma_wait3A_24 : memref<1x64xi32, #tpu.memory_space<vmem>> -> memref<64xi32, #tpu.memory_space<vmem>>
    %dma_wait3A_26 = arith.constant 0 : i32
    %dma_wait3A_27 = arith.constant 0 : i32
    %dma_wait3A_28 = tpu.memref_slice %arg5[%dma_wait3A_26, %dma_wait3A_27] : memref<10112x16xf32, #tpu.memory_space<vmem_shared>> -> memref<10112x16xf32, #tpu.memory_space<vmem_shared>>
    tpu.wait_indirect_dma semaphore(%arg9 : memref<!tpu.dma_semaphore, #tpu.memory_space<semaphore_mem>>) src(%arg6 : memref<64x16xf32, #tpu.memory_space<vmem>>) dst(%dma_wait3A_28 : memref<10112x16xf32, #tpu.memory_space<vmem_shared>>)
    %dma_wait3A_29 = arith.constant 158 : i32
    %dma_wait3A_30 = arith.constant 0 : i32
    %dma_wait3A_31 = tpu.memref_slice %arg7[%dma_wait3A_29, %dma_wait3A_30] : memref<160x64xi32, #tpu.memory_space<vmem>> -> memref<1x64xi32, #tpu.memory_space<vmem>>
    %dma_wait3A_32 = tpu.memref_squeeze %dma_wait3A_31 : memref<1x64xi32, #tpu.memory_space<vmem>> -> memref<64xi32, #tpu.memory_space<vmem>>
    %dma_wait3A_33 = arith.constant 0 : i32
    %dma_wait3A_34 = arith.constant 0 : i32
    %dma_wait3A_35 = tpu.memref_slice %arg5[%dma_wait3A_33, %dma_wait3A_34] : memref<10112x16xf32, #tpu.memory_space<vmem_shared>> -> memref<10112x16xf32, #tpu.memory_space<vmem_shared>>
    tpu.wait_indirect_dma semaphore(%arg10 : memref<!tpu.dma_semaphore, #tpu.memory_space<semaphore_mem>>) src(%arg6 : memref<64x16xf32, #tpu.memory_space<vmem>>) dst(%dma_wait3A_35 : memref<10112x16xf32, #tpu.memory_space<vmem_shared>>)
    %dma_wait3A_36 = arith.constant 159 : i32
    %dma_wait3A_37 = arith.constant 0 : i32
    %dma_wait3A_38 = tpu.memref_slice %arg7[%dma_wait3A_36, %dma_wait3A_37] : memref<160x64xi32, #tpu.memory_space<vmem>> -> memref<1x64xi32, #tpu.memory_space<vmem>>
    %dma_wait3A_39 = tpu.memref_squeeze %dma_wait3A_38 : memref<1x64xi32, #tpu.memory_space<vmem>> -> memref<64xi32, #tpu.memory_space<vmem>>
    %dma_wait3A_40 = arith.constant 0 : i32
    %dma_wait3A_41 = arith.constant 0 : i32
    %dma_wait3A_42 = tpu.memref_slice %arg5[%dma_wait3A_40, %dma_wait3A_41] : memref<10112x16xf32, #tpu.memory_space<vmem_shared>> -> memref<10112x16xf32, #tpu.memory_space<vmem_shared>>
    tpu.wait_indirect_dma semaphore(%arg11 : memref<!tpu.dma_semaphore, #tpu.memory_space<semaphore_mem>>) src(%arg6 : memref<64x16xf32, #tpu.memory_space<vmem>>) dst(%dma_wait3A_42 : memref<10112x16xf32, #tpu.memory_space<vmem_shared>>)
    %barrier3A_43 = arith.constant 0 : index
    tpu.barrier barrier_id(%barrier3A_43)
    %mul3A_44 = arith.constant 632 : i32
    %mul3A_45 = arith.muli %arg1, %mul3A_44 : i32
    %mul3A_46 = arith.constant 632 : i32
    %mul3A_47 = arith.muli %arg1, %mul3A_46 : i32
    "tpu.region"() ({
      %run_scoped3A = tpu.sem_alloc : memref<!tpu.dma_semaphore, #tpu.memory_space<semaphore_mem>>
      %dma_start3A = arith.constant 0 : i32
      %dma_start3A_48 = tpu.memref_slice %arg4[%arg0, %mul3A_47, %dma_start3A] : memref<2x10112x16xf32, #tpu.memory_space<hbm>> -> memref<1x632x16xf32, #tpu.memory_space<hbm>>
      %dma_start3A_49 = tpu.memref_squeeze %dma_start3A_48 : memref<1x632x16xf32, #tpu.memory_space<hbm>> -> memref<632x16xf32, #tpu.memory_space<hbm>>
      %dma_start3A_50 = arith.constant 0 : i32
      %dma_start3A_51 = tpu.memref_slice %arg5[%mul3A_45, %dma_start3A_50] : memref<10112x16xf32, #tpu.memory_space<vmem_shared>> -> memref<632x16xf32, #tpu.memory_space<vmem_shared>>
      tpu.enqueue_dma source(%dma_start3A_51 : memref<632x16xf32, #tpu.memory_space<vmem_shared>>) target(%dma_start3A_49 : memref<632x16xf32, #tpu.memory_space<hbm>>) target_semaphore(%run_scoped3A : memref<!tpu.dma_semaphore, #tpu.memory_space<semaphore_mem>>)
      %dma_wait3A_52 = arith.constant 0 : i32
      %dma_wait3A_53 = tpu.memref_slice %arg4[%arg0, %mul3A_47, %dma_wait3A_52] : memref<2x10112x16xf32, #tpu.memory_space<hbm>> -> memref<1x632x16xf32, #tpu.memory_space<hbm>>
      %dma_wait3A_54 = tpu.memref_squeeze %dma_wait3A_53 : memref<1x632x16xf32, #tpu.memory_space<hbm>> -> memref<632x16xf32, #tpu.memory_space<hbm>>
      %dma_wait3A_55 = arith.constant 0 : i32
      %dma_wait3A_56 = tpu.memref_slice %arg5[%mul3A_45, %dma_wait3A_55] : memref<10112x16xf32, #tpu.memory_space<vmem_shared>> -> memref<632x16xf32, #tpu.memory_space<vmem_shared>>
      tpu.wait_dma2 semaphore(%run_scoped3A : memref<!tpu.dma_semaphore, #tpu.memory_space<semaphore_mem>>) src(%dma_wait3A_56 : memref<632x16xf32, #tpu.memory_space<vmem_shared>>) dst(%dma_wait3A_54 : memref<632x16xf32, #tpu.memory_space<hbm>>)
      tpu.yield
    }) : () -> ()
    return
  }
}

#map = affine_map<(d0, d1) -> (0, 0, 0)>
#map1 = affine_map<(d0, d1) -> (0, 0)>
module attributes {stable_mosaic.version = 14 : i64} {
  func.func @_agg_sc(%arg0: i32, %arg1: i32, %arg2: memref<2x10000x64xf32, #tpu.memory_space<hbm>>, %arg3: memref<16x160x128xi32, #tpu.memory_space<hbm>>, %arg4: memref<16x160x128xi32, #tpu.memory_space<hbm>>, %arg5: memref<10112x64xf32, #tpu.memory_space<hbm>>, %arg6: memref<2x10112x64xf32, #tpu.memory_space<hbm>>, %arg7: memref<10112x64xf32, #tpu.memory_space<vmem_shared>>, %arg8: memref<128x64xf32, #tpu.memory_space<vmem>>, %arg9: memref<128x64xf32, #tpu.memory_space<vmem>>, %arg10: memref<128x64xf32, #tpu.memory_space<vmem>>, %arg11: memref<128x64xf32, #tpu.memory_space<vmem>>, %arg12: memref<128x64xf32, #tpu.memory_space<vmem>>, %arg13: memref<160x128xi32, #tpu.memory_space<vmem>>, %arg14: memref<160x128xi32, #tpu.memory_space<vmem>>, %arg15: memref<!tpu.dma_semaphore, #tpu.memory_space<semaphore_mem>>, %arg16: memref<!tpu.dma_semaphore, #tpu.memory_space<semaphore_mem>>, %arg17: memref<!tpu.dma_semaphore, #tpu.memory_space<semaphore_mem>>, %arg18: memref<!tpu.dma_semaphore, #tpu.memory_space<semaphore_mem>>, %arg19: memref<!tpu.dma_semaphore, #tpu.memory_space<semaphore_mem>>, %arg20: memref<!tpu.dma_semaphore, #tpu.memory_space<semaphore_mem>>, %arg21: memref<!tpu.dma_semaphore, #tpu.memory_space<semaphore_mem>>, %arg22: memref<!tpu.dma_semaphore, #tpu.memory_space<semaphore_mem>>, %arg23: memref<!tpu.dma_semaphore, #tpu.memory_space<semaphore_mem>>, %arg24: memref<!tpu.dma_semaphore, #tpu.memory_space<semaphore_mem>>) attributes {dimension_semantics = [#tpu.dimension_semantics<core_parallel>, #tpu.dimension_semantics<subcore_parallel>], iteration_bounds = array<i64: 2, 16>, scalar_prefetch = 0 : i64, scratch_operands = 18 : i64, tpu.core_type = #tpu.core_type<sc_vector_subcore>, window_params = [{transform_indices = #map}, {transform_indices = #map}, {transform_indices = #map}, {transform_indices = #map1}, {transform_indices = #map}]} {
    "tpu.region"() ({
      %run_scoped3A = tpu.sem_alloc : memref<!tpu.dma_semaphore, #tpu.memory_space<semaphore_mem>>
      %dma_start3A_101 = arith.constant 0 : i32
      %dma_start3A_102 = arith.constant 0 : i32
      %dma_start3A_103 = tpu.memref_slice %arg3[%arg1, %dma_start3A_101, %dma_start3A_102] : memref<16x160x128xi32, #tpu.memory_space<hbm>> -> memref<1x160x128xi32, #tpu.memory_space<hbm>>
      %dma_start3A_104 = tpu.memref_squeeze %dma_start3A_103 : memref<1x160x128xi32, #tpu.memory_space<hbm>> -> memref<160x128xi32, #tpu.memory_space<hbm>>
      %dma_start3A_105 = arith.constant 0 : i32
      %dma_start3A_106 = arith.constant 0 : i32
      %dma_start3A_107 = tpu.memref_slice %arg3[%arg1, %dma_start3A_105, %dma_start3A_106] : memref<16x160x128xi32, #tpu.memory_space<hbm>> -> memref<1x160x128xi32, #tpu.memory_space<hbm>>
      %dma_start3A_108 = tpu.memref_squeeze %dma_start3A_107 : memref<1x160x128xi32, #tpu.memory_space<hbm>> -> memref<160x128xi32, #tpu.memory_space<hbm>>
      tpu.enqueue_dma source(%dma_start3A_108 : memref<160x128xi32, #tpu.memory_space<hbm>>) target(%arg13 : memref<160x128xi32, #tpu.memory_space<vmem>>) target_semaphore(%run_scoped3A : memref<!tpu.dma_semaphore, #tpu.memory_space<semaphore_mem>>)
      %dma_wait3A_109 = arith.constant 0 : i32
      %dma_wait3A_110 = arith.constant 0 : i32
      %dma_wait3A_111 = tpu.memref_slice %arg3[%arg1, %dma_wait3A_109, %dma_wait3A_110] : memref<16x160x128xi32, #tpu.memory_space<hbm>> -> memref<1x160x128xi32, #tpu.memory_space<hbm>>
      %dma_wait3A_112 = tpu.memref_squeeze %dma_wait3A_111 : memref<1x160x128xi32, #tpu.memory_space<hbm>> -> memref<160x128xi32, #tpu.memory_space<hbm>>
      %dma_wait3A_113 = arith.constant 0 : i32
      %dma_wait3A_114 = arith.constant 0 : i32
      %dma_wait3A_115 = tpu.memref_slice %arg3[%arg1, %dma_wait3A_113, %dma_wait3A_114] : memref<16x160x128xi32, #tpu.memory_space<hbm>> -> memref<1x160x128xi32, #tpu.memory_space<hbm>>
      %dma_wait3A_116 = tpu.memref_squeeze %dma_wait3A_115 : memref<1x160x128xi32, #tpu.memory_space<hbm>> -> memref<160x128xi32, #tpu.memory_space<hbm>>
      tpu.wait_dma2 semaphore(%run_scoped3A : memref<!tpu.dma_semaphore, #tpu.memory_space<semaphore_mem>>) src(%dma_wait3A_116 : memref<160x128xi32, #tpu.memory_space<hbm>>) dst(%arg13 : memref<160x128xi32, #tpu.memory_space<vmem>>)
      tpu.yield
    }) : () -> ()
    "tpu.region"() ({
      %run_scoped3A = tpu.sem_alloc : memref<!tpu.dma_semaphore, #tpu.memory_space<semaphore_mem>>
      %dma_start3A_101 = arith.constant 0 : i32
      %dma_start3A_102 = arith.constant 0 : i32
      %dma_start3A_103 = tpu.memref_slice %arg4[%arg1, %dma_start3A_101, %dma_start3A_102] : memref<16x160x128xi32, #tpu.memory_space<hbm>> -> memref<1x160x128xi32, #tpu.memory_space<hbm>>
      %dma_start3A_104 = tpu.memref_squeeze %dma_start3A_103 : memref<1x160x128xi32, #tpu.memory_space<hbm>> -> memref<160x128xi32, #tpu.memory_space<hbm>>
      %dma_start3A_105 = arith.constant 0 : i32
      %dma_start3A_106 = arith.constant 0 : i32
      %dma_start3A_107 = tpu.memref_slice %arg4[%arg1, %dma_start3A_105, %dma_start3A_106] : memref<16x160x128xi32, #tpu.memory_space<hbm>> -> memref<1x160x128xi32, #tpu.memory_space<hbm>>
      %dma_start3A_108 = tpu.memref_squeeze %dma_start3A_107 : memref<1x160x128xi32, #tpu.memory_space<hbm>> -> memref<160x128xi32, #tpu.memory_space<hbm>>
      tpu.enqueue_dma source(%dma_start3A_108 : memref<160x128xi32, #tpu.memory_space<hbm>>) target(%arg14 : memref<160x128xi32, #tpu.memory_space<vmem>>) target_semaphore(%run_scoped3A : memref<!tpu.dma_semaphore, #tpu.memory_space<semaphore_mem>>)
      %dma_wait3A_109 = arith.constant 0 : i32
      %dma_wait3A_110 = arith.constant 0 : i32
      %dma_wait3A_111 = tpu.memref_slice %arg4[%arg1, %dma_wait3A_109, %dma_wait3A_110] : memref<16x160x128xi32, #tpu.memory_space<hbm>> -> memref<1x160x128xi32, #tpu.memory_space<hbm>>
      %dma_wait3A_112 = tpu.memref_squeeze %dma_wait3A_111 : memref<1x160x128xi32, #tpu.memory_space<hbm>> -> memref<160x128xi32, #tpu.memory_space<hbm>>
      %dma_wait3A_113 = arith.constant 0 : i32
      %dma_wait3A_114 = arith.constant 0 : i32
      %dma_wait3A_115 = tpu.memref_slice %arg4[%arg1, %dma_wait3A_113, %dma_wait3A_114] : memref<16x160x128xi32, #tpu.memory_space<hbm>> -> memref<1x160x128xi32, #tpu.memory_space<hbm>>
      %dma_wait3A_116 = tpu.memref_squeeze %dma_wait3A_115 : memref<1x160x128xi32, #tpu.memory_space<hbm>> -> memref<160x128xi32, #tpu.memory_space<hbm>>
      tpu.wait_dma2 semaphore(%run_scoped3A : memref<!tpu.dma_semaphore, #tpu.memory_space<semaphore_mem>>) src(%dma_wait3A_116 : memref<160x128xi32, #tpu.memory_space<hbm>>) dst(%arg14 : memref<160x128xi32, #tpu.memory_space<vmem>>)
      tpu.yield
    }) : () -> ()
    %mul3A = arith.constant 632 : i32
    %mul3A_0 = arith.muli %arg1, %mul3A : i32
    %mul3A_1 = arith.constant 632 : i32
    %mul3A_2 = arith.muli %arg1, %mul3A_1 : i32
    "tpu.region"() ({
      %run_scoped3A = tpu.sem_alloc : memref<!tpu.dma_semaphore, #tpu.memory_space<semaphore_mem>>
      %dma_start3A_101 = arith.constant 0 : i32
      %dma_start3A_102 = tpu.memref_slice %arg7[%mul3A_2, %dma_start3A_101] : memref<10112x64xf32, #tpu.memory_space<vmem_shared>> -> memref<632x64xf32, #tpu.memory_space<vmem_shared>>
      %dma_start3A_103 = arith.constant 0 : i32
      %dma_start3A_104 = tpu.memref_slice %arg5[%mul3A_0, %dma_start3A_103] : memref<10112x64xf32, #tpu.memory_space<hbm>> -> memref<632x64xf32, #tpu.memory_space<hbm>>
      tpu.enqueue_dma source(%dma_start3A_104 : memref<632x64xf32, #tpu.memory_space<hbm>>) target(%dma_start3A_102 : memref<632x64xf32, #tpu.memory_space<vmem_shared>>) target_semaphore(%run_scoped3A : memref<!tpu.dma_semaphore, #tpu.memory_space<semaphore_mem>>)
      %dma_wait3A_105 = arith.constant 0 : i32
      %dma_wait3A_106 = tpu.memref_slice %arg7[%mul3A_2, %dma_wait3A_105] : memref<10112x64xf32, #tpu.memory_space<vmem_shared>> -> memref<632x64xf32, #tpu.memory_space<vmem_shared>>
      %dma_wait3A_107 = arith.constant 0 : i32
      %dma_wait3A_108 = tpu.memref_slice %arg5[%mul3A_0, %dma_wait3A_107] : memref<10112x64xf32, #tpu.memory_space<hbm>> -> memref<632x64xf32, #tpu.memory_space<hbm>>
      tpu.wait_dma2 semaphore(%run_scoped3A : memref<!tpu.dma_semaphore, #tpu.memory_space<semaphore_mem>>) src(%dma_wait3A_108 : memref<632x64xf32, #tpu.memory_space<hbm>>) dst(%dma_wait3A_106 : memref<632x64xf32, #tpu.memory_space<vmem_shared>>)
      tpu.yield
    }) : () -> ()
    %barrier3A = arith.constant 0 : index
    tpu.barrier barrier_id(%barrier3A)
    %dma_start3A = arith.constant 0 : i32
    %dma_start3A_3 = arith.constant 0 : i32
    %dma_start3A_4 = tpu.memref_slice %arg13[%dma_start3A, %dma_start3A_3] : memref<160x128xi32, #tpu.memory_space<vmem>> -> memref<1x128xi32, #tpu.memory_space<vmem>>
    %dma_start3A_5 = tpu.memref_squeeze %dma_start3A_4 : memref<1x128xi32, #tpu.memory_space<vmem>> -> memref<128xi32, #tpu.memory_space<vmem>>
    %dma_start3A_6 = arith.constant 0 : i32
    %dma_start3A_7 = arith.constant 0 : i32
    %dma_start3A_8 = tpu.memref_slice %arg2[%arg0, %dma_start3A_6, %dma_start3A_7] : memref<2x10000x64xf32, #tpu.memory_space<hbm>> -> memref<1x10000x64xf32, #tpu.memory_space<hbm>>
    %dma_start3A_9 = tpu.memref_squeeze %dma_start3A_8 : memref<1x10000x64xf32, #tpu.memory_space<hbm>> -> memref<10000x64xf32, #tpu.memory_space<hbm>>
    %dma_start3A_10 = arith.constant 0 : i32
    %dma_start3A_11 = arith.constant 0 : i32
    %dma_start3A_12 = tpu.memref_slice %dma_start3A_9[%dma_start3A_10, %dma_start3A_11] : memref<10000x64xf32, #tpu.memory_space<hbm>> -> memref<10000x64xf32, #tpu.memory_space<hbm>>
    tpu.enqueue_indirect_dma source(%dma_start3A_12 : memref<10000x64xf32, #tpu.memory_space<hbm>>) target(%arg8 : memref<128x64xf32, #tpu.memory_space<vmem>>) offsets(%dma_start3A_5 : memref<128xi32, #tpu.memory_space<vmem>>) semaphore(%arg15 : memref<!tpu.dma_semaphore, #tpu.memory_space<semaphore_mem>>)
    %dma_start3A_13 = arith.constant 1 : i32
    %dma_start3A_14 = arith.constant 0 : i32
    %dma_start3A_15 = tpu.memref_slice %arg13[%dma_start3A_13, %dma_start3A_14] : memref<160x128xi32, #tpu.memory_space<vmem>> -> memref<1x128xi32, #tpu.memory_space<vmem>>
    %dma_start3A_16 = tpu.memref_squeeze %dma_start3A_15 : memref<1x128xi32, #tpu.memory_space<vmem>> -> memref<128xi32, #tpu.memory_space<vmem>>
    %dma_start3A_17 = arith.constant 0 : i32
    %dma_start3A_18 = arith.constant 0 : i32
    %dma_start3A_19 = tpu.memref_slice %arg2[%arg0, %dma_start3A_17, %dma_start3A_18] : memref<2x10000x64xf32, #tpu.memory_space<hbm>> -> memref<1x10000x64xf32, #tpu.memory_space<hbm>>
    %dma_start3A_20 = tpu.memref_squeeze %dma_start3A_19 : memref<1x10000x64xf32, #tpu.memory_space<hbm>> -> memref<10000x64xf32, #tpu.memory_space<hbm>>
    %dma_start3A_21 = arith.constant 0 : i32
    %dma_start3A_22 = arith.constant 0 : i32
    %dma_start3A_23 = tpu.memref_slice %dma_start3A_20[%dma_start3A_21, %dma_start3A_22] : memref<10000x64xf32, #tpu.memory_space<hbm>> -> memref<10000x64xf32, #tpu.memory_space<hbm>>
    tpu.enqueue_indirect_dma source(%dma_start3A_23 : memref<10000x64xf32, #tpu.memory_space<hbm>>) target(%arg9 : memref<128x64xf32, #tpu.memory_space<vmem>>) offsets(%dma_start3A_16 : memref<128xi32, #tpu.memory_space<vmem>>) semaphore(%arg16 : memref<!tpu.dma_semaphore, #tpu.memory_space<semaphore_mem>>)
    %dma_start3A_24 = arith.constant 2 : i32
    %dma_start3A_25 = arith.constant 0 : i32
    %dma_start3A_26 = tpu.memref_slice %arg13[%dma_start3A_24, %dma_start3A_25] : memref<160x128xi32, #tpu.memory_space<vmem>> -> memref<1x128xi32, #tpu.memory_space<vmem>>
    %dma_start3A_27 = tpu.memref_squeeze %dma_start3A_26 : memref<1x128xi32, #tpu.memory_space<vmem>> -> memref<128xi32, #tpu.memory_space<vmem>>
    %dma_start3A_28 = arith.constant 0 : i32
    %dma_start3A_29 = arith.constant 0 : i32
    %dma_start3A_30 = tpu.memref_slice %arg2[%arg0, %dma_start3A_28, %dma_start3A_29] : memref<2x10000x64xf32, #tpu.memory_space<hbm>> -> memref<1x10000x64xf32, #tpu.memory_space<hbm>>
    %dma_start3A_31 = tpu.memref_squeeze %dma_start3A_30 : memref<1x10000x64xf32, #tpu.memory_space<hbm>> -> memref<10000x64xf32, #tpu.memory_space<hbm>>
    %dma_start3A_32 = arith.constant 0 : i32
    %dma_start3A_33 = arith.constant 0 : i32
    %dma_start3A_34 = tpu.memref_slice %dma_start3A_31[%dma_start3A_32, %dma_start3A_33] : memref<10000x64xf32, #tpu.memory_space<hbm>> -> memref<10000x64xf32, #tpu.memory_space<hbm>>
    tpu.enqueue_indirect_dma source(%dma_start3A_34 : memref<10000x64xf32, #tpu.memory_space<hbm>>) target(%arg10 : memref<128x64xf32, #tpu.memory_space<vmem>>) offsets(%dma_start3A_27 : memref<128xi32, #tpu.memory_space<vmem>>) semaphore(%arg17 : memref<!tpu.dma_semaphore, #tpu.memory_space<semaphore_mem>>)
    %dma_start3A_35 = arith.constant 3 : i32
    %dma_start3A_36 = arith.constant 0 : i32
    %dma_start3A_37 = tpu.memref_slice %arg13[%dma_start3A_35, %dma_start3A_36] : memref<160x128xi32, #tpu.memory_space<vmem>> -> memref<1x128xi32, #tpu.memory_space<vmem>>
    %dma_start3A_38 = tpu.memref_squeeze %dma_start3A_37 : memref<1x128xi32, #tpu.memory_space<vmem>> -> memref<128xi32, #tpu.memory_space<vmem>>
    %dma_start3A_39 = arith.constant 0 : i32
    %dma_start3A_40 = arith.constant 0 : i32
    %dma_start3A_41 = tpu.memref_slice %arg2[%arg0, %dma_start3A_39, %dma_start3A_40] : memref<2x10000x64xf32, #tpu.memory_space<hbm>> -> memref<1x10000x64xf32, #tpu.memory_space<hbm>>
    %dma_start3A_42 = tpu.memref_squeeze %dma_start3A_41 : memref<1x10000x64xf32, #tpu.memory_space<hbm>> -> memref<10000x64xf32, #tpu.memory_space<hbm>>
    %dma_start3A_43 = arith.constant 0 : i32
    %dma_start3A_44 = arith.constant 0 : i32
    %dma_start3A_45 = tpu.memref_slice %dma_start3A_42[%dma_start3A_43, %dma_start3A_44] : memref<10000x64xf32, #tpu.memory_space<hbm>> -> memref<10000x64xf32, #tpu.memory_space<hbm>>
    tpu.enqueue_indirect_dma source(%dma_start3A_45 : memref<10000x64xf32, #tpu.memory_space<hbm>>) target(%arg11 : memref<128x64xf32, #tpu.memory_space<vmem>>) offsets(%dma_start3A_38 : memref<128xi32, #tpu.memory_space<vmem>>) semaphore(%arg18 : memref<!tpu.dma_semaphore, #tpu.memory_space<semaphore_mem>>)
    %dma_start3A_46 = arith.constant 4 : i32
    %dma_start3A_47 = arith.constant 0 : i32
    %dma_start3A_48 = tpu.memref_slice %arg13[%dma_start3A_46, %dma_start3A_47] : memref<160x128xi32, #tpu.memory_space<vmem>> -> memref<1x128xi32, #tpu.memory_space<vmem>>
    %dma_start3A_49 = tpu.memref_squeeze %dma_start3A_48 : memref<1x128xi32, #tpu.memory_space<vmem>> -> memref<128xi32, #tpu.memory_space<vmem>>
    %dma_start3A_50 = arith.constant 0 : i32
    %dma_start3A_51 = arith.constant 0 : i32
    %dma_start3A_52 = tpu.memref_slice %arg2[%arg0, %dma_start3A_50, %dma_start3A_51] : memref<2x10000x64xf32, #tpu.memory_space<hbm>> -> memref<1x10000x64xf32, #tpu.memory_space<hbm>>
    %dma_start3A_53 = tpu.memref_squeeze %dma_start3A_52 : memref<1x10000x64xf32, #tpu.memory_space<hbm>> -> memref<10000x64xf32, #tpu.memory_space<hbm>>
    %dma_start3A_54 = arith.constant 0 : i32
    %dma_start3A_55 = arith.constant 0 : i32
    %dma_start3A_56 = tpu.memref_slice %dma_start3A_53[%dma_start3A_54, %dma_start3A_55] : memref<10000x64xf32, #tpu.memory_space<hbm>> -> memref<10000x64xf32, #tpu.memory_space<hbm>>
    tpu.enqueue_indirect_dma source(%dma_start3A_56 : memref<10000x64xf32, #tpu.memory_space<hbm>>) target(%arg12 : memref<128x64xf32, #tpu.memory_space<vmem>>) offsets(%dma_start3A_49 : memref<128xi32, #tpu.memory_space<vmem>>) semaphore(%arg19 : memref<!tpu.dma_semaphore, #tpu.memory_space<semaphore_mem>>)
    %scan3A = arith.constant 0 : i32
    %scan3A_57 = arith.constant 0 : i32
    %scan3A_58 = arith.constant 32 : i32
    %scan3A_59 = arith.addi %scan3A_57, %scan3A_58 : i32
    %scan3A_60 = arith.constant 1 : i32
    scf.for %scan3A_101 = %scan3A_57 to %scan3A_59 step %scan3A_60  : i32 {
      %mul3A_102 = arith.constant 5 : i32
      %mul3A_103 = arith.muli %scan3A_101, %mul3A_102 : i32
      %add3A = arith.constant 0 : i32
      %add3A_104 = arith.addi %mul3A_103, %add3A : i32
      %dma_wait3A_105 = arith.constant 0 : i32
      %dma_wait3A_106 = tpu.memref_slice %arg13[%add3A_104, %dma_wait3A_105] : memref<160x128xi32, #tpu.memory_space<vmem>> -> memref<1x128xi32, #tpu.memory_space<vmem>>
      %dma_wait3A_107 = tpu.memref_squeeze %dma_wait3A_106 : memref<1x128xi32, #tpu.memory_space<vmem>> -> memref<128xi32, #tpu.memory_space<vmem>>
      %dma_wait3A_108 = arith.constant 0 : i32
      %dma_wait3A_109 = arith.constant 0 : i32
      %dma_wait3A_110 = tpu.memref_slice %arg2[%arg0, %dma_wait3A_108, %dma_wait3A_109] : memref<2x10000x64xf32, #tpu.memory_space<hbm>> -> memref<1x10000x64xf32, #tpu.memory_space<hbm>>
      %dma_wait3A_111 = tpu.memref_squeeze %dma_wait3A_110 : memref<1x10000x64xf32, #tpu.memory_space<hbm>> -> memref<10000x64xf32, #tpu.memory_space<hbm>>
      %dma_wait3A_112 = arith.constant 0 : i32
      %dma_wait3A_113 = arith.constant 0 : i32
      %dma_wait3A_114 = tpu.memref_slice %dma_wait3A_111[%dma_wait3A_112, %dma_wait3A_113] : memref<10000x64xf32, #tpu.memory_space<hbm>> -> memref<10000x64xf32, #tpu.memory_space<hbm>>
      tpu.wait_indirect_dma semaphore(%arg15 : memref<!tpu.dma_semaphore, #tpu.memory_space<semaphore_mem>>) src(%dma_wait3A_114 : memref<10000x64xf32, #tpu.memory_space<hbm>>) dst(%arg8 : memref<128x64xf32, #tpu.memory_space<vmem>>)
      %dma_start3A_115 = arith.constant 0 : i32
      %dma_start3A_116 = tpu.memref_slice %arg14[%add3A_104, %dma_start3A_115] : memref<160x128xi32, #tpu.memory_space<vmem>> -> memref<1x128xi32, #tpu.memory_space<vmem>>
      %dma_start3A_117 = tpu.memref_squeeze %dma_start3A_116 : memref<1x128xi32, #tpu.memory_space<vmem>> -> memref<128xi32, #tpu.memory_space<vmem>>
      %dma_start3A_118 = arith.constant 0 : i32
      %dma_start3A_119 = arith.constant 0 : i32
      %dma_start3A_120 = tpu.memref_slice %arg7[%dma_start3A_118, %dma_start3A_119] : memref<10112x64xf32, #tpu.memory_space<vmem_shared>> -> memref<10112x64xf32, #tpu.memory_space<vmem_shared>>
      tpu.enqueue_indirect_dma source(%arg8 : memref<128x64xf32, #tpu.memory_space<vmem>>) target(%dma_start3A_120 : memref<10112x64xf32, #tpu.memory_space<vmem_shared>>) offsets(%dma_start3A_117 : memref<128xi32, #tpu.memory_space<vmem>>) semaphore(%arg20 : memref<!tpu.dma_semaphore, #tpu.memory_space<semaphore_mem>>) {add = true}
      %ge3A = arith.constant 1 : i32
      %ge3A_121 = arith.cmpi sge, %add3A_104, %ge3A : i32
      %add3A_122 = arith.constant 5 : i32
      %add3A_123 = arith.addi %add3A_104, %add3A_122 : i32
      %sub3A = arith.constant 1 : i32
      %sub3A_124 = arith.subi %add3A_123, %sub3A : i32
      %lt3A = arith.constant 160 : i32
      %lt3A_125 = arith.cmpi slt, %sub3A_124, %lt3A : i32
      %and3A = arith.andi %ge3A_121, %lt3A_125 : i1
      %convert_element_type3A = arith.extui %and3A : i1 to i32
      %cond3A = arith.constant 0 : i32
      %cond3A_126 = arith.cmpi ne, %convert_element_type3A, %cond3A : i32
      scf.if %cond3A_126 {
        %sub3A_255 = arith.constant 1 : i32
        %sub3A_256 = arith.subi %add3A_104, %sub3A_255 : i32
        %dma_wait3A_257 = arith.constant 0 : i32
        %dma_wait3A_258 = tpu.memref_slice %arg14[%sub3A_256, %dma_wait3A_257] : memref<160x128xi32, #tpu.memory_space<vmem>> -> memref<1x128xi32, #tpu.memory_space<vmem>>
        %dma_wait3A_259 = tpu.memref_squeeze %dma_wait3A_258 : memref<1x128xi32, #tpu.memory_space<vmem>> -> memref<128xi32, #tpu.memory_space<vmem>>
        %dma_wait3A_260 = arith.constant 0 : i32
        %dma_wait3A_261 = arith.constant 0 : i32
        %dma_wait3A_262 = tpu.memref_slice %arg7[%dma_wait3A_260, %dma_wait3A_261] : memref<10112x64xf32, #tpu.memory_space<vmem_shared>> -> memref<10112x64xf32, #tpu.memory_space<vmem_shared>>
        tpu.wait_indirect_dma semaphore(%arg24 : memref<!tpu.dma_semaphore, #tpu.memory_space<semaphore_mem>>) src(%arg12 : memref<128x64xf32, #tpu.memory_space<vmem>>) dst(%dma_wait3A_262 : memref<10112x64xf32, #tpu.memory_space<vmem_shared>>)
        %add3A_263 = arith.constant 5 : i32
        %add3A_264 = arith.addi %add3A_104, %add3A_263 : i32
        %sub3A_265 = arith.constant 1 : i32
        %sub3A_266 = arith.subi %add3A_264, %sub3A_265 : i32
        %dma_start3A_267 = arith.constant 0 : i32
        %dma_start3A_268 = tpu.memref_slice %arg13[%sub3A_266, %dma_start3A_267] : memref<160x128xi32, #tpu.memory_space<vmem>> -> memref<1x128xi32, #tpu.memory_space<vmem>>
        %dma_start3A_269 = tpu.memref_squeeze %dma_start3A_268 : memref<1x128xi32, #tpu.memory_space<vmem>> -> memref<128xi32, #tpu.memory_space<vmem>>
        %dma_start3A_270 = arith.constant 0 : i32
        %dma_start3A_271 = arith.constant 0 : i32
        %dma_start3A_272 = tpu.memref_slice %arg2[%arg0, %dma_start3A_270, %dma_start3A_271] : memref<2x10000x64xf32, #tpu.memory_space<hbm>> -> memref<1x10000x64xf32, #tpu.memory_space<hbm>>
        %dma_start3A_273 = tpu.memref_squeeze %dma_start3A_272 : memref<1x10000x64xf32, #tpu.memory_space<hbm>> -> memref<10000x64xf32, #tpu.memory_space<hbm>>
        %dma_start3A_274 = arith.constant 0 : i32
        %dma_start3A_275 = arith.constant 0 : i32
        %dma_start3A_276 = tpu.memref_slice %dma_start3A_273[%dma_start3A_274, %dma_start3A_275] : memref<10000x64xf32, #tpu.memory_space<hbm>> -> memref<10000x64xf32, #tpu.memory_space<hbm>>
        tpu.enqueue_indirect_dma source(%dma_start3A_276 : memref<10000x64xf32, #tpu.memory_space<hbm>>) target(%arg12 : memref<128x64xf32, #tpu.memory_space<vmem>>) offsets(%dma_start3A_269 : memref<128xi32, #tpu.memory_space<vmem>>) semaphore(%arg19 : memref<!tpu.dma_semaphore, #tpu.memory_space<semaphore_mem>>)
      } else {
      }
      %mul3A_127 = arith.constant 5 : i32
      %mul3A_128 = arith.muli %scan3A_101, %mul3A_127 : i32
      %add3A_129 = arith.constant 1 : i32
      %add3A_130 = arith.addi %mul3A_128, %add3A_129 : i32
      %dma_wait3A_131 = arith.constant 0 : i32
      %dma_wait3A_132 = tpu.memref_slice %arg13[%add3A_130, %dma_wait3A_131] : memref<160x128xi32, #tpu.memory_space<vmem>> -> memref<1x128xi32, #tpu.memory_space<vmem>>
      %dma_wait3A_133 = tpu.memref_squeeze %dma_wait3A_132 : memref<1x128xi32, #tpu.memory_space<vmem>> -> memref<128xi32, #tpu.memory_space<vmem>>
      %dma_wait3A_134 = arith.constant 0 : i32
      %dma_wait3A_135 = arith.constant 0 : i32
      %dma_wait3A_136 = tpu.memref_slice %arg2[%arg0, %dma_wait3A_134, %dma_wait3A_135] : memref<2x10000x64xf32, #tpu.memory_space<hbm>> -> memref<1x10000x64xf32, #tpu.memory_space<hbm>>
      %dma_wait3A_137 = tpu.memref_squeeze %dma_wait3A_136 : memref<1x10000x64xf32, #tpu.memory_space<hbm>> -> memref<10000x64xf32, #tpu.memory_space<hbm>>
      %dma_wait3A_138 = arith.constant 0 : i32
      %dma_wait3A_139 = arith.constant 0 : i32
      %dma_wait3A_140 = tpu.memref_slice %dma_wait3A_137[%dma_wait3A_138, %dma_wait3A_139] : memref<10000x64xf32, #tpu.memory_space<hbm>> -> memref<10000x64xf32, #tpu.memory_space<hbm>>
      tpu.wait_indirect_dma semaphore(%arg16 : memref<!tpu.dma_semaphore, #tpu.memory_space<semaphore_mem>>) src(%dma_wait3A_140 : memref<10000x64xf32, #tpu.memory_space<hbm>>) dst(%arg9 : memref<128x64xf32, #tpu.memory_space<vmem>>)
      %dma_start3A_141 = arith.constant 0 : i32
      %dma_start3A_142 = tpu.memref_slice %arg14[%add3A_130, %dma_start3A_141] : memref<160x128xi32, #tpu.memory_space<vmem>> -> memref<1x128xi32, #tpu.memory_space<vmem>>
      %dma_start3A_143 = tpu.memref_squeeze %dma_start3A_142 : memref<1x128xi32, #tpu.memory_space<vmem>> -> memref<128xi32, #tpu.memory_space<vmem>>
      %dma_start3A_144 = arith.constant 0 : i32
      %dma_start3A_145 = arith.constant 0 : i32
      %dma_start3A_146 = tpu.memref_slice %arg7[%dma_start3A_144, %dma_start3A_145] : memref<10112x64xf32, #tpu.memory_space<vmem_shared>> -> memref<10112x64xf32, #tpu.memory_space<vmem_shared>>
      tpu.enqueue_indirect_dma source(%arg9 : memref<128x64xf32, #tpu.memory_space<vmem>>) target(%dma_start3A_146 : memref<10112x64xf32, #tpu.memory_space<vmem_shared>>) offsets(%dma_start3A_143 : memref<128xi32, #tpu.memory_space<vmem>>) semaphore(%arg21 : memref<!tpu.dma_semaphore, #tpu.memory_space<semaphore_mem>>) {add = true}
      %ge3A_147 = arith.constant 1 : i32
      %ge3A_148 = arith.cmpi sge, %add3A_130, %ge3A_147 : i32
      %add3A_149 = arith.constant 5 : i32
      %add3A_150 = arith.addi %add3A_130, %add3A_149 : i32
      %sub3A_151 = arith.constant 1 : i32
      %sub3A_152 = arith.subi %add3A_150, %sub3A_151 : i32
      %lt3A_153 = arith.constant 160 : i32
      %lt3A_154 = arith.cmpi slt, %sub3A_152, %lt3A_153 : i32
      %and3A_155 = arith.andi %ge3A_148, %lt3A_154 : i1
      %convert_element_type3A_156 = arith.extui %and3A_155 : i1 to i32
      %cond3A_157 = arith.constant 0 : i32
      %cond3A_158 = arith.cmpi ne, %convert_element_type3A_156, %cond3A_157 : i32
      scf.if %cond3A_158 {
        %sub3A_255 = arith.constant 1 : i32
        %sub3A_256 = arith.subi %add3A_130, %sub3A_255 : i32
        %dma_wait3A_257 = arith.constant 0 : i32
        %dma_wait3A_258 = tpu.memref_slice %arg14[%sub3A_256, %dma_wait3A_257] : memref<160x128xi32, #tpu.memory_space<vmem>> -> memref<1x128xi32, #tpu.memory_space<vmem>>
        %dma_wait3A_259 = tpu.memref_squeeze %dma_wait3A_258 : memref<1x128xi32, #tpu.memory_space<vmem>> -> memref<128xi32, #tpu.memory_space<vmem>>
        %dma_wait3A_260 = arith.constant 0 : i32
        %dma_wait3A_261 = arith.constant 0 : i32
        %dma_wait3A_262 = tpu.memref_slice %arg7[%dma_wait3A_260, %dma_wait3A_261] : memref<10112x64xf32, #tpu.memory_space<vmem_shared>> -> memref<10112x64xf32, #tpu.memory_space<vmem_shared>>
        tpu.wait_indirect_dma semaphore(%arg20 : memref<!tpu.dma_semaphore, #tpu.memory_space<semaphore_mem>>) src(%arg8 : memref<128x64xf32, #tpu.memory_space<vmem>>) dst(%dma_wait3A_262 : memref<10112x64xf32, #tpu.memory_space<vmem_shared>>)
        %add3A_263 = arith.constant 5 : i32
        %add3A_264 = arith.addi %add3A_130, %add3A_263 : i32
        %sub3A_265 = arith.constant 1 : i32
        %sub3A_266 = arith.subi %add3A_264, %sub3A_265 : i32
        %dma_start3A_267 = arith.constant 0 : i32
        %dma_start3A_268 = tpu.memref_slice %arg13[%sub3A_266, %dma_start3A_267] : memref<160x128xi32, #tpu.memory_space<vmem>> -> memref<1x128xi32, #tpu.memory_space<vmem>>
        %dma_start3A_269 = tpu.memref_squeeze %dma_start3A_268 : memref<1x128xi32, #tpu.memory_space<vmem>> -> memref<128xi32, #tpu.memory_space<vmem>>
        %dma_start3A_270 = arith.constant 0 : i32
        %dma_start3A_271 = arith.constant 0 : i32
        %dma_start3A_272 = tpu.memref_slice %arg2[%arg0, %dma_start3A_270, %dma_start3A_271] : memref<2x10000x64xf32, #tpu.memory_space<hbm>> -> memref<1x10000x64xf32, #tpu.memory_space<hbm>>
        %dma_start3A_273 = tpu.memref_squeeze %dma_start3A_272 : memref<1x10000x64xf32, #tpu.memory_space<hbm>> -> memref<10000x64xf32, #tpu.memory_space<hbm>>
        %dma_start3A_274 = arith.constant 0 : i32
        %dma_start3A_275 = arith.constant 0 : i32
        %dma_start3A_276 = tpu.memref_slice %dma_start3A_273[%dma_start3A_274, %dma_start3A_275] : memref<10000x64xf32, #tpu.memory_space<hbm>> -> memref<10000x64xf32, #tpu.memory_space<hbm>>
        tpu.enqueue_indirect_dma source(%dma_start3A_276 : memref<10000x64xf32, #tpu.memory_space<hbm>>) target(%arg8 : memref<128x64xf32, #tpu.memory_space<vmem>>) offsets(%dma_start3A_269 : memref<128xi32, #tpu.memory_space<vmem>>) semaphore(%arg15 : memref<!tpu.dma_semaphore, #tpu.memory_space<semaphore_mem>>)
      } else {
      }
      %mul3A_159 = arith.constant 5 : i32
      %mul3A_160 = arith.muli %scan3A_101, %mul3A_159 : i32
      %add3A_161 = arith.constant 2 : i32
      %add3A_162 = arith.addi %mul3A_160, %add3A_161 : i32
      %dma_wait3A_163 = arith.constant 0 : i32
      %dma_wait3A_164 = tpu.memref_slice %arg13[%add3A_162, %dma_wait3A_163] : memref<160x128xi32, #tpu.memory_space<vmem>> -> memref<1x128xi32, #tpu.memory_space<vmem>>
      %dma_wait3A_165 = tpu.memref_squeeze %dma_wait3A_164 : memref<1x128xi32, #tpu.memory_space<vmem>> -> memref<128xi32, #tpu.memory_space<vmem>>
      %dma_wait3A_166 = arith.constant 0 : i32
      %dma_wait3A_167 = arith.constant 0 : i32
      %dma_wait3A_168 = tpu.memref_slice %arg2[%arg0, %dma_wait3A_166, %dma_wait3A_167] : memref<2x10000x64xf32, #tpu.memory_space<hbm>> -> memref<1x10000x64xf32, #tpu.memory_space<hbm>>
      %dma_wait3A_169 = tpu.memref_squeeze %dma_wait3A_168 : memref<1x10000x64xf32, #tpu.memory_space<hbm>> -> memref<10000x64xf32, #tpu.memory_space<hbm>>
      %dma_wait3A_170 = arith.constant 0 : i32
      %dma_wait3A_171 = arith.constant 0 : i32
      %dma_wait3A_172 = tpu.memref_slice %dma_wait3A_169[%dma_wait3A_170, %dma_wait3A_171] : memref<10000x64xf32, #tpu.memory_space<hbm>> -> memref<10000x64xf32, #tpu.memory_space<hbm>>
      tpu.wait_indirect_dma semaphore(%arg17 : memref<!tpu.dma_semaphore, #tpu.memory_space<semaphore_mem>>) src(%dma_wait3A_172 : memref<10000x64xf32, #tpu.memory_space<hbm>>) dst(%arg10 : memref<128x64xf32, #tpu.memory_space<vmem>>)
      %dma_start3A_173 = arith.constant 0 : i32
      %dma_start3A_174 = tpu.memref_slice %arg14[%add3A_162, %dma_start3A_173] : memref<160x128xi32, #tpu.memory_space<vmem>> -> memref<1x128xi32, #tpu.memory_space<vmem>>
      %dma_start3A_175 = tpu.memref_squeeze %dma_start3A_174 : memref<1x128xi32, #tpu.memory_space<vmem>> -> memref<128xi32, #tpu.memory_space<vmem>>
      %dma_start3A_176 = arith.constant 0 : i32
      %dma_start3A_177 = arith.constant 0 : i32
      %dma_start3A_178 = tpu.memref_slice %arg7[%dma_start3A_176, %dma_start3A_177] : memref<10112x64xf32, #tpu.memory_space<vmem_shared>> -> memref<10112x64xf32, #tpu.memory_space<vmem_shared>>
      tpu.enqueue_indirect_dma source(%arg10 : memref<128x64xf32, #tpu.memory_space<vmem>>) target(%dma_start3A_178 : memref<10112x64xf32, #tpu.memory_space<vmem_shared>>) offsets(%dma_start3A_175 : memref<128xi32, #tpu.memory_space<vmem>>) semaphore(%arg22 : memref<!tpu.dma_semaphore, #tpu.memory_space<semaphore_mem>>) {add = true}
      %ge3A_179 = arith.constant 1 : i32
      %ge3A_180 = arith.cmpi sge, %add3A_162, %ge3A_179 : i32
      %add3A_181 = arith.constant 5 : i32
      %add3A_182 = arith.addi %add3A_162, %add3A_181 : i32
      %sub3A_183 = arith.constant 1 : i32
      %sub3A_184 = arith.subi %add3A_182, %sub3A_183 : i32
      %lt3A_185 = arith.constant 160 : i32
      %lt3A_186 = arith.cmpi slt, %sub3A_184, %lt3A_185 : i32
      %and3A_187 = arith.andi %ge3A_180, %lt3A_186 : i1
      %convert_element_type3A_188 = arith.extui %and3A_187 : i1 to i32
      %cond3A_189 = arith.constant 0 : i32
      %cond3A_190 = arith.cmpi ne, %convert_element_type3A_188, %cond3A_189 : i32
      scf.if %cond3A_190 {
        %sub3A_255 = arith.constant 1 : i32
        %sub3A_256 = arith.subi %add3A_162, %sub3A_255 : i32
        %dma_wait3A_257 = arith.constant 0 : i32
        %dma_wait3A_258 = tpu.memref_slice %arg14[%sub3A_256, %dma_wait3A_257] : memref<160x128xi32, #tpu.memory_space<vmem>> -> memref<1x128xi32, #tpu.memory_space<vmem>>
        %dma_wait3A_259 = tpu.memref_squeeze %dma_wait3A_258 : memref<1x128xi32, #tpu.memory_space<vmem>> -> memref<128xi32, #tpu.memory_space<vmem>>
        %dma_wait3A_260 = arith.constant 0 : i32
        %dma_wait3A_261 = arith.constant 0 : i32
        %dma_wait3A_262 = tpu.memref_slice %arg7[%dma_wait3A_260, %dma_wait3A_261] : memref<10112x64xf32, #tpu.memory_space<vmem_shared>> -> memref<10112x64xf32, #tpu.memory_space<vmem_shared>>
        tpu.wait_indirect_dma semaphore(%arg21 : memref<!tpu.dma_semaphore, #tpu.memory_space<semaphore_mem>>) src(%arg9 : memref<128x64xf32, #tpu.memory_space<vmem>>) dst(%dma_wait3A_262 : memref<10112x64xf32, #tpu.memory_space<vmem_shared>>)
        %add3A_263 = arith.constant 5 : i32
        %add3A_264 = arith.addi %add3A_162, %add3A_263 : i32
        %sub3A_265 = arith.constant 1 : i32
        %sub3A_266 = arith.subi %add3A_264, %sub3A_265 : i32
        %dma_start3A_267 = arith.constant 0 : i32
        %dma_start3A_268 = tpu.memref_slice %arg13[%sub3A_266, %dma_start3A_267] : memref<160x128xi32, #tpu.memory_space<vmem>> -> memref<1x128xi32, #tpu.memory_space<vmem>>
        %dma_start3A_269 = tpu.memref_squeeze %dma_start3A_268 : memref<1x128xi32, #tpu.memory_space<vmem>> -> memref<128xi32, #tpu.memory_space<vmem>>
        %dma_start3A_270 = arith.constant 0 : i32
        %dma_start3A_271 = arith.constant 0 : i32
        %dma_start3A_272 = tpu.memref_slice %arg2[%arg0, %dma_start3A_270, %dma_start3A_271] : memref<2x10000x64xf32, #tpu.memory_space<hbm>> -> memref<1x10000x64xf32, #tpu.memory_space<hbm>>
        %dma_start3A_273 = tpu.memref_squeeze %dma_start3A_272 : memref<1x10000x64xf32, #tpu.memory_space<hbm>> -> memref<10000x64xf32, #tpu.memory_space<hbm>>
        %dma_start3A_274 = arith.constant 0 : i32
        %dma_start3A_275 = arith.constant 0 : i32
        %dma_start3A_276 = tpu.memref_slice %dma_start3A_273[%dma_start3A_274, %dma_start3A_275] : memref<10000x64xf32, #tpu.memory_space<hbm>> -> memref<10000x64xf32, #tpu.memory_space<hbm>>
        tpu.enqueue_indirect_dma source(%dma_start3A_276 : memref<10000x64xf32, #tpu.memory_space<hbm>>) target(%arg9 : memref<128x64xf32, #tpu.memory_space<vmem>>) offsets(%dma_start3A_269 : memref<128xi32, #tpu.memory_space<vmem>>) semaphore(%arg16 : memref<!tpu.dma_semaphore, #tpu.memory_space<semaphore_mem>>)
      } else {
      }
      %mul3A_191 = arith.constant 5 : i32
      %mul3A_192 = arith.muli %scan3A_101, %mul3A_191 : i32
      %add3A_193 = arith.constant 3 : i32
      %add3A_194 = arith.addi %mul3A_192, %add3A_193 : i32
      %dma_wait3A_195 = arith.constant 0 : i32
      %dma_wait3A_196 = tpu.memref_slice %arg13[%add3A_194, %dma_wait3A_195] : memref<160x128xi32, #tpu.memory_space<vmem>> -> memref<1x128xi32, #tpu.memory_space<vmem>>
      %dma_wait3A_197 = tpu.memref_squeeze %dma_wait3A_196 : memref<1x128xi32, #tpu.memory_space<vmem>> -> memref<128xi32, #tpu.memory_space<vmem>>
      %dma_wait3A_198 = arith.constant 0 : i32
      %dma_wait3A_199 = arith.constant 0 : i32
      %dma_wait3A_200 = tpu.memref_slice %arg2[%arg0, %dma_wait3A_198, %dma_wait3A_199] : memref<2x10000x64xf32, #tpu.memory_space<hbm>> -> memref<1x10000x64xf32, #tpu.memory_space<hbm>>
      %dma_wait3A_201 = tpu.memref_squeeze %dma_wait3A_200 : memref<1x10000x64xf32, #tpu.memory_space<hbm>> -> memref<10000x64xf32, #tpu.memory_space<hbm>>
      %dma_wait3A_202 = arith.constant 0 : i32
      %dma_wait3A_203 = arith.constant 0 : i32
      %dma_wait3A_204 = tpu.memref_slice %dma_wait3A_201[%dma_wait3A_202, %dma_wait3A_203] : memref<10000x64xf32, #tpu.memory_space<hbm>> -> memref<10000x64xf32, #tpu.memory_space<hbm>>
      tpu.wait_indirect_dma semaphore(%arg18 : memref<!tpu.dma_semaphore, #tpu.memory_space<semaphore_mem>>) src(%dma_wait3A_204 : memref<10000x64xf32, #tpu.memory_space<hbm>>) dst(%arg11 : memref<128x64xf32, #tpu.memory_space<vmem>>)
      %dma_start3A_205 = arith.constant 0 : i32
      %dma_start3A_206 = tpu.memref_slice %arg14[%add3A_194, %dma_start3A_205] : memref<160x128xi32, #tpu.memory_space<vmem>> -> memref<1x128xi32, #tpu.memory_space<vmem>>
      %dma_start3A_207 = tpu.memref_squeeze %dma_start3A_206 : memref<1x128xi32, #tpu.memory_space<vmem>> -> memref<128xi32, #tpu.memory_space<vmem>>
      %dma_start3A_208 = arith.constant 0 : i32
      %dma_start3A_209 = arith.constant 0 : i32
      %dma_start3A_210 = tpu.memref_slice %arg7[%dma_start3A_208, %dma_start3A_209] : memref<10112x64xf32, #tpu.memory_space<vmem_shared>> -> memref<10112x64xf32, #tpu.memory_space<vmem_shared>>
      tpu.enqueue_indirect_dma source(%arg11 : memref<128x64xf32, #tpu.memory_space<vmem>>) target(%dma_start3A_210 : memref<10112x64xf32, #tpu.memory_space<vmem_shared>>) offsets(%dma_start3A_207 : memref<128xi32, #tpu.memory_space<vmem>>) semaphore(%arg23 : memref<!tpu.dma_semaphore, #tpu.memory_space<semaphore_mem>>) {add = true}
      %ge3A_211 = arith.constant 1 : i32
      %ge3A_212 = arith.cmpi sge, %add3A_194, %ge3A_211 : i32
      %add3A_213 = arith.constant 5 : i32
      %add3A_214 = arith.addi %add3A_194, %add3A_213 : i32
      %sub3A_215 = arith.constant 1 : i32
      %sub3A_216 = arith.subi %add3A_214, %sub3A_215 : i32
      %lt3A_217 = arith.constant 160 : i32
      %lt3A_218 = arith.cmpi slt, %sub3A_216, %lt3A_217 : i32
      %and3A_219 = arith.andi %ge3A_212, %lt3A_218 : i1
      %convert_element_type3A_220 = arith.extui %and3A_219 : i1 to i32
      %cond3A_221 = arith.constant 0 : i32
      %cond3A_222 = arith.cmpi ne, %convert_element_type3A_220, %cond3A_221 : i32
      scf.if %cond3A_222 {
        %sub3A_255 = arith.constant 1 : i32
        %sub3A_256 = arith.subi %add3A_194, %sub3A_255 : i32
        %dma_wait3A_257 = arith.constant 0 : i32
        %dma_wait3A_258 = tpu.memref_slice %arg14[%sub3A_256, %dma_wait3A_257] : memref<160x128xi32, #tpu.memory_space<vmem>> -> memref<1x128xi32, #tpu.memory_space<vmem>>
        %dma_wait3A_259 = tpu.memref_squeeze %dma_wait3A_258 : memref<1x128xi32, #tpu.memory_space<vmem>> -> memref<128xi32, #tpu.memory_space<vmem>>
        %dma_wait3A_260 = arith.constant 0 : i32
        %dma_wait3A_261 = arith.constant 0 : i32
        %dma_wait3A_262 = tpu.memref_slice %arg7[%dma_wait3A_260, %dma_wait3A_261] : memref<10112x64xf32, #tpu.memory_space<vmem_shared>> -> memref<10112x64xf32, #tpu.memory_space<vmem_shared>>
        tpu.wait_indirect_dma semaphore(%arg22 : memref<!tpu.dma_semaphore, #tpu.memory_space<semaphore_mem>>) src(%arg10 : memref<128x64xf32, #tpu.memory_space<vmem>>) dst(%dma_wait3A_262 : memref<10112x64xf32, #tpu.memory_space<vmem_shared>>)
        %add3A_263 = arith.constant 5 : i32
        %add3A_264 = arith.addi %add3A_194, %add3A_263 : i32
        %sub3A_265 = arith.constant 1 : i32
        %sub3A_266 = arith.subi %add3A_264, %sub3A_265 : i32
        %dma_start3A_267 = arith.constant 0 : i32
        %dma_start3A_268 = tpu.memref_slice %arg13[%sub3A_266, %dma_start3A_267] : memref<160x128xi32, #tpu.memory_space<vmem>> -> memref<1x128xi32, #tpu.memory_space<vmem>>
        %dma_start3A_269 = tpu.memref_squeeze %dma_start3A_268 : memref<1x128xi32, #tpu.memory_space<vmem>> -> memref<128xi32, #tpu.memory_space<vmem>>
        %dma_start3A_270 = arith.constant 0 : i32
        %dma_start3A_271 = arith.constant 0 : i32
        %dma_start3A_272 = tpu.memref_slice %arg2[%arg0, %dma_start3A_270, %dma_start3A_271] : memref<2x10000x64xf32, #tpu.memory_space<hbm>> -> memref<1x10000x64xf32, #tpu.memory_space<hbm>>
        %dma_start3A_273 = tpu.memref_squeeze %dma_start3A_272 : memref<1x10000x64xf32, #tpu.memory_space<hbm>> -> memref<10000x64xf32, #tpu.memory_space<hbm>>
        %dma_start3A_274 = arith.constant 0 : i32
        %dma_start3A_275 = arith.constant 0 : i32
        %dma_start3A_276 = tpu.memref_slice %dma_start3A_273[%dma_start3A_274, %dma_start3A_275] : memref<10000x64xf32, #tpu.memory_space<hbm>> -> memref<10000x64xf32, #tpu.memory_space<hbm>>
        tpu.enqueue_indirect_dma source(%dma_start3A_276 : memref<10000x64xf32, #tpu.memory_space<hbm>>) target(%arg10 : memref<128x64xf32, #tpu.memory_space<vmem>>) offsets(%dma_start3A_269 : memref<128xi32, #tpu.memory_space<vmem>>) semaphore(%arg17 : memref<!tpu.dma_semaphore, #tpu.memory_space<semaphore_mem>>)
      } else {
      }
      %mul3A_223 = arith.constant 5 : i32
      %mul3A_224 = arith.muli %scan3A_101, %mul3A_223 : i32
      %add3A_225 = arith.constant 4 : i32
      %add3A_226 = arith.addi %mul3A_224, %add3A_225 : i32
      %dma_wait3A_227 = arith.constant 0 : i32
      %dma_wait3A_228 = tpu.memref_slice %arg13[%add3A_226, %dma_wait3A_227] : memref<160x128xi32, #tpu.memory_space<vmem>> -> memref<1x128xi32, #tpu.memory_space<vmem>>
      %dma_wait3A_229 = tpu.memref_squeeze %dma_wait3A_228 : memref<1x128xi32, #tpu.memory_space<vmem>> -> memref<128xi32, #tpu.memory_space<vmem>>
      %dma_wait3A_230 = arith.constant 0 : i32
      %dma_wait3A_231 = arith.constant 0 : i32
      %dma_wait3A_232 = tpu.memref_slice %arg2[%arg0, %dma_wait3A_230, %dma_wait3A_231] : memref<2x10000x64xf32, #tpu.memory_space<hbm>> -> memref<1x10000x64xf32, #tpu.memory_space<hbm>>
      %dma_wait3A_233 = tpu.memref_squeeze %dma_wait3A_232 : memref<1x10000x64xf32, #tpu.memory_space<hbm>> -> memref<10000x64xf32, #tpu.memory_space<hbm>>
      %dma_wait3A_234 = arith.constant 0 : i32
      %dma_wait3A_235 = arith.constant 0 : i32
      %dma_wait3A_236 = tpu.memref_slice %dma_wait3A_233[%dma_wait3A_234, %dma_wait3A_235] : memref<10000x64xf32, #tpu.memory_space<hbm>> -> memref<10000x64xf32, #tpu.memory_space<hbm>>
      tpu.wait_indirect_dma semaphore(%arg19 : memref<!tpu.dma_semaphore, #tpu.memory_space<semaphore_mem>>) src(%dma_wait3A_236 : memref<10000x64xf32, #tpu.memory_space<hbm>>) dst(%arg12 : memref<128x64xf32, #tpu.memory_space<vmem>>)
      %dma_start3A_237 = arith.constant 0 : i32
      %dma_start3A_238 = tpu.memref_slice %arg14[%add3A_226, %dma_start3A_237] : memref<160x128xi32, #tpu.memory_space<vmem>> -> memref<1x128xi32, #tpu.memory_space<vmem>>
      %dma_start3A_239 = tpu.memref_squeeze %dma_start3A_238 : memref<1x128xi32, #tpu.memory_space<vmem>> -> memref<128xi32, #tpu.memory_space<vmem>>
      %dma_start3A_240 = arith.constant 0 : i32
      %dma_start3A_241 = arith.constant 0 : i32
      %dma_start3A_242 = tpu.memref_slice %arg7[%dma_start3A_240, %dma_start3A_241] : memref<10112x64xf32, #tpu.memory_space<vmem_shared>> -> memref<10112x64xf32, #tpu.memory_space<vmem_shared>>
      tpu.enqueue_indirect_dma source(%arg12 : memref<128x64xf32, #tpu.memory_space<vmem>>) target(%dma_start3A_242 : memref<10112x64xf32, #tpu.memory_space<vmem_shared>>) offsets(%dma_start3A_239 : memref<128xi32, #tpu.memory_space<vmem>>) semaphore(%arg24 : memref<!tpu.dma_semaphore, #tpu.memory_space<semaphore_mem>>) {add = true}
      %ge3A_243 = arith.constant 1 : i32
      %ge3A_244 = arith.cmpi sge, %add3A_226, %ge3A_243 : i32
      %add3A_245 = arith.constant 5 : i32
      %add3A_246 = arith.addi %add3A_226, %add3A_245 : i32
      %sub3A_247 = arith.constant 1 : i32
      %sub3A_248 = arith.subi %add3A_246, %sub3A_247 : i32
      %lt3A_249 = arith.constant 160 : i32
      %lt3A_250 = arith.cmpi slt, %sub3A_248, %lt3A_249 : i32
      %and3A_251 = arith.andi %ge3A_244, %lt3A_250 : i1
      %convert_element_type3A_252 = arith.extui %and3A_251 : i1 to i32
      %cond3A_253 = arith.constant 0 : i32
      %cond3A_254 = arith.cmpi ne, %convert_element_type3A_252, %cond3A_253 : i32
      scf.if %cond3A_254 {
        %sub3A_255 = arith.constant 1 : i32
        %sub3A_256 = arith.subi %add3A_226, %sub3A_255 : i32
        %dma_wait3A_257 = arith.constant 0 : i32
        %dma_wait3A_258 = tpu.memref_slice %arg14[%sub3A_256, %dma_wait3A_257] : memref<160x128xi32, #tpu.memory_space<vmem>> -> memref<1x128xi32, #tpu.memory_space<vmem>>
        %dma_wait3A_259 = tpu.memref_squeeze %dma_wait3A_258 : memref<1x128xi32, #tpu.memory_space<vmem>> -> memref<128xi32, #tpu.memory_space<vmem>>
        %dma_wait3A_260 = arith.constant 0 : i32
        %dma_wait3A_261 = arith.constant 0 : i32
        %dma_wait3A_262 = tpu.memref_slice %arg7[%dma_wait3A_260, %dma_wait3A_261] : memref<10112x64xf32, #tpu.memory_space<vmem_shared>> -> memref<10112x64xf32, #tpu.memory_space<vmem_shared>>
        tpu.wait_indirect_dma semaphore(%arg23 : memref<!tpu.dma_semaphore, #tpu.memory_space<semaphore_mem>>) src(%arg11 : memref<128x64xf32, #tpu.memory_space<vmem>>) dst(%dma_wait3A_262 : memref<10112x64xf32, #tpu.memory_space<vmem_shared>>)
        %add3A_263 = arith.constant 5 : i32
        %add3A_264 = arith.addi %add3A_226, %add3A_263 : i32
        %sub3A_265 = arith.constant 1 : i32
        %sub3A_266 = arith.subi %add3A_264, %sub3A_265 : i32
        %dma_start3A_267 = arith.constant 0 : i32
        %dma_start3A_268 = tpu.memref_slice %arg13[%sub3A_266, %dma_start3A_267] : memref<160x128xi32, #tpu.memory_space<vmem>> -> memref<1x128xi32, #tpu.memory_space<vmem>>
        %dma_start3A_269 = tpu.memref_squeeze %dma_start3A_268 : memref<1x128xi32, #tpu.memory_space<vmem>> -> memref<128xi32, #tpu.memory_space<vmem>>
        %dma_start3A_270 = arith.constant 0 : i32
        %dma_start3A_271 = arith.constant 0 : i32
        %dma_start3A_272 = tpu.memref_slice %arg2[%arg0, %dma_start3A_270, %dma_start3A_271] : memref<2x10000x64xf32, #tpu.memory_space<hbm>> -> memref<1x10000x64xf32, #tpu.memory_space<hbm>>
        %dma_start3A_273 = tpu.memref_squeeze %dma_start3A_272 : memref<1x10000x64xf32, #tpu.memory_space<hbm>> -> memref<10000x64xf32, #tpu.memory_space<hbm>>
        %dma_start3A_274 = arith.constant 0 : i32
        %dma_start3A_275 = arith.constant 0 : i32
        %dma_start3A_276 = tpu.memref_slice %dma_start3A_273[%dma_start3A_274, %dma_start3A_275] : memref<10000x64xf32, #tpu.memory_space<hbm>> -> memref<10000x64xf32, #tpu.memory_space<hbm>>
        tpu.enqueue_indirect_dma source(%dma_start3A_276 : memref<10000x64xf32, #tpu.memory_space<hbm>>) target(%arg11 : memref<128x64xf32, #tpu.memory_space<vmem>>) offsets(%dma_start3A_269 : memref<128xi32, #tpu.memory_space<vmem>>) semaphore(%arg18 : memref<!tpu.dma_semaphore, #tpu.memory_space<semaphore_mem>>)
      } else {
      }
    }
    %scan3A_61 = arith.constant 32 : i32
    %dma_wait3A = arith.constant 155 : i32
    %dma_wait3A_62 = arith.constant 0 : i32
    %dma_wait3A_63 = tpu.memref_slice %arg14[%dma_wait3A, %dma_wait3A_62] : memref<160x128xi32, #tpu.memory_space<vmem>> -> memref<1x128xi32, #tpu.memory_space<vmem>>
    %dma_wait3A_64 = tpu.memref_squeeze %dma_wait3A_63 : memref<1x128xi32, #tpu.memory_space<vmem>> -> memref<128xi32, #tpu.memory_space<vmem>>
    %dma_wait3A_65 = arith.constant 0 : i32
    %dma_wait3A_66 = arith.constant 0 : i32
    %dma_wait3A_67 = tpu.memref_slice %arg7[%dma_wait3A_65, %dma_wait3A_66] : memref<10112x64xf32, #tpu.memory_space<vmem_shared>> -> memref<10112x64xf32, #tpu.memory_space<vmem_shared>>
    tpu.wait_indirect_dma semaphore(%arg20 : memref<!tpu.dma_semaphore, #tpu.memory_space<semaphore_mem>>) src(%arg8 : memref<128x64xf32, #tpu.memory_space<vmem>>) dst(%dma_wait3A_67 : memref<10112x64xf32, #tpu.memory_space<vmem_shared>>)
    %dma_wait3A_68 = arith.constant 156 : i32
    %dma_wait3A_69 = arith.constant 0 : i32
    %dma_wait3A_70 = tpu.memref_slice %arg14[%dma_wait3A_68, %dma_wait3A_69] : memref<160x128xi32, #tpu.memory_space<vmem>> -> memref<1x128xi32, #tpu.memory_space<vmem>>
    %dma_wait3A_71 = tpu.memref_squeeze %dma_wait3A_70 : memref<1x128xi32, #tpu.memory_space<vmem>> -> memref<128xi32, #tpu.memory_space<vmem>>
    %dma_wait3A_72 = arith.constant 0 : i32
    %dma_wait3A_73 = arith.constant 0 : i32
    %dma_wait3A_74 = tpu.memref_slice %arg7[%dma_wait3A_72, %dma_wait3A_73] : memref<10112x64xf32, #tpu.memory_space<vmem_shared>> -> memref<10112x64xf32, #tpu.memory_space<vmem_shared>>
    tpu.wait_indirect_dma semaphore(%arg21 : memref<!tpu.dma_semaphore, #tpu.memory_space<semaphore_mem>>) src(%arg9 : memref<128x64xf32, #tpu.memory_space<vmem>>) dst(%dma_wait3A_74 : memref<10112x64xf32, #tpu.memory_space<vmem_shared>>)
    %dma_wait3A_75 = arith.constant 157 : i32
    %dma_wait3A_76 = arith.constant 0 : i32
    %dma_wait3A_77 = tpu.memref_slice %arg14[%dma_wait3A_75, %dma_wait3A_76] : memref<160x128xi32, #tpu.memory_space<vmem>> -> memref<1x128xi32, #tpu.memory_space<vmem>>
    %dma_wait3A_78 = tpu.memref_squeeze %dma_wait3A_77 : memref<1x128xi32, #tpu.memory_space<vmem>> -> memref<128xi32, #tpu.memory_space<vmem>>
    %dma_wait3A_79 = arith.constant 0 : i32
    %dma_wait3A_80 = arith.constant 0 : i32
    %dma_wait3A_81 = tpu.memref_slice %arg7[%dma_wait3A_79, %dma_wait3A_80] : memref<10112x64xf32, #tpu.memory_space<vmem_shared>> -> memref<10112x64xf32, #tpu.memory_space<vmem_shared>>
    tpu.wait_indirect_dma semaphore(%arg22 : memref<!tpu.dma_semaphore, #tpu.memory_space<semaphore_mem>>) src(%arg10 : memref<128x64xf32, #tpu.memory_space<vmem>>) dst(%dma_wait3A_81 : memref<10112x64xf32, #tpu.memory_space<vmem_shared>>)
    %dma_wait3A_82 = arith.constant 158 : i32
    %dma_wait3A_83 = arith.constant 0 : i32
    %dma_wait3A_84 = tpu.memref_slice %arg14[%dma_wait3A_82, %dma_wait3A_83] : memref<160x128xi32, #tpu.memory_space<vmem>> -> memref<1x128xi32, #tpu.memory_space<vmem>>
    %dma_wait3A_85 = tpu.memref_squeeze %dma_wait3A_84 : memref<1x128xi32, #tpu.memory_space<vmem>> -> memref<128xi32, #tpu.memory_space<vmem>>
    %dma_wait3A_86 = arith.constant 0 : i32
    %dma_wait3A_87 = arith.constant 0 : i32
    %dma_wait3A_88 = tpu.memref_slice %arg7[%dma_wait3A_86, %dma_wait3A_87] : memref<10112x64xf32, #tpu.memory_space<vmem_shared>> -> memref<10112x64xf32, #tpu.memory_space<vmem_shared>>
    tpu.wait_indirect_dma semaphore(%arg23 : memref<!tpu.dma_semaphore, #tpu.memory_space<semaphore_mem>>) src(%arg11 : memref<128x64xf32, #tpu.memory_space<vmem>>) dst(%dma_wait3A_88 : memref<10112x64xf32, #tpu.memory_space<vmem_shared>>)
    %dma_wait3A_89 = arith.constant 159 : i32
    %dma_wait3A_90 = arith.constant 0 : i32
    %dma_wait3A_91 = tpu.memref_slice %arg14[%dma_wait3A_89, %dma_wait3A_90] : memref<160x128xi32, #tpu.memory_space<vmem>> -> memref<1x128xi32, #tpu.memory_space<vmem>>
    %dma_wait3A_92 = tpu.memref_squeeze %dma_wait3A_91 : memref<1x128xi32, #tpu.memory_space<vmem>> -> memref<128xi32, #tpu.memory_space<vmem>>
    %dma_wait3A_93 = arith.constant 0 : i32
    %dma_wait3A_94 = arith.constant 0 : i32
    %dma_wait3A_95 = tpu.memref_slice %arg7[%dma_wait3A_93, %dma_wait3A_94] : memref<10112x64xf32, #tpu.memory_space<vmem_shared>> -> memref<10112x64xf32, #tpu.memory_space<vmem_shared>>
    tpu.wait_indirect_dma semaphore(%arg24 : memref<!tpu.dma_semaphore, #tpu.memory_space<semaphore_mem>>) src(%arg12 : memref<128x64xf32, #tpu.memory_space<vmem>>) dst(%dma_wait3A_95 : memref<10112x64xf32, #tpu.memory_space<vmem_shared>>)
    %barrier3A_96 = arith.constant 0 : index
    tpu.barrier barrier_id(%barrier3A_96)
    %mul3A_97 = arith.constant 632 : i32
    %mul3A_98 = arith.muli %arg1, %mul3A_97 : i32
    %mul3A_99 = arith.constant 632 : i32
    %mul3A_100 = arith.muli %arg1, %mul3A_99 : i32
    "tpu.region"() ({
      %run_scoped3A = tpu.sem_alloc : memref<!tpu.dma_semaphore, #tpu.memory_space<semaphore_mem>>
      %dma_start3A_101 = arith.constant 0 : i32
      %dma_start3A_102 = tpu.memref_slice %arg6[%arg0, %mul3A_100, %dma_start3A_101] : memref<2x10112x64xf32, #tpu.memory_space<hbm>> -> memref<1x632x64xf32, #tpu.memory_space<hbm>>
      %dma_start3A_103 = tpu.memref_squeeze %dma_start3A_102 : memref<1x632x64xf32, #tpu.memory_space<hbm>> -> memref<632x64xf32, #tpu.memory_space<hbm>>
      %dma_start3A_104 = arith.constant 0 : i32
      %dma_start3A_105 = tpu.memref_slice %arg7[%mul3A_98, %dma_start3A_104] : memref<10112x64xf32, #tpu.memory_space<vmem_shared>> -> memref<632x64xf32, #tpu.memory_space<vmem_shared>>
      tpu.enqueue_dma source(%dma_start3A_105 : memref<632x64xf32, #tpu.memory_space<vmem_shared>>) target(%dma_start3A_103 : memref<632x64xf32, #tpu.memory_space<hbm>>) target_semaphore(%run_scoped3A : memref<!tpu.dma_semaphore, #tpu.memory_space<semaphore_mem>>)
      %dma_wait3A_106 = arith.constant 0 : i32
      %dma_wait3A_107 = tpu.memref_slice %arg6[%arg0, %mul3A_100, %dma_wait3A_106] : memref<2x10112x64xf32, #tpu.memory_space<hbm>> -> memref<1x632x64xf32, #tpu.memory_space<hbm>>
      %dma_wait3A_108 = tpu.memref_squeeze %dma_wait3A_107 : memref<1x632x64xf32, #tpu.memory_space<hbm>> -> memref<632x64xf32, #tpu.memory_space<hbm>>
      %dma_wait3A_109 = arith.constant 0 : i32
      %dma_wait3A_110 = tpu.memref_slice %arg7[%mul3A_98, %dma_wait3A_109] : memref<10112x64xf32, #tpu.memory_space<vmem_shared>> -> memref<632x64xf32, #tpu.memory_space<vmem_shared>>
      tpu.wait_dma2 semaphore(%run_scoped3A : memref<!tpu.dma_semaphore, #tpu.memory_space<semaphore_mem>>) src(%dma_wait3A_110 : memref<632x64xf32, #tpu.memory_space<vmem_shared>>) dst(%dma_wait3A_108 : memref<632x64xf32, #tpu.memory_space<hbm>>)
      tpu.yield
    }) : () -> ()
    return
  }
}

#map = affine_map<(d0, d1) -> (0, 0, 0)>
#map1 = affine_map<(d0, d1) -> (0, 0)>
module attributes {stable_mosaic.version = 14 : i64} {
  func.func @_agg_sc(%arg0: i32, %arg1: i32, %arg2: memref<2x10000x64xf32, #tpu.memory_space<hbm>>, %arg3: memref<16x160x128xi32, #tpu.memory_space<hbm>>, %arg4: memref<16x160x128xi32, #tpu.memory_space<hbm>>, %arg5: memref<10112x64xf32, #tpu.memory_space<hbm>>, %arg6: memref<2x10112x64xf32, #tpu.memory_space<hbm>>, %arg7: memref<10112x64xf32, #tpu.memory_space<vmem_shared>>, %arg8: memref<128x64xf32, #tpu.memory_space<vmem>>, %arg9: memref<128x64xf32, #tpu.memory_space<vmem>>, %arg10: memref<128x64xf32, #tpu.memory_space<vmem>>, %arg11: memref<128x64xf32, #tpu.memory_space<vmem>>, %arg12: memref<128x64xf32, #tpu.memory_space<vmem>>, %arg13: memref<160x128xi32, #tpu.memory_space<vmem>>, %arg14: memref<160x128xi32, #tpu.memory_space<vmem>>, %arg15: memref<!tpu.dma_semaphore, #tpu.memory_space<semaphore_mem>>, %arg16: memref<!tpu.dma_semaphore, #tpu.memory_space<semaphore_mem>>, %arg17: memref<!tpu.dma_semaphore, #tpu.memory_space<semaphore_mem>>, %arg18: memref<!tpu.dma_semaphore, #tpu.memory_space<semaphore_mem>>, %arg19: memref<!tpu.dma_semaphore, #tpu.memory_space<semaphore_mem>>, %arg20: memref<!tpu.dma_semaphore, #tpu.memory_space<semaphore_mem>>, %arg21: memref<!tpu.dma_semaphore, #tpu.memory_space<semaphore_mem>>, %arg22: memref<!tpu.dma_semaphore, #tpu.memory_space<semaphore_mem>>, %arg23: memref<!tpu.dma_semaphore, #tpu.memory_space<semaphore_mem>>, %arg24: memref<!tpu.dma_semaphore, #tpu.memory_space<semaphore_mem>>) attributes {dimension_semantics = [#tpu.dimension_semantics<core_parallel>, #tpu.dimension_semantics<subcore_parallel>], iteration_bounds = array<i64: 2, 16>, scalar_prefetch = 0 : i64, scratch_operands = 18 : i64, tpu.core_type = #tpu.core_type<sc_vector_subcore>, window_params = [{transform_indices = #map}, {transform_indices = #map}, {transform_indices = #map}, {transform_indices = #map1}, {transform_indices = #map}]} {
    "tpu.region"() ({
      %run_scoped3A = tpu.sem_alloc : memref<!tpu.dma_semaphore, #tpu.memory_space<semaphore_mem>>
      %dma_start3A_101 = arith.constant 0 : i32
      %dma_start3A_102 = arith.constant 0 : i32
      %dma_start3A_103 = tpu.memref_slice %arg3[%arg1, %dma_start3A_101, %dma_start3A_102] : memref<16x160x128xi32, #tpu.memory_space<hbm>> -> memref<1x160x128xi32, #tpu.memory_space<hbm>>
      %dma_start3A_104 = tpu.memref_squeeze %dma_start3A_103 : memref<1x160x128xi32, #tpu.memory_space<hbm>> -> memref<160x128xi32, #tpu.memory_space<hbm>>
      %dma_start3A_105 = arith.constant 0 : i32
      %dma_start3A_106 = arith.constant 0 : i32
      %dma_start3A_107 = tpu.memref_slice %arg3[%arg1, %dma_start3A_105, %dma_start3A_106] : memref<16x160x128xi32, #tpu.memory_space<hbm>> -> memref<1x160x128xi32, #tpu.memory_space<hbm>>
      %dma_start3A_108 = tpu.memref_squeeze %dma_start3A_107 : memref<1x160x128xi32, #tpu.memory_space<hbm>> -> memref<160x128xi32, #tpu.memory_space<hbm>>
      tpu.enqueue_dma source(%dma_start3A_108 : memref<160x128xi32, #tpu.memory_space<hbm>>) target(%arg13 : memref<160x128xi32, #tpu.memory_space<vmem>>) target_semaphore(%run_scoped3A : memref<!tpu.dma_semaphore, #tpu.memory_space<semaphore_mem>>)
      %dma_wait3A_109 = arith.constant 0 : i32
      %dma_wait3A_110 = arith.constant 0 : i32
      %dma_wait3A_111 = tpu.memref_slice %arg3[%arg1, %dma_wait3A_109, %dma_wait3A_110] : memref<16x160x128xi32, #tpu.memory_space<hbm>> -> memref<1x160x128xi32, #tpu.memory_space<hbm>>
      %dma_wait3A_112 = tpu.memref_squeeze %dma_wait3A_111 : memref<1x160x128xi32, #tpu.memory_space<hbm>> -> memref<160x128xi32, #tpu.memory_space<hbm>>
      %dma_wait3A_113 = arith.constant 0 : i32
      %dma_wait3A_114 = arith.constant 0 : i32
      %dma_wait3A_115 = tpu.memref_slice %arg3[%arg1, %dma_wait3A_113, %dma_wait3A_114] : memref<16x160x128xi32, #tpu.memory_space<hbm>> -> memref<1x160x128xi32, #tpu.memory_space<hbm>>
      %dma_wait3A_116 = tpu.memref_squeeze %dma_wait3A_115 : memref<1x160x128xi32, #tpu.memory_space<hbm>> -> memref<160x128xi32, #tpu.memory_space<hbm>>
      tpu.wait_dma2 semaphore(%run_scoped3A : memref<!tpu.dma_semaphore, #tpu.memory_space<semaphore_mem>>) src(%dma_wait3A_116 : memref<160x128xi32, #tpu.memory_space<hbm>>) dst(%arg13 : memref<160x128xi32, #tpu.memory_space<vmem>>)
      tpu.yield
    }) : () -> ()
    "tpu.region"() ({
      %run_scoped3A = tpu.sem_alloc : memref<!tpu.dma_semaphore, #tpu.memory_space<semaphore_mem>>
      %dma_start3A_101 = arith.constant 0 : i32
      %dma_start3A_102 = arith.constant 0 : i32
      %dma_start3A_103 = tpu.memref_slice %arg4[%arg1, %dma_start3A_101, %dma_start3A_102] : memref<16x160x128xi32, #tpu.memory_space<hbm>> -> memref<1x160x128xi32, #tpu.memory_space<hbm>>
      %dma_start3A_104 = tpu.memref_squeeze %dma_start3A_103 : memref<1x160x128xi32, #tpu.memory_space<hbm>> -> memref<160x128xi32, #tpu.memory_space<hbm>>
      %dma_start3A_105 = arith.constant 0 : i32
      %dma_start3A_106 = arith.constant 0 : i32
      %dma_start3A_107 = tpu.memref_slice %arg4[%arg1, %dma_start3A_105, %dma_start3A_106] : memref<16x160x128xi32, #tpu.memory_space<hbm>> -> memref<1x160x128xi32, #tpu.memory_space<hbm>>
      %dma_start3A_108 = tpu.memref_squeeze %dma_start3A_107 : memref<1x160x128xi32, #tpu.memory_space<hbm>> -> memref<160x128xi32, #tpu.memory_space<hbm>>
      tpu.enqueue_dma source(%dma_start3A_108 : memref<160x128xi32, #tpu.memory_space<hbm>>) target(%arg14 : memref<160x128xi32, #tpu.memory_space<vmem>>) target_semaphore(%run_scoped3A : memref<!tpu.dma_semaphore, #tpu.memory_space<semaphore_mem>>)
      %dma_wait3A_109 = arith.constant 0 : i32
      %dma_wait3A_110 = arith.constant 0 : i32
      %dma_wait3A_111 = tpu.memref_slice %arg4[%arg1, %dma_wait3A_109, %dma_wait3A_110] : memref<16x160x128xi32, #tpu.memory_space<hbm>> -> memref<1x160x128xi32, #tpu.memory_space<hbm>>
      %dma_wait3A_112 = tpu.memref_squeeze %dma_wait3A_111 : memref<1x160x128xi32, #tpu.memory_space<hbm>> -> memref<160x128xi32, #tpu.memory_space<hbm>>
      %dma_wait3A_113 = arith.constant 0 : i32
      %dma_wait3A_114 = arith.constant 0 : i32
      %dma_wait3A_115 = tpu.memref_slice %arg4[%arg1, %dma_wait3A_113, %dma_wait3A_114] : memref<16x160x128xi32, #tpu.memory_space<hbm>> -> memref<1x160x128xi32, #tpu.memory_space<hbm>>
      %dma_wait3A_116 = tpu.memref_squeeze %dma_wait3A_115 : memref<1x160x128xi32, #tpu.memory_space<hbm>> -> memref<160x128xi32, #tpu.memory_space<hbm>>
      tpu.wait_dma2 semaphore(%run_scoped3A : memref<!tpu.dma_semaphore, #tpu.memory_space<semaphore_mem>>) src(%dma_wait3A_116 : memref<160x128xi32, #tpu.memory_space<hbm>>) dst(%arg14 : memref<160x128xi32, #tpu.memory_space<vmem>>)
      tpu.yield
    }) : () -> ()
    %mul3A = arith.constant 632 : i32
    %mul3A_0 = arith.muli %arg1, %mul3A : i32
    %mul3A_1 = arith.constant 632 : i32
    %mul3A_2 = arith.muli %arg1, %mul3A_1 : i32
    "tpu.region"() ({
      %run_scoped3A = tpu.sem_alloc : memref<!tpu.dma_semaphore, #tpu.memory_space<semaphore_mem>>
      %dma_start3A_101 = arith.constant 0 : i32
      %dma_start3A_102 = tpu.memref_slice %arg7[%mul3A_2, %dma_start3A_101] : memref<10112x64xf32, #tpu.memory_space<vmem_shared>> -> memref<632x64xf32, #tpu.memory_space<vmem_shared>>
      %dma_start3A_103 = arith.constant 0 : i32
      %dma_start3A_104 = tpu.memref_slice %arg5[%mul3A_0, %dma_start3A_103] : memref<10112x64xf32, #tpu.memory_space<hbm>> -> memref<632x64xf32, #tpu.memory_space<hbm>>
      tpu.enqueue_dma source(%dma_start3A_104 : memref<632x64xf32, #tpu.memory_space<hbm>>) target(%dma_start3A_102 : memref<632x64xf32, #tpu.memory_space<vmem_shared>>) target_semaphore(%run_scoped3A : memref<!tpu.dma_semaphore, #tpu.memory_space<semaphore_mem>>)
      %dma_wait3A_105 = arith.constant 0 : i32
      %dma_wait3A_106 = tpu.memref_slice %arg7[%mul3A_2, %dma_wait3A_105] : memref<10112x64xf32, #tpu.memory_space<vmem_shared>> -> memref<632x64xf32, #tpu.memory_space<vmem_shared>>
      %dma_wait3A_107 = arith.constant 0 : i32
      %dma_wait3A_108 = tpu.memref_slice %arg5[%mul3A_0, %dma_wait3A_107] : memref<10112x64xf32, #tpu.memory_space<hbm>> -> memref<632x64xf32, #tpu.memory_space<hbm>>
      tpu.wait_dma2 semaphore(%run_scoped3A : memref<!tpu.dma_semaphore, #tpu.memory_space<semaphore_mem>>) src(%dma_wait3A_108 : memref<632x64xf32, #tpu.memory_space<hbm>>) dst(%dma_wait3A_106 : memref<632x64xf32, #tpu.memory_space<vmem_shared>>)
      tpu.yield
    }) : () -> ()
    %barrier3A = arith.constant 0 : index
    tpu.barrier barrier_id(%barrier3A)
    %dma_start3A = arith.constant 0 : i32
    %dma_start3A_3 = arith.constant 0 : i32
    %dma_start3A_4 = tpu.memref_slice %arg13[%dma_start3A, %dma_start3A_3] : memref<160x128xi32, #tpu.memory_space<vmem>> -> memref<1x128xi32, #tpu.memory_space<vmem>>
    %dma_start3A_5 = tpu.memref_squeeze %dma_start3A_4 : memref<1x128xi32, #tpu.memory_space<vmem>> -> memref<128xi32, #tpu.memory_space<vmem>>
    %dma_start3A_6 = arith.constant 0 : i32
    %dma_start3A_7 = arith.constant 0 : i32
    %dma_start3A_8 = tpu.memref_slice %arg2[%arg0, %dma_start3A_6, %dma_start3A_7] : memref<2x10000x64xf32, #tpu.memory_space<hbm>> -> memref<1x10000x64xf32, #tpu.memory_space<hbm>>
    %dma_start3A_9 = tpu.memref_squeeze %dma_start3A_8 : memref<1x10000x64xf32, #tpu.memory_space<hbm>> -> memref<10000x64xf32, #tpu.memory_space<hbm>>
    %dma_start3A_10 = arith.constant 0 : i32
    %dma_start3A_11 = arith.constant 0 : i32
    %dma_start3A_12 = tpu.memref_slice %dma_start3A_9[%dma_start3A_10, %dma_start3A_11] : memref<10000x64xf32, #tpu.memory_space<hbm>> -> memref<10000x64xf32, #tpu.memory_space<hbm>>
    tpu.enqueue_indirect_dma source(%dma_start3A_12 : memref<10000x64xf32, #tpu.memory_space<hbm>>) target(%arg8 : memref<128x64xf32, #tpu.memory_space<vmem>>) offsets(%dma_start3A_5 : memref<128xi32, #tpu.memory_space<vmem>>) semaphore(%arg15 : memref<!tpu.dma_semaphore, #tpu.memory_space<semaphore_mem>>)
    %dma_start3A_13 = arith.constant 1 : i32
    %dma_start3A_14 = arith.constant 0 : i32
    %dma_start3A_15 = tpu.memref_slice %arg13[%dma_start3A_13, %dma_start3A_14] : memref<160x128xi32, #tpu.memory_space<vmem>> -> memref<1x128xi32, #tpu.memory_space<vmem>>
    %dma_start3A_16 = tpu.memref_squeeze %dma_start3A_15 : memref<1x128xi32, #tpu.memory_space<vmem>> -> memref<128xi32, #tpu.memory_space<vmem>>
    %dma_start3A_17 = arith.constant 0 : i32
    %dma_start3A_18 = arith.constant 0 : i32
    %dma_start3A_19 = tpu.memref_slice %arg2[%arg0, %dma_start3A_17, %dma_start3A_18] : memref<2x10000x64xf32, #tpu.memory_space<hbm>> -> memref<1x10000x64xf32, #tpu.memory_space<hbm>>
    %dma_start3A_20 = tpu.memref_squeeze %dma_start3A_19 : memref<1x10000x64xf32, #tpu.memory_space<hbm>> -> memref<10000x64xf32, #tpu.memory_space<hbm>>
    %dma_start3A_21 = arith.constant 0 : i32
    %dma_start3A_22 = arith.constant 0 : i32
    %dma_start3A_23 = tpu.memref_slice %dma_start3A_20[%dma_start3A_21, %dma_start3A_22] : memref<10000x64xf32, #tpu.memory_space<hbm>> -> memref<10000x64xf32, #tpu.memory_space<hbm>>
    tpu.enqueue_indirect_dma source(%dma_start3A_23 : memref<10000x64xf32, #tpu.memory_space<hbm>>) target(%arg9 : memref<128x64xf32, #tpu.memory_space<vmem>>) offsets(%dma_start3A_16 : memref<128xi32, #tpu.memory_space<vmem>>) semaphore(%arg16 : memref<!tpu.dma_semaphore, #tpu.memory_space<semaphore_mem>>)
    %dma_start3A_24 = arith.constant 2 : i32
    %dma_start3A_25 = arith.constant 0 : i32
    %dma_start3A_26 = tpu.memref_slice %arg13[%dma_start3A_24, %dma_start3A_25] : memref<160x128xi32, #tpu.memory_space<vmem>> -> memref<1x128xi32, #tpu.memory_space<vmem>>
    %dma_start3A_27 = tpu.memref_squeeze %dma_start3A_26 : memref<1x128xi32, #tpu.memory_space<vmem>> -> memref<128xi32, #tpu.memory_space<vmem>>
    %dma_start3A_28 = arith.constant 0 : i32
    %dma_start3A_29 = arith.constant 0 : i32
    %dma_start3A_30 = tpu.memref_slice %arg2[%arg0, %dma_start3A_28, %dma_start3A_29] : memref<2x10000x64xf32, #tpu.memory_space<hbm>> -> memref<1x10000x64xf32, #tpu.memory_space<hbm>>
    %dma_start3A_31 = tpu.memref_squeeze %dma_start3A_30 : memref<1x10000x64xf32, #tpu.memory_space<hbm>> -> memref<10000x64xf32, #tpu.memory_space<hbm>>
    %dma_start3A_32 = arith.constant 0 : i32
    %dma_start3A_33 = arith.constant 0 : i32
    %dma_start3A_34 = tpu.memref_slice %dma_start3A_31[%dma_start3A_32, %dma_start3A_33] : memref<10000x64xf32, #tpu.memory_space<hbm>> -> memref<10000x64xf32, #tpu.memory_space<hbm>>
    tpu.enqueue_indirect_dma source(%dma_start3A_34 : memref<10000x64xf32, #tpu.memory_space<hbm>>) target(%arg10 : memref<128x64xf32, #tpu.memory_space<vmem>>) offsets(%dma_start3A_27 : memref<128xi32, #tpu.memory_space<vmem>>) semaphore(%arg17 : memref<!tpu.dma_semaphore, #tpu.memory_space<semaphore_mem>>)
    %dma_start3A_35 = arith.constant 3 : i32
    %dma_start3A_36 = arith.constant 0 : i32
    %dma_start3A_37 = tpu.memref_slice %arg13[%dma_start3A_35, %dma_start3A_36] : memref<160x128xi32, #tpu.memory_space<vmem>> -> memref<1x128xi32, #tpu.memory_space<vmem>>
    %dma_start3A_38 = tpu.memref_squeeze %dma_start3A_37 : memref<1x128xi32, #tpu.memory_space<vmem>> -> memref<128xi32, #tpu.memory_space<vmem>>
    %dma_start3A_39 = arith.constant 0 : i32
    %dma_start3A_40 = arith.constant 0 : i32
    %dma_start3A_41 = tpu.memref_slice %arg2[%arg0, %dma_start3A_39, %dma_start3A_40] : memref<2x10000x64xf32, #tpu.memory_space<hbm>> -> memref<1x10000x64xf32, #tpu.memory_space<hbm>>
    %dma_start3A_42 = tpu.memref_squeeze %dma_start3A_41 : memref<1x10000x64xf32, #tpu.memory_space<hbm>> -> memref<10000x64xf32, #tpu.memory_space<hbm>>
    %dma_start3A_43 = arith.constant 0 : i32
    %dma_start3A_44 = arith.constant 0 : i32
    %dma_start3A_45 = tpu.memref_slice %dma_start3A_42[%dma_start3A_43, %dma_start3A_44] : memref<10000x64xf32, #tpu.memory_space<hbm>> -> memref<10000x64xf32, #tpu.memory_space<hbm>>
    tpu.enqueue_indirect_dma source(%dma_start3A_45 : memref<10000x64xf32, #tpu.memory_space<hbm>>) target(%arg11 : memref<128x64xf32, #tpu.memory_space<vmem>>) offsets(%dma_start3A_38 : memref<128xi32, #tpu.memory_space<vmem>>) semaphore(%arg18 : memref<!tpu.dma_semaphore, #tpu.memory_space<semaphore_mem>>)
    %dma_start3A_46 = arith.constant 4 : i32
    %dma_start3A_47 = arith.constant 0 : i32
    %dma_start3A_48 = tpu.memref_slice %arg13[%dma_start3A_46, %dma_start3A_47] : memref<160x128xi32, #tpu.memory_space<vmem>> -> memref<1x128xi32, #tpu.memory_space<vmem>>
    %dma_start3A_49 = tpu.memref_squeeze %dma_start3A_48 : memref<1x128xi32, #tpu.memory_space<vmem>> -> memref<128xi32, #tpu.memory_space<vmem>>
    %dma_start3A_50 = arith.constant 0 : i32
    %dma_start3A_51 = arith.constant 0 : i32
    %dma_start3A_52 = tpu.memref_slice %arg2[%arg0, %dma_start3A_50, %dma_start3A_51] : memref<2x10000x64xf32, #tpu.memory_space<hbm>> -> memref<1x10000x64xf32, #tpu.memory_space<hbm>>
    %dma_start3A_53 = tpu.memref_squeeze %dma_start3A_52 : memref<1x10000x64xf32, #tpu.memory_space<hbm>> -> memref<10000x64xf32, #tpu.memory_space<hbm>>
    %dma_start3A_54 = arith.constant 0 : i32
    %dma_start3A_55 = arith.constant 0 : i32
    %dma_start3A_56 = tpu.memref_slice %dma_start3A_53[%dma_start3A_54, %dma_start3A_55] : memref<10000x64xf32, #tpu.memory_space<hbm>> -> memref<10000x64xf32, #tpu.memory_space<hbm>>
    tpu.enqueue_indirect_dma source(%dma_start3A_56 : memref<10000x64xf32, #tpu.memory_space<hbm>>) target(%arg12 : memref<128x64xf32, #tpu.memory_space<vmem>>) offsets(%dma_start3A_49 : memref<128xi32, #tpu.memory_space<vmem>>) semaphore(%arg19 : memref<!tpu.dma_semaphore, #tpu.memory_space<semaphore_mem>>)
    %scan3A = arith.constant 0 : i32
    %scan3A_57 = arith.constant 0 : i32
    %scan3A_58 = arith.constant 32 : i32
    %scan3A_59 = arith.addi %scan3A_57, %scan3A_58 : i32
    %scan3A_60 = arith.constant 1 : i32
    scf.for %scan3A_101 = %scan3A_57 to %scan3A_59 step %scan3A_60  : i32 {
      %mul3A_102 = arith.constant 5 : i32
      %mul3A_103 = arith.muli %scan3A_101, %mul3A_102 : i32
      %add3A = arith.constant 0 : i32
      %add3A_104 = arith.addi %mul3A_103, %add3A : i32
      %dma_wait3A_105 = arith.constant 0 : i32
      %dma_wait3A_106 = tpu.memref_slice %arg13[%add3A_104, %dma_wait3A_105] : memref<160x128xi32, #tpu.memory_space<vmem>> -> memref<1x128xi32, #tpu.memory_space<vmem>>
      %dma_wait3A_107 = tpu.memref_squeeze %dma_wait3A_106 : memref<1x128xi32, #tpu.memory_space<vmem>> -> memref<128xi32, #tpu.memory_space<vmem>>
      %dma_wait3A_108 = arith.constant 0 : i32
      %dma_wait3A_109 = arith.constant 0 : i32
      %dma_wait3A_110 = tpu.memref_slice %arg2[%arg0, %dma_wait3A_108, %dma_wait3A_109] : memref<2x10000x64xf32, #tpu.memory_space<hbm>> -> memref<1x10000x64xf32, #tpu.memory_space<hbm>>
      %dma_wait3A_111 = tpu.memref_squeeze %dma_wait3A_110 : memref<1x10000x64xf32, #tpu.memory_space<hbm>> -> memref<10000x64xf32, #tpu.memory_space<hbm>>
      %dma_wait3A_112 = arith.constant 0 : i32
      %dma_wait3A_113 = arith.constant 0 : i32
      %dma_wait3A_114 = tpu.memref_slice %dma_wait3A_111[%dma_wait3A_112, %dma_wait3A_113] : memref<10000x64xf32, #tpu.memory_space<hbm>> -> memref<10000x64xf32, #tpu.memory_space<hbm>>
      tpu.wait_indirect_dma semaphore(%arg15 : memref<!tpu.dma_semaphore, #tpu.memory_space<semaphore_mem>>) src(%dma_wait3A_114 : memref<10000x64xf32, #tpu.memory_space<hbm>>) dst(%arg8 : memref<128x64xf32, #tpu.memory_space<vmem>>)
      %dma_start3A_115 = arith.constant 0 : i32
      %dma_start3A_116 = tpu.memref_slice %arg14[%add3A_104, %dma_start3A_115] : memref<160x128xi32, #tpu.memory_space<vmem>> -> memref<1x128xi32, #tpu.memory_space<vmem>>
      %dma_start3A_117 = tpu.memref_squeeze %dma_start3A_116 : memref<1x128xi32, #tpu.memory_space<vmem>> -> memref<128xi32, #tpu.memory_space<vmem>>
      %dma_start3A_118 = arith.constant 0 : i32
      %dma_start3A_119 = arith.constant 0 : i32
      %dma_start3A_120 = tpu.memref_slice %arg7[%dma_start3A_118, %dma_start3A_119] : memref<10112x64xf32, #tpu.memory_space<vmem_shared>> -> memref<10112x64xf32, #tpu.memory_space<vmem_shared>>
      tpu.enqueue_indirect_dma source(%arg8 : memref<128x64xf32, #tpu.memory_space<vmem>>) target(%dma_start3A_120 : memref<10112x64xf32, #tpu.memory_space<vmem_shared>>) offsets(%dma_start3A_117 : memref<128xi32, #tpu.memory_space<vmem>>) semaphore(%arg20 : memref<!tpu.dma_semaphore, #tpu.memory_space<semaphore_mem>>) {add = true}
      %ge3A = arith.constant 1 : i32
      %ge3A_121 = arith.cmpi sge, %add3A_104, %ge3A : i32
      %add3A_122 = arith.constant 5 : i32
      %add3A_123 = arith.addi %add3A_104, %add3A_122 : i32
      %sub3A = arith.constant 1 : i32
      %sub3A_124 = arith.subi %add3A_123, %sub3A : i32
      %lt3A = arith.constant 160 : i32
      %lt3A_125 = arith.cmpi slt, %sub3A_124, %lt3A : i32
      %and3A = arith.andi %ge3A_121, %lt3A_125 : i1
      %convert_element_type3A = arith.extui %and3A : i1 to i32
      %cond3A = arith.constant 0 : i32
      %cond3A_126 = arith.cmpi ne, %convert_element_type3A, %cond3A : i32
      scf.if %cond3A_126 {
        %sub3A_255 = arith.constant 1 : i32
        %sub3A_256 = arith.subi %add3A_104, %sub3A_255 : i32
        %dma_wait3A_257 = arith.constant 0 : i32
        %dma_wait3A_258 = tpu.memref_slice %arg14[%sub3A_256, %dma_wait3A_257] : memref<160x128xi32, #tpu.memory_space<vmem>> -> memref<1x128xi32, #tpu.memory_space<vmem>>
        %dma_wait3A_259 = tpu.memref_squeeze %dma_wait3A_258 : memref<1x128xi32, #tpu.memory_space<vmem>> -> memref<128xi32, #tpu.memory_space<vmem>>
        %dma_wait3A_260 = arith.constant 0 : i32
        %dma_wait3A_261 = arith.constant 0 : i32
        %dma_wait3A_262 = tpu.memref_slice %arg7[%dma_wait3A_260, %dma_wait3A_261] : memref<10112x64xf32, #tpu.memory_space<vmem_shared>> -> memref<10112x64xf32, #tpu.memory_space<vmem_shared>>
        tpu.wait_indirect_dma semaphore(%arg24 : memref<!tpu.dma_semaphore, #tpu.memory_space<semaphore_mem>>) src(%arg12 : memref<128x64xf32, #tpu.memory_space<vmem>>) dst(%dma_wait3A_262 : memref<10112x64xf32, #tpu.memory_space<vmem_shared>>)
        %add3A_263 = arith.constant 5 : i32
        %add3A_264 = arith.addi %add3A_104, %add3A_263 : i32
        %sub3A_265 = arith.constant 1 : i32
        %sub3A_266 = arith.subi %add3A_264, %sub3A_265 : i32
        %dma_start3A_267 = arith.constant 0 : i32
        %dma_start3A_268 = tpu.memref_slice %arg13[%sub3A_266, %dma_start3A_267] : memref<160x128xi32, #tpu.memory_space<vmem>> -> memref<1x128xi32, #tpu.memory_space<vmem>>
        %dma_start3A_269 = tpu.memref_squeeze %dma_start3A_268 : memref<1x128xi32, #tpu.memory_space<vmem>> -> memref<128xi32, #tpu.memory_space<vmem>>
        %dma_start3A_270 = arith.constant 0 : i32
        %dma_start3A_271 = arith.constant 0 : i32
        %dma_start3A_272 = tpu.memref_slice %arg2[%arg0, %dma_start3A_270, %dma_start3A_271] : memref<2x10000x64xf32, #tpu.memory_space<hbm>> -> memref<1x10000x64xf32, #tpu.memory_space<hbm>>
        %dma_start3A_273 = tpu.memref_squeeze %dma_start3A_272 : memref<1x10000x64xf32, #tpu.memory_space<hbm>> -> memref<10000x64xf32, #tpu.memory_space<hbm>>
        %dma_start3A_274 = arith.constant 0 : i32
        %dma_start3A_275 = arith.constant 0 : i32
        %dma_start3A_276 = tpu.memref_slice %dma_start3A_273[%dma_start3A_274, %dma_start3A_275] : memref<10000x64xf32, #tpu.memory_space<hbm>> -> memref<10000x64xf32, #tpu.memory_space<hbm>>
        tpu.enqueue_indirect_dma source(%dma_start3A_276 : memref<10000x64xf32, #tpu.memory_space<hbm>>) target(%arg12 : memref<128x64xf32, #tpu.memory_space<vmem>>) offsets(%dma_start3A_269 : memref<128xi32, #tpu.memory_space<vmem>>) semaphore(%arg19 : memref<!tpu.dma_semaphore, #tpu.memory_space<semaphore_mem>>)
      } else {
      }
      %mul3A_127 = arith.constant 5 : i32
      %mul3A_128 = arith.muli %scan3A_101, %mul3A_127 : i32
      %add3A_129 = arith.constant 1 : i32
      %add3A_130 = arith.addi %mul3A_128, %add3A_129 : i32
      %dma_wait3A_131 = arith.constant 0 : i32
      %dma_wait3A_132 = tpu.memref_slice %arg13[%add3A_130, %dma_wait3A_131] : memref<160x128xi32, #tpu.memory_space<vmem>> -> memref<1x128xi32, #tpu.memory_space<vmem>>
      %dma_wait3A_133 = tpu.memref_squeeze %dma_wait3A_132 : memref<1x128xi32, #tpu.memory_space<vmem>> -> memref<128xi32, #tpu.memory_space<vmem>>
      %dma_wait3A_134 = arith.constant 0 : i32
      %dma_wait3A_135 = arith.constant 0 : i32
      %dma_wait3A_136 = tpu.memref_slice %arg2[%arg0, %dma_wait3A_134, %dma_wait3A_135] : memref<2x10000x64xf32, #tpu.memory_space<hbm>> -> memref<1x10000x64xf32, #tpu.memory_space<hbm>>
      %dma_wait3A_137 = tpu.memref_squeeze %dma_wait3A_136 : memref<1x10000x64xf32, #tpu.memory_space<hbm>> -> memref<10000x64xf32, #tpu.memory_space<hbm>>
      %dma_wait3A_138 = arith.constant 0 : i32
      %dma_wait3A_139 = arith.constant 0 : i32
      %dma_wait3A_140 = tpu.memref_slice %dma_wait3A_137[%dma_wait3A_138, %dma_wait3A_139] : memref<10000x64xf32, #tpu.memory_space<hbm>> -> memref<10000x64xf32, #tpu.memory_space<hbm>>
      tpu.wait_indirect_dma semaphore(%arg16 : memref<!tpu.dma_semaphore, #tpu.memory_space<semaphore_mem>>) src(%dma_wait3A_140 : memref<10000x64xf32, #tpu.memory_space<hbm>>) dst(%arg9 : memref<128x64xf32, #tpu.memory_space<vmem>>)
      %dma_start3A_141 = arith.constant 0 : i32
      %dma_start3A_142 = tpu.memref_slice %arg14[%add3A_130, %dma_start3A_141] : memref<160x128xi32, #tpu.memory_space<vmem>> -> memref<1x128xi32, #tpu.memory_space<vmem>>
      %dma_start3A_143 = tpu.memref_squeeze %dma_start3A_142 : memref<1x128xi32, #tpu.memory_space<vmem>> -> memref<128xi32, #tpu.memory_space<vmem>>
      %dma_start3A_144 = arith.constant 0 : i32
      %dma_start3A_145 = arith.constant 0 : i32
      %dma_start3A_146 = tpu.memref_slice %arg7[%dma_start3A_144, %dma_start3A_145] : memref<10112x64xf32, #tpu.memory_space<vmem_shared>> -> memref<10112x64xf32, #tpu.memory_space<vmem_shared>>
      tpu.enqueue_indirect_dma source(%arg9 : memref<128x64xf32, #tpu.memory_space<vmem>>) target(%dma_start3A_146 : memref<10112x64xf32, #tpu.memory_space<vmem_shared>>) offsets(%dma_start3A_143 : memref<128xi32, #tpu.memory_space<vmem>>) semaphore(%arg21 : memref<!tpu.dma_semaphore, #tpu.memory_space<semaphore_mem>>) {add = true}
      %ge3A_147 = arith.constant 1 : i32
      %ge3A_148 = arith.cmpi sge, %add3A_130, %ge3A_147 : i32
      %add3A_149 = arith.constant 5 : i32
      %add3A_150 = arith.addi %add3A_130, %add3A_149 : i32
      %sub3A_151 = arith.constant 1 : i32
      %sub3A_152 = arith.subi %add3A_150, %sub3A_151 : i32
      %lt3A_153 = arith.constant 160 : i32
      %lt3A_154 = arith.cmpi slt, %sub3A_152, %lt3A_153 : i32
      %and3A_155 = arith.andi %ge3A_148, %lt3A_154 : i1
      %convert_element_type3A_156 = arith.extui %and3A_155 : i1 to i32
      %cond3A_157 = arith.constant 0 : i32
      %cond3A_158 = arith.cmpi ne, %convert_element_type3A_156, %cond3A_157 : i32
      scf.if %cond3A_158 {
        %sub3A_255 = arith.constant 1 : i32
        %sub3A_256 = arith.subi %add3A_130, %sub3A_255 : i32
        %dma_wait3A_257 = arith.constant 0 : i32
        %dma_wait3A_258 = tpu.memref_slice %arg14[%sub3A_256, %dma_wait3A_257] : memref<160x128xi32, #tpu.memory_space<vmem>> -> memref<1x128xi32, #tpu.memory_space<vmem>>
        %dma_wait3A_259 = tpu.memref_squeeze %dma_wait3A_258 : memref<1x128xi32, #tpu.memory_space<vmem>> -> memref<128xi32, #tpu.memory_space<vmem>>
        %dma_wait3A_260 = arith.constant 0 : i32
        %dma_wait3A_261 = arith.constant 0 : i32
        %dma_wait3A_262 = tpu.memref_slice %arg7[%dma_wait3A_260, %dma_wait3A_261] : memref<10112x64xf32, #tpu.memory_space<vmem_shared>> -> memref<10112x64xf32, #tpu.memory_space<vmem_shared>>
        tpu.wait_indirect_dma semaphore(%arg20 : memref<!tpu.dma_semaphore, #tpu.memory_space<semaphore_mem>>) src(%arg8 : memref<128x64xf32, #tpu.memory_space<vmem>>) dst(%dma_wait3A_262 : memref<10112x64xf32, #tpu.memory_space<vmem_shared>>)
        %add3A_263 = arith.constant 5 : i32
        %add3A_264 = arith.addi %add3A_130, %add3A_263 : i32
        %sub3A_265 = arith.constant 1 : i32
        %sub3A_266 = arith.subi %add3A_264, %sub3A_265 : i32
        %dma_start3A_267 = arith.constant 0 : i32
        %dma_start3A_268 = tpu.memref_slice %arg13[%sub3A_266, %dma_start3A_267] : memref<160x128xi32, #tpu.memory_space<vmem>> -> memref<1x128xi32, #tpu.memory_space<vmem>>
        %dma_start3A_269 = tpu.memref_squeeze %dma_start3A_268 : memref<1x128xi32, #tpu.memory_space<vmem>> -> memref<128xi32, #tpu.memory_space<vmem>>
        %dma_start3A_270 = arith.constant 0 : i32
        %dma_start3A_271 = arith.constant 0 : i32
        %dma_start3A_272 = tpu.memref_slice %arg2[%arg0, %dma_start3A_270, %dma_start3A_271] : memref<2x10000x64xf32, #tpu.memory_space<hbm>> -> memref<1x10000x64xf32, #tpu.memory_space<hbm>>
        %dma_start3A_273 = tpu.memref_squeeze %dma_start3A_272 : memref<1x10000x64xf32, #tpu.memory_space<hbm>> -> memref<10000x64xf32, #tpu.memory_space<hbm>>
        %dma_start3A_274 = arith.constant 0 : i32
        %dma_start3A_275 = arith.constant 0 : i32
        %dma_start3A_276 = tpu.memref_slice %dma_start3A_273[%dma_start3A_274, %dma_start3A_275] : memref<10000x64xf32, #tpu.memory_space<hbm>> -> memref<10000x64xf32, #tpu.memory_space<hbm>>
        tpu.enqueue_indirect_dma source(%dma_start3A_276 : memref<10000x64xf32, #tpu.memory_space<hbm>>) target(%arg8 : memref<128x64xf32, #tpu.memory_space<vmem>>) offsets(%dma_start3A_269 : memref<128xi32, #tpu.memory_space<vmem>>) semaphore(%arg15 : memref<!tpu.dma_semaphore, #tpu.memory_space<semaphore_mem>>)
      } else {
      }
      %mul3A_159 = arith.constant 5 : i32
      %mul3A_160 = arith.muli %scan3A_101, %mul3A_159 : i32
      %add3A_161 = arith.constant 2 : i32
      %add3A_162 = arith.addi %mul3A_160, %add3A_161 : i32
      %dma_wait3A_163 = arith.constant 0 : i32
      %dma_wait3A_164 = tpu.memref_slice %arg13[%add3A_162, %dma_wait3A_163] : memref<160x128xi32, #tpu.memory_space<vmem>> -> memref<1x128xi32, #tpu.memory_space<vmem>>
      %dma_wait3A_165 = tpu.memref_squeeze %dma_wait3A_164 : memref<1x128xi32, #tpu.memory_space<vmem>> -> memref<128xi32, #tpu.memory_space<vmem>>
      %dma_wait3A_166 = arith.constant 0 : i32
      %dma_wait3A_167 = arith.constant 0 : i32
      %dma_wait3A_168 = tpu.memref_slice %arg2[%arg0, %dma_wait3A_166, %dma_wait3A_167] : memref<2x10000x64xf32, #tpu.memory_space<hbm>> -> memref<1x10000x64xf32, #tpu.memory_space<hbm>>
      %dma_wait3A_169 = tpu.memref_squeeze %dma_wait3A_168 : memref<1x10000x64xf32, #tpu.memory_space<hbm>> -> memref<10000x64xf32, #tpu.memory_space<hbm>>
      %dma_wait3A_170 = arith.constant 0 : i32
      %dma_wait3A_171 = arith.constant 0 : i32
      %dma_wait3A_172 = tpu.memref_slice %dma_wait3A_169[%dma_wait3A_170, %dma_wait3A_171] : memref<10000x64xf32, #tpu.memory_space<hbm>> -> memref<10000x64xf32, #tpu.memory_space<hbm>>
      tpu.wait_indirect_dma semaphore(%arg17 : memref<!tpu.dma_semaphore, #tpu.memory_space<semaphore_mem>>) src(%dma_wait3A_172 : memref<10000x64xf32, #tpu.memory_space<hbm>>) dst(%arg10 : memref<128x64xf32, #tpu.memory_space<vmem>>)
      %dma_start3A_173 = arith.constant 0 : i32
      %dma_start3A_174 = tpu.memref_slice %arg14[%add3A_162, %dma_start3A_173] : memref<160x128xi32, #tpu.memory_space<vmem>> -> memref<1x128xi32, #tpu.memory_space<vmem>>
      %dma_start3A_175 = tpu.memref_squeeze %dma_start3A_174 : memref<1x128xi32, #tpu.memory_space<vmem>> -> memref<128xi32, #tpu.memory_space<vmem>>
      %dma_start3A_176 = arith.constant 0 : i32
      %dma_start3A_177 = arith.constant 0 : i32
      %dma_start3A_178 = tpu.memref_slice %arg7[%dma_start3A_176, %dma_start3A_177] : memref<10112x64xf32, #tpu.memory_space<vmem_shared>> -> memref<10112x64xf32, #tpu.memory_space<vmem_shared>>
      tpu.enqueue_indirect_dma source(%arg10 : memref<128x64xf32, #tpu.memory_space<vmem>>) target(%dma_start3A_178 : memref<10112x64xf32, #tpu.memory_space<vmem_shared>>) offsets(%dma_start3A_175 : memref<128xi32, #tpu.memory_space<vmem>>) semaphore(%arg22 : memref<!tpu.dma_semaphore, #tpu.memory_space<semaphore_mem>>) {add = true}
      %ge3A_179 = arith.constant 1 : i32
      %ge3A_180 = arith.cmpi sge, %add3A_162, %ge3A_179 : i32
      %add3A_181 = arith.constant 5 : i32
      %add3A_182 = arith.addi %add3A_162, %add3A_181 : i32
      %sub3A_183 = arith.constant 1 : i32
      %sub3A_184 = arith.subi %add3A_182, %sub3A_183 : i32
      %lt3A_185 = arith.constant 160 : i32
      %lt3A_186 = arith.cmpi slt, %sub3A_184, %lt3A_185 : i32
      %and3A_187 = arith.andi %ge3A_180, %lt3A_186 : i1
      %convert_element_type3A_188 = arith.extui %and3A_187 : i1 to i32
      %cond3A_189 = arith.constant 0 : i32
      %cond3A_190 = arith.cmpi ne, %convert_element_type3A_188, %cond3A_189 : i32
      scf.if %cond3A_190 {
        %sub3A_255 = arith.constant 1 : i32
        %sub3A_256 = arith.subi %add3A_162, %sub3A_255 : i32
        %dma_wait3A_257 = arith.constant 0 : i32
        %dma_wait3A_258 = tpu.memref_slice %arg14[%sub3A_256, %dma_wait3A_257] : memref<160x128xi32, #tpu.memory_space<vmem>> -> memref<1x128xi32, #tpu.memory_space<vmem>>
        %dma_wait3A_259 = tpu.memref_squeeze %dma_wait3A_258 : memref<1x128xi32, #tpu.memory_space<vmem>> -> memref<128xi32, #tpu.memory_space<vmem>>
        %dma_wait3A_260 = arith.constant 0 : i32
        %dma_wait3A_261 = arith.constant 0 : i32
        %dma_wait3A_262 = tpu.memref_slice %arg7[%dma_wait3A_260, %dma_wait3A_261] : memref<10112x64xf32, #tpu.memory_space<vmem_shared>> -> memref<10112x64xf32, #tpu.memory_space<vmem_shared>>
        tpu.wait_indirect_dma semaphore(%arg21 : memref<!tpu.dma_semaphore, #tpu.memory_space<semaphore_mem>>) src(%arg9 : memref<128x64xf32, #tpu.memory_space<vmem>>) dst(%dma_wait3A_262 : memref<10112x64xf32, #tpu.memory_space<vmem_shared>>)
        %add3A_263 = arith.constant 5 : i32
        %add3A_264 = arith.addi %add3A_162, %add3A_263 : i32
        %sub3A_265 = arith.constant 1 : i32
        %sub3A_266 = arith.subi %add3A_264, %sub3A_265 : i32
        %dma_start3A_267 = arith.constant 0 : i32
        %dma_start3A_268 = tpu.memref_slice %arg13[%sub3A_266, %dma_start3A_267] : memref<160x128xi32, #tpu.memory_space<vmem>> -> memref<1x128xi32, #tpu.memory_space<vmem>>
        %dma_start3A_269 = tpu.memref_squeeze %dma_start3A_268 : memref<1x128xi32, #tpu.memory_space<vmem>> -> memref<128xi32, #tpu.memory_space<vmem>>
        %dma_start3A_270 = arith.constant 0 : i32
        %dma_start3A_271 = arith.constant 0 : i32
        %dma_start3A_272 = tpu.memref_slice %arg2[%arg0, %dma_start3A_270, %dma_start3A_271] : memref<2x10000x64xf32, #tpu.memory_space<hbm>> -> memref<1x10000x64xf32, #tpu.memory_space<hbm>>
        %dma_start3A_273 = tpu.memref_squeeze %dma_start3A_272 : memref<1x10000x64xf32, #tpu.memory_space<hbm>> -> memref<10000x64xf32, #tpu.memory_space<hbm>>
        %dma_start3A_274 = arith.constant 0 : i32
        %dma_start3A_275 = arith.constant 0 : i32
        %dma_start3A_276 = tpu.memref_slice %dma_start3A_273[%dma_start3A_274, %dma_start3A_275] : memref<10000x64xf32, #tpu.memory_space<hbm>> -> memref<10000x64xf32, #tpu.memory_space<hbm>>
        tpu.enqueue_indirect_dma source(%dma_start3A_276 : memref<10000x64xf32, #tpu.memory_space<hbm>>) target(%arg9 : memref<128x64xf32, #tpu.memory_space<vmem>>) offsets(%dma_start3A_269 : memref<128xi32, #tpu.memory_space<vmem>>) semaphore(%arg16 : memref<!tpu.dma_semaphore, #tpu.memory_space<semaphore_mem>>)
      } else {
      }
      %mul3A_191 = arith.constant 5 : i32
      %mul3A_192 = arith.muli %scan3A_101, %mul3A_191 : i32
      %add3A_193 = arith.constant 3 : i32
      %add3A_194 = arith.addi %mul3A_192, %add3A_193 : i32
      %dma_wait3A_195 = arith.constant 0 : i32
      %dma_wait3A_196 = tpu.memref_slice %arg13[%add3A_194, %dma_wait3A_195] : memref<160x128xi32, #tpu.memory_space<vmem>> -> memref<1x128xi32, #tpu.memory_space<vmem>>
      %dma_wait3A_197 = tpu.memref_squeeze %dma_wait3A_196 : memref<1x128xi32, #tpu.memory_space<vmem>> -> memref<128xi32, #tpu.memory_space<vmem>>
      %dma_wait3A_198 = arith.constant 0 : i32
      %dma_wait3A_199 = arith.constant 0 : i32
      %dma_wait3A_200 = tpu.memref_slice %arg2[%arg0, %dma_wait3A_198, %dma_wait3A_199] : memref<2x10000x64xf32, #tpu.memory_space<hbm>> -> memref<1x10000x64xf32, #tpu.memory_space<hbm>>
      %dma_wait3A_201 = tpu.memref_squeeze %dma_wait3A_200 : memref<1x10000x64xf32, #tpu.memory_space<hbm>> -> memref<10000x64xf32, #tpu.memory_space<hbm>>
      %dma_wait3A_202 = arith.constant 0 : i32
      %dma_wait3A_203 = arith.constant 0 : i32
      %dma_wait3A_204 = tpu.memref_slice %dma_wait3A_201[%dma_wait3A_202, %dma_wait3A_203] : memref<10000x64xf32, #tpu.memory_space<hbm>> -> memref<10000x64xf32, #tpu.memory_space<hbm>>
      tpu.wait_indirect_dma semaphore(%arg18 : memref<!tpu.dma_semaphore, #tpu.memory_space<semaphore_mem>>) src(%dma_wait3A_204 : memref<10000x64xf32, #tpu.memory_space<hbm>>) dst(%arg11 : memref<128x64xf32, #tpu.memory_space<vmem>>)
      %dma_start3A_205 = arith.constant 0 : i32
      %dma_start3A_206 = tpu.memref_slice %arg14[%add3A_194, %dma_start3A_205] : memref<160x128xi32, #tpu.memory_space<vmem>> -> memref<1x128xi32, #tpu.memory_space<vmem>>
      %dma_start3A_207 = tpu.memref_squeeze %dma_start3A_206 : memref<1x128xi32, #tpu.memory_space<vmem>> -> memref<128xi32, #tpu.memory_space<vmem>>
      %dma_start3A_208 = arith.constant 0 : i32
      %dma_start3A_209 = arith.constant 0 : i32
      %dma_start3A_210 = tpu.memref_slice %arg7[%dma_start3A_208, %dma_start3A_209] : memref<10112x64xf32, #tpu.memory_space<vmem_shared>> -> memref<10112x64xf32, #tpu.memory_space<vmem_shared>>
      tpu.enqueue_indirect_dma source(%arg11 : memref<128x64xf32, #tpu.memory_space<vmem>>) target(%dma_start3A_210 : memref<10112x64xf32, #tpu.memory_space<vmem_shared>>) offsets(%dma_start3A_207 : memref<128xi32, #tpu.memory_space<vmem>>) semaphore(%arg23 : memref<!tpu.dma_semaphore, #tpu.memory_space<semaphore_mem>>) {add = true}
      %ge3A_211 = arith.constant 1 : i32
      %ge3A_212 = arith.cmpi sge, %add3A_194, %ge3A_211 : i32
      %add3A_213 = arith.constant 5 : i32
      %add3A_214 = arith.addi %add3A_194, %add3A_213 : i32
      %sub3A_215 = arith.constant 1 : i32
      %sub3A_216 = arith.subi %add3A_214, %sub3A_215 : i32
      %lt3A_217 = arith.constant 160 : i32
      %lt3A_218 = arith.cmpi slt, %sub3A_216, %lt3A_217 : i32
      %and3A_219 = arith.andi %ge3A_212, %lt3A_218 : i1
      %convert_element_type3A_220 = arith.extui %and3A_219 : i1 to i32
      %cond3A_221 = arith.constant 0 : i32
      %cond3A_222 = arith.cmpi ne, %convert_element_type3A_220, %cond3A_221 : i32
      scf.if %cond3A_222 {
        %sub3A_255 = arith.constant 1 : i32
        %sub3A_256 = arith.subi %add3A_194, %sub3A_255 : i32
        %dma_wait3A_257 = arith.constant 0 : i32
        %dma_wait3A_258 = tpu.memref_slice %arg14[%sub3A_256, %dma_wait3A_257] : memref<160x128xi32, #tpu.memory_space<vmem>> -> memref<1x128xi32, #tpu.memory_space<vmem>>
        %dma_wait3A_259 = tpu.memref_squeeze %dma_wait3A_258 : memref<1x128xi32, #tpu.memory_space<vmem>> -> memref<128xi32, #tpu.memory_space<vmem>>
        %dma_wait3A_260 = arith.constant 0 : i32
        %dma_wait3A_261 = arith.constant 0 : i32
        %dma_wait3A_262 = tpu.memref_slice %arg7[%dma_wait3A_260, %dma_wait3A_261] : memref<10112x64xf32, #tpu.memory_space<vmem_shared>> -> memref<10112x64xf32, #tpu.memory_space<vmem_shared>>
        tpu.wait_indirect_dma semaphore(%arg22 : memref<!tpu.dma_semaphore, #tpu.memory_space<semaphore_mem>>) src(%arg10 : memref<128x64xf32, #tpu.memory_space<vmem>>) dst(%dma_wait3A_262 : memref<10112x64xf32, #tpu.memory_space<vmem_shared>>)
        %add3A_263 = arith.constant 5 : i32
        %add3A_264 = arith.addi %add3A_194, %add3A_263 : i32
        %sub3A_265 = arith.constant 1 : i32
        %sub3A_266 = arith.subi %add3A_264, %sub3A_265 : i32
        %dma_start3A_267 = arith.constant 0 : i32
        %dma_start3A_268 = tpu.memref_slice %arg13[%sub3A_266, %dma_start3A_267] : memref<160x128xi32, #tpu.memory_space<vmem>> -> memref<1x128xi32, #tpu.memory_space<vmem>>
        %dma_start3A_269 = tpu.memref_squeeze %dma_start3A_268 : memref<1x128xi32, #tpu.memory_space<vmem>> -> memref<128xi32, #tpu.memory_space<vmem>>
        %dma_start3A_270 = arith.constant 0 : i32
        %dma_start3A_271 = arith.constant 0 : i32
        %dma_start3A_272 = tpu.memref_slice %arg2[%arg0, %dma_start3A_270, %dma_start3A_271] : memref<2x10000x64xf32, #tpu.memory_space<hbm>> -> memref<1x10000x64xf32, #tpu.memory_space<hbm>>
        %dma_start3A_273 = tpu.memref_squeeze %dma_start3A_272 : memref<1x10000x64xf32, #tpu.memory_space<hbm>> -> memref<10000x64xf32, #tpu.memory_space<hbm>>
        %dma_start3A_274 = arith.constant 0 : i32
        %dma_start3A_275 = arith.constant 0 : i32
        %dma_start3A_276 = tpu.memref_slice %dma_start3A_273[%dma_start3A_274, %dma_start3A_275] : memref<10000x64xf32, #tpu.memory_space<hbm>> -> memref<10000x64xf32, #tpu.memory_space<hbm>>
        tpu.enqueue_indirect_dma source(%dma_start3A_276 : memref<10000x64xf32, #tpu.memory_space<hbm>>) target(%arg10 : memref<128x64xf32, #tpu.memory_space<vmem>>) offsets(%dma_start3A_269 : memref<128xi32, #tpu.memory_space<vmem>>) semaphore(%arg17 : memref<!tpu.dma_semaphore, #tpu.memory_space<semaphore_mem>>)
      } else {
      }
      %mul3A_223 = arith.constant 5 : i32
      %mul3A_224 = arith.muli %scan3A_101, %mul3A_223 : i32
      %add3A_225 = arith.constant 4 : i32
      %add3A_226 = arith.addi %mul3A_224, %add3A_225 : i32
      %dma_wait3A_227 = arith.constant 0 : i32
      %dma_wait3A_228 = tpu.memref_slice %arg13[%add3A_226, %dma_wait3A_227] : memref<160x128xi32, #tpu.memory_space<vmem>> -> memref<1x128xi32, #tpu.memory_space<vmem>>
      %dma_wait3A_229 = tpu.memref_squeeze %dma_wait3A_228 : memref<1x128xi32, #tpu.memory_space<vmem>> -> memref<128xi32, #tpu.memory_space<vmem>>
      %dma_wait3A_230 = arith.constant 0 : i32
      %dma_wait3A_231 = arith.constant 0 : i32
      %dma_wait3A_232 = tpu.memref_slice %arg2[%arg0, %dma_wait3A_230, %dma_wait3A_231] : memref<2x10000x64xf32, #tpu.memory_space<hbm>> -> memref<1x10000x64xf32, #tpu.memory_space<hbm>>
      %dma_wait3A_233 = tpu.memref_squeeze %dma_wait3A_232 : memref<1x10000x64xf32, #tpu.memory_space<hbm>> -> memref<10000x64xf32, #tpu.memory_space<hbm>>
      %dma_wait3A_234 = arith.constant 0 : i32
      %dma_wait3A_235 = arith.constant 0 : i32
      %dma_wait3A_236 = tpu.memref_slice %dma_wait3A_233[%dma_wait3A_234, %dma_wait3A_235] : memref<10000x64xf32, #tpu.memory_space<hbm>> -> memref<10000x64xf32, #tpu.memory_space<hbm>>
      tpu.wait_indirect_dma semaphore(%arg19 : memref<!tpu.dma_semaphore, #tpu.memory_space<semaphore_mem>>) src(%dma_wait3A_236 : memref<10000x64xf32, #tpu.memory_space<hbm>>) dst(%arg12 : memref<128x64xf32, #tpu.memory_space<vmem>>)
      %dma_start3A_237 = arith.constant 0 : i32
      %dma_start3A_238 = tpu.memref_slice %arg14[%add3A_226, %dma_start3A_237] : memref<160x128xi32, #tpu.memory_space<vmem>> -> memref<1x128xi32, #tpu.memory_space<vmem>>
      %dma_start3A_239 = tpu.memref_squeeze %dma_start3A_238 : memref<1x128xi32, #tpu.memory_space<vmem>> -> memref<128xi32, #tpu.memory_space<vmem>>
      %dma_start3A_240 = arith.constant 0 : i32
      %dma_start3A_241 = arith.constant 0 : i32
      %dma_start3A_242 = tpu.memref_slice %arg7[%dma_start3A_240, %dma_start3A_241] : memref<10112x64xf32, #tpu.memory_space<vmem_shared>> -> memref<10112x64xf32, #tpu.memory_space<vmem_shared>>
      tpu.enqueue_indirect_dma source(%arg12 : memref<128x64xf32, #tpu.memory_space<vmem>>) target(%dma_start3A_242 : memref<10112x64xf32, #tpu.memory_space<vmem_shared>>) offsets(%dma_start3A_239 : memref<128xi32, #tpu.memory_space<vmem>>) semaphore(%arg24 : memref<!tpu.dma_semaphore, #tpu.memory_space<semaphore_mem>>) {add = true}
      %ge3A_243 = arith.constant 1 : i32
      %ge3A_244 = arith.cmpi sge, %add3A_226, %ge3A_243 : i32
      %add3A_245 = arith.constant 5 : i32
      %add3A_246 = arith.addi %add3A_226, %add3A_245 : i32
      %sub3A_247 = arith.constant 1 : i32
      %sub3A_248 = arith.subi %add3A_246, %sub3A_247 : i32
      %lt3A_249 = arith.constant 160 : i32
      %lt3A_250 = arith.cmpi slt, %sub3A_248, %lt3A_249 : i32
      %and3A_251 = arith.andi %ge3A_244, %lt3A_250 : i1
      %convert_element_type3A_252 = arith.extui %and3A_251 : i1 to i32
      %cond3A_253 = arith.constant 0 : i32
      %cond3A_254 = arith.cmpi ne, %convert_element_type3A_252, %cond3A_253 : i32
      scf.if %cond3A_254 {
        %sub3A_255 = arith.constant 1 : i32
        %sub3A_256 = arith.subi %add3A_226, %sub3A_255 : i32
        %dma_wait3A_257 = arith.constant 0 : i32
        %dma_wait3A_258 = tpu.memref_slice %arg14[%sub3A_256, %dma_wait3A_257] : memref<160x128xi32, #tpu.memory_space<vmem>> -> memref<1x128xi32, #tpu.memory_space<vmem>>
        %dma_wait3A_259 = tpu.memref_squeeze %dma_wait3A_258 : memref<1x128xi32, #tpu.memory_space<vmem>> -> memref<128xi32, #tpu.memory_space<vmem>>
        %dma_wait3A_260 = arith.constant 0 : i32
        %dma_wait3A_261 = arith.constant 0 : i32
        %dma_wait3A_262 = tpu.memref_slice %arg7[%dma_wait3A_260, %dma_wait3A_261] : memref<10112x64xf32, #tpu.memory_space<vmem_shared>> -> memref<10112x64xf32, #tpu.memory_space<vmem_shared>>
        tpu.wait_indirect_dma semaphore(%arg23 : memref<!tpu.dma_semaphore, #tpu.memory_space<semaphore_mem>>) src(%arg11 : memref<128x64xf32, #tpu.memory_space<vmem>>) dst(%dma_wait3A_262 : memref<10112x64xf32, #tpu.memory_space<vmem_shared>>)
        %add3A_263 = arith.constant 5 : i32
        %add3A_264 = arith.addi %add3A_226, %add3A_263 : i32
        %sub3A_265 = arith.constant 1 : i32
        %sub3A_266 = arith.subi %add3A_264, %sub3A_265 : i32
        %dma_start3A_267 = arith.constant 0 : i32
        %dma_start3A_268 = tpu.memref_slice %arg13[%sub3A_266, %dma_start3A_267] : memref<160x128xi32, #tpu.memory_space<vmem>> -> memref<1x128xi32, #tpu.memory_space<vmem>>
        %dma_start3A_269 = tpu.memref_squeeze %dma_start3A_268 : memref<1x128xi32, #tpu.memory_space<vmem>> -> memref<128xi32, #tpu.memory_space<vmem>>
        %dma_start3A_270 = arith.constant 0 : i32
        %dma_start3A_271 = arith.constant 0 : i32
        %dma_start3A_272 = tpu.memref_slice %arg2[%arg0, %dma_start3A_270, %dma_start3A_271] : memref<2x10000x64xf32, #tpu.memory_space<hbm>> -> memref<1x10000x64xf32, #tpu.memory_space<hbm>>
        %dma_start3A_273 = tpu.memref_squeeze %dma_start3A_272 : memref<1x10000x64xf32, #tpu.memory_space<hbm>> -> memref<10000x64xf32, #tpu.memory_space<hbm>>
        %dma_start3A_274 = arith.constant 0 : i32
        %dma_start3A_275 = arith.constant 0 : i32
        %dma_start3A_276 = tpu.memref_slice %dma_start3A_273[%dma_start3A_274, %dma_start3A_275] : memref<10000x64xf32, #tpu.memory_space<hbm>> -> memref<10000x64xf32, #tpu.memory_space<hbm>>
        tpu.enqueue_indirect_dma source(%dma_start3A_276 : memref<10000x64xf32, #tpu.memory_space<hbm>>) target(%arg11 : memref<128x64xf32, #tpu.memory_space<vmem>>) offsets(%dma_start3A_269 : memref<128xi32, #tpu.memory_space<vmem>>) semaphore(%arg18 : memref<!tpu.dma_semaphore, #tpu.memory_space<semaphore_mem>>)
      } else {
      }
    }
    %scan3A_61 = arith.constant 32 : i32
    %dma_wait3A = arith.constant 155 : i32
    %dma_wait3A_62 = arith.constant 0 : i32
    %dma_wait3A_63 = tpu.memref_slice %arg14[%dma_wait3A, %dma_wait3A_62] : memref<160x128xi32, #tpu.memory_space<vmem>> -> memref<1x128xi32, #tpu.memory_space<vmem>>
    %dma_wait3A_64 = tpu.memref_squeeze %dma_wait3A_63 : memref<1x128xi32, #tpu.memory_space<vmem>> -> memref<128xi32, #tpu.memory_space<vmem>>
    %dma_wait3A_65 = arith.constant 0 : i32
    %dma_wait3A_66 = arith.constant 0 : i32
    %dma_wait3A_67 = tpu.memref_slice %arg7[%dma_wait3A_65, %dma_wait3A_66] : memref<10112x64xf32, #tpu.memory_space<vmem_shared>> -> memref<10112x64xf32, #tpu.memory_space<vmem_shared>>
    tpu.wait_indirect_dma semaphore(%arg20 : memref<!tpu.dma_semaphore, #tpu.memory_space<semaphore_mem>>) src(%arg8 : memref<128x64xf32, #tpu.memory_space<vmem>>) dst(%dma_wait3A_67 : memref<10112x64xf32, #tpu.memory_space<vmem_shared>>)
    %dma_wait3A_68 = arith.constant 156 : i32
    %dma_wait3A_69 = arith.constant 0 : i32
    %dma_wait3A_70 = tpu.memref_slice %arg14[%dma_wait3A_68, %dma_wait3A_69] : memref<160x128xi32, #tpu.memory_space<vmem>> -> memref<1x128xi32, #tpu.memory_space<vmem>>
    %dma_wait3A_71 = tpu.memref_squeeze %dma_wait3A_70 : memref<1x128xi32, #tpu.memory_space<vmem>> -> memref<128xi32, #tpu.memory_space<vmem>>
    %dma_wait3A_72 = arith.constant 0 : i32
    %dma_wait3A_73 = arith.constant 0 : i32
    %dma_wait3A_74 = tpu.memref_slice %arg7[%dma_wait3A_72, %dma_wait3A_73] : memref<10112x64xf32, #tpu.memory_space<vmem_shared>> -> memref<10112x64xf32, #tpu.memory_space<vmem_shared>>
    tpu.wait_indirect_dma semaphore(%arg21 : memref<!tpu.dma_semaphore, #tpu.memory_space<semaphore_mem>>) src(%arg9 : memref<128x64xf32, #tpu.memory_space<vmem>>) dst(%dma_wait3A_74 : memref<10112x64xf32, #tpu.memory_space<vmem_shared>>)
    %dma_wait3A_75 = arith.constant 157 : i32
    %dma_wait3A_76 = arith.constant 0 : i32
    %dma_wait3A_77 = tpu.memref_slice %arg14[%dma_wait3A_75, %dma_wait3A_76] : memref<160x128xi32, #tpu.memory_space<vmem>> -> memref<1x128xi32, #tpu.memory_space<vmem>>
    %dma_wait3A_78 = tpu.memref_squeeze %dma_wait3A_77 : memref<1x128xi32, #tpu.memory_space<vmem>> -> memref<128xi32, #tpu.memory_space<vmem>>
    %dma_wait3A_79 = arith.constant 0 : i32
    %dma_wait3A_80 = arith.constant 0 : i32
    %dma_wait3A_81 = tpu.memref_slice %arg7[%dma_wait3A_79, %dma_wait3A_80] : memref<10112x64xf32, #tpu.memory_space<vmem_shared>> -> memref<10112x64xf32, #tpu.memory_space<vmem_shared>>
    tpu.wait_indirect_dma semaphore(%arg22 : memref<!tpu.dma_semaphore, #tpu.memory_space<semaphore_mem>>) src(%arg10 : memref<128x64xf32, #tpu.memory_space<vmem>>) dst(%dma_wait3A_81 : memref<10112x64xf32, #tpu.memory_space<vmem_shared>>)
    %dma_wait3A_82 = arith.constant 158 : i32
    %dma_wait3A_83 = arith.constant 0 : i32
    %dma_wait3A_84 = tpu.memref_slice %arg14[%dma_wait3A_82, %dma_wait3A_83] : memref<160x128xi32, #tpu.memory_space<vmem>> -> memref<1x128xi32, #tpu.memory_space<vmem>>
    %dma_wait3A_85 = tpu.memref_squeeze %dma_wait3A_84 : memref<1x128xi32, #tpu.memory_space<vmem>> -> memref<128xi32, #tpu.memory_space<vmem>>
    %dma_wait3A_86 = arith.constant 0 : i32
    %dma_wait3A_87 = arith.constant 0 : i32
    %dma_wait3A_88 = tpu.memref_slice %arg7[%dma_wait3A_86, %dma_wait3A_87] : memref<10112x64xf32, #tpu.memory_space<vmem_shared>> -> memref<10112x64xf32, #tpu.memory_space<vmem_shared>>
    tpu.wait_indirect_dma semaphore(%arg23 : memref<!tpu.dma_semaphore, #tpu.memory_space<semaphore_mem>>) src(%arg11 : memref<128x64xf32, #tpu.memory_space<vmem>>) dst(%dma_wait3A_88 : memref<10112x64xf32, #tpu.memory_space<vmem_shared>>)
    %dma_wait3A_89 = arith.constant 159 : i32
    %dma_wait3A_90 = arith.constant 0 : i32
    %dma_wait3A_91 = tpu.memref_slice %arg14[%dma_wait3A_89, %dma_wait3A_90] : memref<160x128xi32, #tpu.memory_space<vmem>> -> memref<1x128xi32, #tpu.memory_space<vmem>>
    %dma_wait3A_92 = tpu.memref_squeeze %dma_wait3A_91 : memref<1x128xi32, #tpu.memory_space<vmem>> -> memref<128xi32, #tpu.memory_space<vmem>>
    %dma_wait3A_93 = arith.constant 0 : i32
    %dma_wait3A_94 = arith.constant 0 : i32
    %dma_wait3A_95 = tpu.memref_slice %arg7[%dma_wait3A_93, %dma_wait3A_94] : memref<10112x64xf32, #tpu.memory_space<vmem_shared>> -> memref<10112x64xf32, #tpu.memory_space<vmem_shared>>
    tpu.wait_indirect_dma semaphore(%arg24 : memref<!tpu.dma_semaphore, #tpu.memory_space<semaphore_mem>>) src(%arg12 : memref<128x64xf32, #tpu.memory_space<vmem>>) dst(%dma_wait3A_95 : memref<10112x64xf32, #tpu.memory_space<vmem_shared>>)
    %barrier3A_96 = arith.constant 0 : index
    tpu.barrier barrier_id(%barrier3A_96)
    %mul3A_97 = arith.constant 632 : i32
    %mul3A_98 = arith.muli %arg1, %mul3A_97 : i32
    %mul3A_99 = arith.constant 632 : i32
    %mul3A_100 = arith.muli %arg1, %mul3A_99 : i32
    "tpu.region"() ({
      %run_scoped3A = tpu.sem_alloc : memref<!tpu.dma_semaphore, #tpu.memory_space<semaphore_mem>>
      %dma_start3A_101 = arith.constant 0 : i32
      %dma_start3A_102 = tpu.memref_slice %arg6[%arg0, %mul3A_100, %dma_start3A_101] : memref<2x10112x64xf32, #tpu.memory_space<hbm>> -> memref<1x632x64xf32, #tpu.memory_space<hbm>>
      %dma_start3A_103 = tpu.memref_squeeze %dma_start3A_102 : memref<1x632x64xf32, #tpu.memory_space<hbm>> -> memref<632x64xf32, #tpu.memory_space<hbm>>
      %dma_start3A_104 = arith.constant 0 : i32
      %dma_start3A_105 = tpu.memref_slice %arg7[%mul3A_98, %dma_start3A_104] : memref<10112x64xf32, #tpu.memory_space<vmem_shared>> -> memref<632x64xf32, #tpu.memory_space<vmem_shared>>
      tpu.enqueue_dma source(%dma_start3A_105 : memref<632x64xf32, #tpu.memory_space<vmem_shared>>) target(%dma_start3A_103 : memref<632x64xf32, #tpu.memory_space<hbm>>) target_semaphore(%run_scoped3A : memref<!tpu.dma_semaphore, #tpu.memory_space<semaphore_mem>>)
      %dma_wait3A_106 = arith.constant 0 : i32
      %dma_wait3A_107 = tpu.memref_slice %arg6[%arg0, %mul3A_100, %dma_wait3A_106] : memref<2x10112x64xf32, #tpu.memory_space<hbm>> -> memref<1x632x64xf32, #tpu.memory_space<hbm>>
      %dma_wait3A_108 = tpu.memref_squeeze %dma_wait3A_107 : memref<1x632x64xf32, #tpu.memory_space<hbm>> -> memref<632x64xf32, #tpu.memory_space<hbm>>
      %dma_wait3A_109 = arith.constant 0 : i32
      %dma_wait3A_110 = tpu.memref_slice %arg7[%mul3A_98, %dma_wait3A_109] : memref<10112x64xf32, #tpu.memory_space<vmem_shared>> -> memref<632x64xf32, #tpu.memory_space<vmem_shared>>
      tpu.wait_dma2 semaphore(%run_scoped3A : memref<!tpu.dma_semaphore, #tpu.memory_space<semaphore_mem>>) src(%dma_wait3A_110 : memref<632x64xf32, #tpu.memory_space<vmem_shared>>) dst(%dma_wait3A_108 : memref<632x64xf32, #tpu.memory_space<hbm>>)
      tpu.yield
    }) : () -> ()
    return
  }
}

module attributes {stable_mosaic.version = 14 : i64} {
  func.func @_tc_mm_body(%arg0: i32, %arg1: memref<1000x128xf32, #tpu.memory_space<vmem>>, %arg2: memref<128x128xf32, #tpu.memory_space<vmem>>, %arg3: memref<1000x128xf32, #tpu.memory_space<vmem>>) attributes {dimension_semantics = [#tpu.dimension_semantics<arbitrary>], iteration_bounds = array<i64: 10>, scalar_prefetch = 0 : i64, scratch_operands = 0 : i64, tpu.core_type = #tpu.core_type<tc>, window_params = [{transform_indices = @transform_0, window_bounds = array<i64: 1000, 128>}, {pipeline_mode = #tpu.pipeline_mode<synchronous>, transform_indices = @transform_1, window_bounds = array<i64: 128, 128>}, {transform_indices = @transform_2, window_bounds = array<i64: 1000, 128>}]} {
    %get3A = arith.constant 0 : index
    %get3A_0 = arith.constant 0 : index
    %get3A_1 = vector.load %arg1[%get3A, %get3A_0] : memref<1000x128xf32, #tpu.memory_space<vmem>>, vector<1000x128xf32>
    %get3A_2 = arith.constant 0 : index
    %get3A_3 = arith.constant 0 : index
    %get3A_4 = vector.load %arg2[%get3A_2, %get3A_3] : memref<128x128xf32, #tpu.memory_space<vmem>>, vector<128x128xf32>
    %dot_general3A = arith.constant dense<0.000000e+00> : vector<1000x128xf32>
    %dot_general3A_5 = tpu.matmul %get3A_1, %get3A_4, %dot_general3A {dimension_numbers = #tpu.dot_dimension_numbers<[1], [0], [0], [1], [0, 0, 1, 1], [], []>, precision = #tpu.contract_precision<fp32>, transpose_lhs_hint = false} : vector<1000x128xf32>, vector<128x128xf32>, vector<1000x128xf32> -> vector<1000x128xf32>
    %swap3A = arith.constant 0 : index
    %swap3A_6 = arith.constant 0 : index
    %swap3A_7 = vector.load %arg3[%swap3A, %swap3A_6] : memref<1000x128xf32, #tpu.memory_space<vmem>>, vector<1000x128xf32>
    tpu.vector_store %arg3[%swap3A, %swap3A_6], %dot_general3A_5 {strides = array<i32>} : memref<1000x128xf32, #tpu.memory_space<vmem>>, vector<1000x128xf32>,
    return
  }
  func.func @transform_0(%arg0: i32) -> (i32, i32) {
    %c0_i32 = arith.constant 0 : i32
    %c0_i32_0 = arith.constant 0 : i32
    return %arg0, %c0_i32 : i32, i32
  }
  func.func @transform_1(%arg0: i32) -> (i32, i32) {
    %c0_i32 = arith.constant 0 : i32
    %c0_i32_0 = arith.constant 0 : i32
    %c0_i32_1 = arith.constant 0 : i32
    return %c0_i32, %c0_i32_0 : i32, i32
  }
  func.func @transform_2(%arg0: i32) -> (i32, i32) {
    %c0_i32 = arith.constant 0 : i32
    %c0_i32_0 = arith.constant 0 : i32
    return %arg0, %c0_i32 : i32, i32
  }
}

module attributes {stable_mosaic.version = 14 : i64} {
  func.func @_tc_first_body(%arg0: i32, %arg1: memref<1000x128xf32, #tpu.memory_space<vmem>>, %arg2: memref<2x1000x16xf32, #tpu.memory_space<vmem>>, %arg3: memref<2x1000x64xf32, #tpu.memory_space<vmem>>, %arg4: memref<1000x16xf32, #tpu.memory_space<vmem>>) attributes {dimension_semantics = [#tpu.dimension_semantics<arbitrary>], iteration_bounds = array<i64: 10>, scalar_prefetch = 0 : i64, scratch_operands = 0 : i64, tpu.core_type = #tpu.core_type<tc>, window_params = [{transform_indices = @transform_0, window_bounds = array<i64: 1000, 128>}, {transform_indices = @transform_1, window_bounds = array<i64: 2, 1000, 16>}, {transform_indices = @transform_2, window_bounds = array<i64: 2, 1000, 64>}, {transform_indices = @transform_3, window_bounds = array<i64: 1000, 16>}]} {
    %get3A = arith.constant 0 : index
    %get3A_0 = arith.constant 0 : index
    %get3A_1 = arith.constant 0 : index
    %get3A_2 = vector.load %arg2[%get3A, %get3A_0, %get3A_1] : memref<2x1000x16xf32, #tpu.memory_space<vmem>>, vector<1x1000x1xf32>
    %get3A_3 = vector.shape_cast %get3A_2 : vector<1x1000x1xf32> to vector<1000x1xf32>
    %add3A = arith.constant 1.000000e+00 : f32
    %add3A_4 = vector.broadcast %add3A : f32 to vector<1000x1xf32>
    %add3A_5 = arith.addf %add3A_4, %get3A_3 : vector<1000x1xf32>
    %get3A_6 = arith.constant 1 : index
    %get3A_7 = arith.constant 0 : index
    %get3A_8 = arith.constant 0 : index
    %get3A_9 = vector.load %arg2[%get3A_6, %get3A_7, %get3A_8] : memref<2x1000x16xf32, #tpu.memory_space<vmem>>, vector<1x1000x1xf32>
    %get3A_10 = vector.shape_cast %get3A_9 : vector<1x1000x1xf32> to vector<1000x1xf32>
    %add3A_11 = arith.addf %add3A_5, %get3A_10 : vector<1000x1xf32>
    %rsqrt3A = math.rsqrt %add3A_11 : vector<1000x1xf32>
    %mul3A = arith.constant 5.000000e-01 : f32
    %mul3A_12 = vector.broadcast %mul3A : f32 to vector<1000x1xf32>
    %mul3A_13 = arith.mulf %mul3A_12, %add3A_11 : vector<1000x1xf32>
    %mul3A_14 = arith.mulf %mul3A_13, %rsqrt3A : vector<1000x1xf32>
    %mul3A_15 = arith.mulf %mul3A_14, %rsqrt3A : vector<1000x1xf32>
    %sub3A = arith.constant 1.500000e+00 : f32
    %sub3A_16 = vector.broadcast %sub3A : f32 to vector<1000x1xf32>
    %sub3A_17 = arith.subf %sub3A_16, %mul3A_15 : vector<1000x1xf32>
    %mul3A_18 = arith.mulf %rsqrt3A, %sub3A_17 : vector<1000x1xf32>
    %get3A_19 = arith.constant 0 : index
    %get3A_20 = arith.constant 0 : index
    %get3A_21 = vector.load %arg1[%get3A_19, %get3A_20] : memref<1000x128xf32, #tpu.memory_space<vmem>>, vector<1000x128xf32>
    %mul3A_22 = vector.broadcast %mul3A_18 : vector<1000x1xf32> to vector<1000x128xf32>
    %mul3A_23 = arith.mulf %get3A_21, %mul3A_22 : vector<1000x128xf32>
    %slice3A = vector.extract_strided_slice %mul3A_23 {offsets = [0, 0], sizes = [1000, 64], strides = [1, 1]} : vector<1000x128xf32> to vector<1000x64xf32>
    %swap3A = arith.constant 0 : index
    %swap3A_24 = arith.constant 0 : index
    %swap3A_25 = arith.constant 0 : index
    %swap3A_26 = vector.load %arg3[%swap3A, %swap3A_24, %swap3A_25] : memref<2x1000x64xf32, #tpu.memory_space<vmem>>, vector<1x1000x64xf32>
    %swap3A_27 = vector.shape_cast %swap3A_26 : vector<1x1000x64xf32> to vector<1000x64xf32>
    %swap3A_28 = vector.shape_cast %slice3A : vector<1000x64xf32> to vector<1x1000x64xf32>
    tpu.vector_store %arg3[%swap3A, %swap3A_24, %swap3A_25], %swap3A_28 {strides = array<i32>} : memref<2x1000x64xf32, #tpu.memory_space<vmem>>, vector<1x1000x64xf32>,
    %slice3A_29 = vector.extract_strided_slice %mul3A_23 {offsets = [0, 64], sizes = [1000, 64], strides = [1, 1]} : vector<1000x128xf32> to vector<1000x64xf32>
    %swap3A_30 = arith.constant 1 : index
    %swap3A_31 = arith.constant 0 : index
    %swap3A_32 = arith.constant 0 : index
    %swap3A_33 = vector.load %arg3[%swap3A_30, %swap3A_31, %swap3A_32] : memref<2x1000x64xf32, #tpu.memory_space<vmem>>, vector<1x1000x64xf32>
    %swap3A_34 = vector.shape_cast %swap3A_33 : vector<1x1000x64xf32> to vector<1000x64xf32>
    %swap3A_35 = vector.shape_cast %slice3A_29 : vector<1000x64xf32> to vector<1x1000x64xf32>
    tpu.vector_store %arg3[%swap3A_30, %swap3A_31, %swap3A_32], %swap3A_35 {strides = array<i32>} : memref<2x1000x64xf32, #tpu.memory_space<vmem>>, vector<1x1000x64xf32>,
    %broadcast_in_dim3A = vector.shape_cast %mul3A_18 : vector<1000x1xf32> to vector<1000x1xf32>
    %broadcast_in_dim3A_36 = vector.broadcast %broadcast_in_dim3A : vector<1000x1xf32> to vector<1000x16xf32>
    %swap3A_37 = arith.constant 0 : index
    %swap3A_38 = arith.constant 0 : index
    %swap3A_39 = vector.load %arg4[%swap3A_37, %swap3A_38] : memref<1000x16xf32, #tpu.memory_space<vmem>>, vector<1000x16xf32>
    tpu.vector_store %arg4[%swap3A_37, %swap3A_38], %broadcast_in_dim3A_36 {strides = array<i32>} : memref<1000x16xf32, #tpu.memory_space<vmem>>, vector<1000x16xf32>,
    return
  }
  func.func @transform_0(%arg0: i32) -> (i32, i32) {
    %c0_i32 = arith.constant 0 : i32
    %c0_i32_0 = arith.constant 0 : i32
    return %arg0, %c0_i32 : i32, i32
  }
  func.func @transform_1(%arg0: i32) -> (i32, i32, i32) {
    %c0_i32 = arith.constant 0 : i32
    %c0_i32_0 = arith.constant 0 : i32
    %c0_i32_1 = arith.constant 0 : i32
    return %c0_i32, %arg0, %c0_i32_0 : i32, i32, i32
  }
  func.func @transform_2(%arg0: i32) -> (i32, i32, i32) {
    %c0_i32 = arith.constant 0 : i32
    %c0_i32_0 = arith.constant 0 : i32
    %c0_i32_1 = arith.constant 0 : i32
    return %c0_i32, %arg0, %c0_i32_0 : i32, i32, i32
  }
  func.func @transform_3(%arg0: i32) -> (i32, i32) {
    %c0_i32 = arith.constant 0 : i32
    %c0_i32_0 = arith.constant 0 : i32
    return %arg0, %c0_i32 : i32, i32
  }
}

module attributes {stable_mosaic.version = 14 : i64} {
  func.func @_tc_mid_body(%arg0: i32, %arg1: memref<2x1000x64xf32, #tpu.memory_space<vmem>>, %arg2: memref<2x1000x64xf32, #tpu.memory_space<vmem>>, %arg3: memref<1000x16xf32, #tpu.memory_space<vmem>>, %arg4: memref<1x128xf32, #tpu.memory_space<vmem>>, %arg5: memref<128x128xf32, #tpu.memory_space<vmem>>, %arg6: memref<2x1000x64xf32, #tpu.memory_space<vmem>>) attributes {dimension_semantics = [#tpu.dimension_semantics<arbitrary>], iteration_bounds = array<i64: 10>, scalar_prefetch = 0 : i64, scratch_operands = 0 : i64, tpu.core_type = #tpu.core_type<tc>, window_params = [{transform_indices = @transform_0, window_bounds = array<i64: 2, 1000, 64>}, {transform_indices = @transform_1, window_bounds = array<i64: 2, 1000, 64>}, {transform_indices = @transform_2, window_bounds = array<i64: 1000, 16>}, {pipeline_mode = #tpu.pipeline_mode<synchronous>, transform_indices = @transform_3, window_bounds = array<i64: 1, 128>}, {pipeline_mode = #tpu.pipeline_mode<synchronous>, transform_indices = @transform_4, window_bounds = array<i64: 128, 128>}, {transform_indices = @transform_5, window_bounds = array<i64: 2, 1000, 64>}]} {
    %get3A = arith.constant 0 : index
    %get3A_0 = arith.constant 0 : index
    %get3A_1 = vector.load %arg3[%get3A, %get3A_0] : memref<1000x16xf32, #tpu.memory_space<vmem>>, vector<1000x1xf32>
    %get3A_2 = arith.constant 0 : index
    %get3A_3 = arith.constant 0 : index
    %get3A_4 = arith.constant 0 : index
    %get3A_5 = vector.load %arg1[%get3A_2, %get3A_3, %get3A_4] : memref<2x1000x64xf32, #tpu.memory_space<vmem>>, vector<1x1000x64xf32>
    %get3A_6 = vector.shape_cast %get3A_5 : vector<1x1000x64xf32> to vector<1000x64xf32>
    %get3A_7 = arith.constant 0 : index
    %get3A_8 = arith.constant 0 : index
    %get3A_9 = arith.constant 0 : index
    %get3A_10 = vector.load %arg2[%get3A_7, %get3A_8, %get3A_9] : memref<2x1000x64xf32, #tpu.memory_space<vmem>>, vector<1x1000x64xf32>
    %get3A_11 = vector.shape_cast %get3A_10 : vector<1x1000x64xf32> to vector<1000x64xf32>
    %add3A = arith.addf %get3A_6, %get3A_11 : vector<1000x64xf32>
    %get3A_12 = arith.constant 1 : index
    %get3A_13 = arith.constant 0 : index
    %get3A_14 = arith.constant 0 : index
    %get3A_15 = vector.load %arg1[%get3A_12, %get3A_13, %get3A_14] : memref<2x1000x64xf32, #tpu.memory_space<vmem>>, vector<1x1000x64xf32>
    %get3A_16 = vector.shape_cast %get3A_15 : vector<1x1000x64xf32> to vector<1000x64xf32>
    %get3A_17 = arith.constant 1 : index
    %get3A_18 = arith.constant 0 : index
    %get3A_19 = arith.constant 0 : index
    %get3A_20 = vector.load %arg2[%get3A_17, %get3A_18, %get3A_19] : memref<2x1000x64xf32, #tpu.memory_space<vmem>>, vector<1x1000x64xf32>
    %get3A_21 = vector.shape_cast %get3A_20 : vector<1x1000x64xf32> to vector<1000x64xf32>
    %add3A_22 = arith.addf %get3A_16, %get3A_21 : vector<1000x64xf32>
    %concatenate3A = tpu.concatenate %add3A, %add3A_22 in 1 : vector<1000x64xf32>, vector<1000x64xf32> -> vector<1000x128xf32>
    %mul3A = vector.broadcast %get3A_1 : vector<1000x1xf32> to vector<1000x128xf32>
    %mul3A_23 = arith.mulf %concatenate3A, %mul3A : vector<1000x128xf32>
    %get3A_24 = arith.constant 0 : index
    %get3A_25 = arith.constant 0 : index
    %get3A_26 = vector.load %arg4[%get3A_24, %get3A_25] : memref<1x128xf32, #tpu.memory_space<vmem>>, vector<1x128xf32>
    %add3A_27 = vector.broadcast %get3A_26 : vector<1x128xf32> to vector<1000x128xf32>
    %add3A_28 = arith.addf %mul3A_23, %add3A_27 : vector<1000x128xf32>
    %max3A = arith.constant 0.000000e+00 : f32
    %max3A_29 = vector.broadcast %max3A : f32 to vector<1000x128xf32>
    %max3A_30 = arith.maximumf %add3A_28, %max3A_29 : vector<1000x128xf32>
    %get3A_31 = arith.constant 0 : index
    %get3A_32 = arith.constant 0 : index
    %get3A_33 = vector.load %arg5[%get3A_31, %get3A_32] : memref<128x128xf32, #tpu.memory_space<vmem>>, vector<128x128xf32>
    %dot_general3A = arith.constant dense<0.000000e+00> : vector<1000x128xf32>
    %dot_general3A_34 = tpu.matmul %max3A_30, %get3A_33, %dot_general3A {dimension_numbers = #tpu.dot_dimension_numbers<[1], [0], [0], [1], [0, 0, 1, 1], [], []>, precision = #tpu.contract_precision<fp32>, transpose_lhs_hint = false} : vector<1000x128xf32>, vector<128x128xf32>, vector<1000x128xf32> -> vector<1000x128xf32>
    %mul3A_35 = vector.broadcast %get3A_1 : vector<1000x1xf32> to vector<1000x128xf32>
    %mul3A_36 = arith.mulf %dot_general3A_34, %mul3A_35 : vector<1000x128xf32>
    %slice3A = vector.extract_strided_slice %mul3A_36 {offsets = [0, 0], sizes = [1000, 64], strides = [1, 1]} : vector<1000x128xf32> to vector<1000x64xf32>
    %swap3A = arith.constant 0 : index
    %swap3A_37 = arith.constant 0 : index
    %swap3A_38 = arith.constant 0 : index
    %swap3A_39 = vector.load %arg6[%swap3A, %swap3A_37, %swap3A_38] : memref<2x1000x64xf32, #tpu.memory_space<vmem>>, vector<1x1000x64xf32>
    %swap3A_40 = vector.shape_cast %swap3A_39 : vector<1x1000x64xf32> to vector<1000x64xf32>
    %swap3A_41 = vector.shape_cast %slice3A : vector<1000x64xf32> to vector<1x1000x64xf32>
    tpu.vector_store %arg6[%swap3A, %swap3A_37, %swap3A_38], %swap3A_41 {strides = array<i32>} : memref<2x1000x64xf32, #tpu.memory_space<vmem>>, vector<1x1000x64xf32>,
    %slice3A_42 = vector.extract_strided_slice %mul3A_36 {offsets = [0, 64], sizes = [1000, 64], strides = [1, 1]} : vector<1000x128xf32> to vector<1000x64xf32>
    %swap3A_43 = arith.constant 1 : index
    %swap3A_44 = arith.constant 0 : index
    %swap3A_45 = arith.constant 0 : index
    %swap3A_46 = vector.load %arg6[%swap3A_43, %swap3A_44, %swap3A_45] : memref<2x1000x64xf32, #tpu.memory_space<vmem>>, vector<1x1000x64xf32>
    %swap3A_47 = vector.shape_cast %swap3A_46 : vector<1x1000x64xf32> to vector<1000x64xf32>
    %swap3A_48 = vector.shape_cast %slice3A_42 : vector<1000x64xf32> to vector<1x1000x64xf32>
    tpu.vector_store %arg6[%swap3A_43, %swap3A_44, %swap3A_45], %swap3A_48 {strides = array<i32>} : memref<2x1000x64xf32, #tpu.memory_space<vmem>>, vector<1x1000x64xf32>,
    return
  }
  func.func @transform_0(%arg0: i32) -> (i32, i32, i32) {
    %c0_i32 = arith.constant 0 : i32
    %c0_i32_0 = arith.constant 0 : i32
    %c0_i32_1 = arith.constant 0 : i32
    return %c0_i32, %arg0, %c0_i32_0 : i32, i32, i32
  }
  func.func @transform_1(%arg0: i32) -> (i32, i32, i32) {
    %c0_i32 = arith.constant 0 : i32
    %c0_i32_0 = arith.constant 0 : i32
    %c0_i32_1 = arith.constant 0 : i32
    return %c0_i32, %arg0, %c0_i32_0 : i32, i32, i32
  }
  func.func @transform_2(%arg0: i32) -> (i32, i32) {
    %c0_i32 = arith.constant 0 : i32
    %c0_i32_0 = arith.constant 0 : i32
    return %arg0, %c0_i32 : i32, i32
  }
  func.func @transform_3(%arg0: i32) -> (i32, i32) {
    %c0_i32 = arith.constant 0 : i32
    %c0_i32_0 = arith.constant 0 : i32
    %c0_i32_1 = arith.constant 0 : i32
    return %c0_i32, %c0_i32_0 : i32, i32
  }
  func.func @transform_4(%arg0: i32) -> (i32, i32) {
    %c0_i32 = arith.constant 0 : i32
    %c0_i32_0 = arith.constant 0 : i32
    %c0_i32_1 = arith.constant 0 : i32
    return %c0_i32, %c0_i32_0 : i32, i32
  }
  func.func @transform_5(%arg0: i32) -> (i32, i32, i32) {
    %c0_i32 = arith.constant 0 : i32
    %c0_i32_0 = arith.constant 0 : i32
    %c0_i32_1 = arith.constant 0 : i32
    return %c0_i32, %arg0, %c0_i32_0 : i32, i32, i32
  }
}

module attributes {stable_mosaic.version = 14 : i64} {
  func.func @_tc_head_body(%arg0: i32, %arg1: memref<2x1000x64xf32, #tpu.memory_space<vmem>>, %arg2: memref<2x1000x64xf32, #tpu.memory_space<vmem>>, %arg3: memref<1000x16xf32, #tpu.memory_space<vmem>>, %arg4: memref<1x128xf32, #tpu.memory_space<vmem>>, %arg5: memref<128x1xf32, #tpu.memory_space<vmem>>, %arg6: memref<1x1xf32, #tpu.memory_space<vmem>>, %arg7: memref<1x1xf32, #tpu.memory_space<vmem>>, %arg8: memref<1x128xf32, #tpu.memory_space<vmem>>) attributes {dimension_semantics = [#tpu.dimension_semantics<arbitrary>], iteration_bounds = array<i64: 10>, scalar_prefetch = 0 : i64, scratch_operands = 1 : i64, tpu.core_type = #tpu.core_type<tc>, window_params = [{transform_indices = @transform_0, window_bounds = array<i64: 2, 1000, 64>}, {transform_indices = @transform_1, window_bounds = array<i64: 2, 1000, 64>}, {transform_indices = @transform_2, window_bounds = array<i64: 1000, 16>}, {pipeline_mode = #tpu.pipeline_mode<synchronous>, transform_indices = @transform_3, window_bounds = array<i64: 1, 128>}, {pipeline_mode = #tpu.pipeline_mode<synchronous>, transform_indices = @transform_4, window_bounds = array<i64: 128, 1>}, {pipeline_mode = #tpu.pipeline_mode<synchronous>, transform_indices = @transform_5, window_bounds = array<i64: 1, 1>}, {pipeline_mode = #tpu.pipeline_mode<synchronous>, transform_indices = @transform_6, window_bounds = array<i64: 1, 1>}]} {
    %eq3A = arith.constant 0 : i32
    %eq3A_0 = arith.cmpi eq, %arg0, %eq3A : i32
    %convert_element_type3A = arith.extui %eq3A_0 : i1 to i32
    %cond3A = arith.constant 0 : i32
    %cond3A_1 = arith.cmpi ne, %convert_element_type3A, %cond3A : i32
    scf.if %cond3A_1 {
      %broadcast_in_dim3A_45 = arith.constant 0.000000e+00 : f32
      %broadcast_in_dim3A_46 = vector.broadcast %broadcast_in_dim3A_45 : f32 to vector<1x128xf32>
      %swap3A_47 = arith.constant 0 : index
      %swap3A_48 = arith.constant 0 : index
      %swap3A_49 = vector.load %arg8[%swap3A_47, %swap3A_48] : memref<1x128xf32, #tpu.memory_space<vmem>>, vector<1x128xf32>
      tpu.vector_store %arg8[%swap3A_47, %swap3A_48], %broadcast_in_dim3A_46 {strides = array<i32>} : memref<1x128xf32, #tpu.memory_space<vmem>>, vector<1x128xf32>,
    } else {
    }
    %get3A = arith.constant 0 : index
    %get3A_2 = arith.constant 0 : index
    %get3A_3 = vector.load %arg3[%get3A, %get3A_2] : memref<1000x16xf32, #tpu.memory_space<vmem>>, vector<1000x1xf32>
    %get3A_4 = arith.constant 0 : index
    %get3A_5 = arith.constant 0 : index
    %get3A_6 = arith.constant 0 : index
    %get3A_7 = vector.load %arg1[%get3A_4, %get3A_5, %get3A_6] : memref<2x1000x64xf32, #tpu.memory_space<vmem>>, vector<1x1000x64xf32>
    %get3A_8 = vector.shape_cast %get3A_7 : vector<1x1000x64xf32> to vector<1000x64xf32>
    %get3A_9 = arith.constant 0 : index
    %get3A_10 = arith.constant 0 : index
    %get3A_11 = arith.constant 0 : index
    %get3A_12 = vector.load %arg2[%get3A_9, %get3A_10, %get3A_11] : memref<2x1000x64xf32, #tpu.memory_space<vmem>>, vector<1x1000x64xf32>
    %get3A_13 = vector.shape_cast %get3A_12 : vector<1x1000x64xf32> to vector<1000x64xf32>
    %add3A = arith.addf %get3A_8, %get3A_13 : vector<1000x64xf32>
    %get3A_14 = arith.constant 1 : index
    %get3A_15 = arith.constant 0 : index
    %get3A_16 = arith.constant 0 : index
    %get3A_17 = vector.load %arg1[%get3A_14, %get3A_15, %get3A_16] : memref<2x1000x64xf32, #tpu.memory_space<vmem>>, vector<1x1000x64xf32>
    %get3A_18 = vector.shape_cast %get3A_17 : vector<1x1000x64xf32> to vector<1000x64xf32>
    %get3A_19 = arith.constant 1 : index
    %get3A_20 = arith.constant 0 : index
    %get3A_21 = arith.constant 0 : index
    %get3A_22 = vector.load %arg2[%get3A_19, %get3A_20, %get3A_21] : memref<2x1000x64xf32, #tpu.memory_space<vmem>>, vector<1x1000x64xf32>
    %get3A_23 = vector.shape_cast %get3A_22 : vector<1x1000x64xf32> to vector<1000x64xf32>
    %add3A_24 = arith.addf %get3A_18, %get3A_23 : vector<1000x64xf32>
    %concatenate3A = tpu.concatenate %add3A, %add3A_24 in 1 : vector<1000x64xf32>, vector<1000x64xf32> -> vector<1000x128xf32>
    %mul3A = vector.broadcast %get3A_3 : vector<1000x1xf32> to vector<1000x128xf32>
    %mul3A_25 = arith.mulf %concatenate3A, %mul3A : vector<1000x128xf32>
    %get3A_26 = arith.constant 0 : index
    %get3A_27 = arith.constant 0 : index
    %get3A_28 = vector.load %arg4[%get3A_26, %get3A_27] : memref<1x128xf32, #tpu.memory_space<vmem>>, vector<1x128xf32>
    %add3A_29 = vector.broadcast %get3A_28 : vector<1x128xf32> to vector<1000x128xf32>
    %add3A_30 = arith.addf %mul3A_25, %add3A_29 : vector<1000x128xf32>
    %max3A = arith.constant 0.000000e+00 : f32
    %max3A_31 = vector.broadcast %max3A : f32 to vector<1000x128xf32>
    %max3A_32 = arith.maximumf %add3A_30, %max3A_31 : vector<1000x128xf32>
    %get3A_33 = arith.constant 0 : index
    %get3A_34 = arith.constant 0 : index
    %get3A_35 = vector.load %arg8[%get3A_33, %get3A_34] : memref<1x128xf32, #tpu.memory_space<vmem>>, vector<1x128xf32>
    %reduce_sum3A = arith.constant dense<0.000000e+00> : vector<128xf32>
    %reduce_sum3A_36 = vector.multi_reduction <add>, %max3A_32, %reduce_sum3A [0] : vector<1000x128xf32> to vector<128xf32>
    %broadcast_in_dim3A = vector.shape_cast %reduce_sum3A_36 : vector<128xf32> to vector<1x128xf32>
    %add3A_37 = arith.addf %get3A_35, %broadcast_in_dim3A : vector<1x128xf32>
    %swap3A = arith.constant 0 : index
    %swap3A_38 = arith.constant 0 : index
    %swap3A_39 = vector.load %arg8[%swap3A, %swap3A_38] : memref<1x128xf32, #tpu.memory_space<vmem>>, vector<1x128xf32>
    tpu.vector_store %arg8[%swap3A, %swap3A_38], %add3A_37 {strides = array<i32>} : memref<1x128xf32, #tpu.memory_space<vmem>>, vector<1x128xf32>,
    %eq3A_40 = arith.constant 9 : i32
    %eq3A_41 = arith.cmpi eq, %arg0, %eq3A_40 : i32
    %convert_element_type3A_42 = arith.extui %eq3A_41 : i1 to i32
    %cond3A_43 = arith.constant 0 : i32
    %cond3A_44 = arith.cmpi ne, %convert_element_type3A_42, %cond3A_43 : i32
    scf.if %cond3A_44 {
      %get3A_45 = arith.constant 0 : index
      %get3A_46 = arith.constant 0 : index
      %get3A_47 = vector.load %arg8[%get3A_45, %get3A_46] : memref<1x128xf32, #tpu.memory_space<vmem>>, vector<1x128xf32>
      %mul3A_48 = arith.constant 9.99999974E-5 : f32
      %mul3A_49 = vector.broadcast %mul3A_48 : f32 to vector<1x128xf32>
      %mul3A_50 = arith.mulf %get3A_47, %mul3A_49 : vector<1x128xf32>
      %get3A_51 = arith.constant 0 : index
      %get3A_52 = arith.constant 0 : index
      %get3A_53 = vector.load %arg5[%get3A_51, %get3A_52] : memref<128x1xf32, #tpu.memory_space<vmem>>, vector<128x1xf32>
      %dot_general3A = arith.constant dense<0.000000e+00> : vector<1x1xf32>
      %dot_general3A_54 = tpu.matmul %mul3A_50, %get3A_53, %dot_general3A {dimension_numbers = #tpu.dot_dimension_numbers<[1], [0], [0], [1], [0, 0, 1, 1], [], []>, precision = #tpu.contract_precision<fp32>, transpose_lhs_hint = false} : vector<1x128xf32>, vector<128x1xf32>, vector<1x1xf32> -> vector<1x1xf32>
      %get3A_55 = arith.constant 0 : index
      %get3A_56 = arith.constant 0 : index
      %get3A_57 = vector.load %arg6[%get3A_55, %get3A_56] : memref<1x1xf32, #tpu.memory_space<vmem>>, vector<1x1xf32>
      %add3A_58 = arith.addf %dot_general3A_54, %get3A_57 : vector<1x1xf32>
      %swap3A_59 = arith.constant 0 : index
      %swap3A_60 = arith.constant 0 : index
      %swap3A_61 = vector.load %arg7[%swap3A_59, %swap3A_60] : memref<1x1xf32, #tpu.memory_space<vmem>>, vector<1x1xf32>
      tpu.vector_store %arg7[%swap3A_59, %swap3A_60], %add3A_58 {strides = array<i32>} : memref<1x1xf32, #tpu.memory_space<vmem>>, vector<1x1xf32>,
    } else {
    }
    return
  }
  func.func @transform_0(%arg0: i32) -> (i32, i32, i32) {
    %c0_i32 = arith.constant 0 : i32
    %c0_i32_0 = arith.constant 0 : i32
    %c0_i32_1 = arith.constant 0 : i32
    return %c0_i32, %arg0, %c0_i32_0 : i32, i32, i32
  }
  func.func @transform_1(%arg0: i32) -> (i32, i32, i32) {
    %c0_i32 = arith.constant 0 : i32
    %c0_i32_0 = arith.constant 0 : i32
    %c0_i32_1 = arith.constant 0 : i32
    return %c0_i32, %arg0, %c0_i32_0 : i32, i32, i32
  }
  func.func @transform_2(%arg0: i32) -> (i32, i32) {
    %c0_i32 = arith.constant 0 : i32
    %c0_i32_0 = arith.constant 0 : i32
    return %arg0, %c0_i32 : i32, i32
  }
  func.func @transform_3(%arg0: i32) -> (i32, i32) {
    %c0_i32 = arith.constant 0 : i32
    %c0_i32_0 = arith.constant 0 : i32
    %c0_i32_1 = arith.constant 0 : i32
    return %c0_i32, %c0_i32_0 : i32, i32
  }
  func.func @transform_4(%arg0: i32) -> (i32, i32) {
    %c0_i32 = arith.constant 0 : i32
    %c0_i32_0 = arith.constant 0 : i32
    %c0_i32_1 = arith.constant 0 : i32
    return %c0_i32, %c0_i32_0 : i32, i32
  }
  func.func @transform_5(%arg0: i32) -> (i32, i32) {
    %c0_i32 = arith.constant 0 : i32
    %c0_i32_0 = arith.constant 0 : i32
    %c0_i32_1 = arith.constant 0 : i32
    return %c0_i32, %c0_i32_0 : i32, i32
  }
  func.func @transform_6(%arg0: i32) -> (i32, i32) {
    %c0_i32 = arith.constant 0 : i32
    %c0_i32_0 = arith.constant 0 : i32
    %c0_i32_1 = arith.constant 0 : i32
    return %c0_i32, %c0_i32_0 : i32, i32
  }
}

</mosaic_0001>

<sc_bundles>
// kernel: kernel.12.cloned.1.call-start
scs
__scs_entry_jumppad:
0x0: {  	(pc) =	sbr.rel $0x88, $3  }
0x1: {  	(tag) =	ssettag $0x0;
	lr =	simm.s32 $0x1  }
0x2: {  	[smem:$0x3F99] =	sst lr;
	_ =	strace $0xD0000000  }
0x3: {  	_ = 	snop  }
0x4: {  	_ = 	snop  }
0x5: {  	_ = 	snop  }
0x6: {  	_ = 	snop  }
0x7: {  	_ = 	snop  }
__scs_overlays_trampoline_lowered:
0x8: {  	[smem:$0x3FA8] =	sst s0  }
0x9: {  	[smem:$0x3FA9] =	sst s1  }
0xa: {  	[smem:$0x3FAA] =	sst s2  }
0xb: {  	[smem:$0x3FAB] =	sst s3  }
0xc: {  	[smem:$0x3FAC] =	sst s4  }
0xd: {  	[smem:$0x3FAD] =	sst s5  }
0xe: {  	[smem:$0x3FAE] =	sst s6  }
0xf: {  	[smem:$0x3FAF] =	sst s7  }
0x10: {  	[smem:$0x3FB0] =	sst s8  }
0x11: {  	[smem:$0x3FB1] =	sst s9;
	s0 =	simm.s32 @!p0 $0x0  }
0x12: {  	s1 =	sld [smem:$0x3F97];
	s0 =	simm.s32 @p0 $0x1  }
0x13: {  	[smem:$0x3FB2] =	sst s0;
	s0 =	simm.s32 @!p1 $0x0  }
0x14: {  	s2 =	sld [smem:$0x3F96];
	s0 =	simm.s32 @p1 $0x1  }
0x15: {  	[smem:$0x3FB3] =	sst s0;
	s0 =	simm.s32 @!p2 $0x0  }
0x16: {  	s3 =	sld [smem:$0x3FDB];
	s0 =	simm.s32 @p2 $0x1  }
0x17: {  	s4 =	simm.s32 $0x1BF5;
	[smem:$0x3FB5] =	sst s0  }
0x18: {  	s0 =	sld [smem:$0x3F98];
	_ =	swait.ge [sflag:s4], $0x0  }
0x19: {  	s7 =	sld [smem:$0x3F99]  }
0x1a: {  	s8 =	sadd.s32 $0xFFFFE003, lr  }
0x1b: {  	s9 =	sadd.s32 $0xFFFFFEF7, lr;
	s5 =	simm.s32 $0xFFFFFFFF;
	p2 =	slt.u32 s8, $0xFFFFF086  }
0x1c: {  	p1 =	slt.u32 s9, $0xF7A;
	s5 =	simm.s32 @!p2 $0x0  }
0x1d: {  	s5 =	simm.s32 @p1 $0x1;
	p0 =	seq.s32 s7, s2  }
0x1e: {  	s7 =	smul.u32 @!p0 $0xF7A, s2;
	p2 =	seq.s32 @!p0 s5, $0x0  }
0x1f: {  	s9 =	smul.u32 $0xF7A, s1;
	s8 =	simm.s32 @!p0 $0x1BF5;
	p2 =	por !p2, p0  }
0x20: {  	[sflag:s8] =	ssyncset.s32 @!p0 $0xFFFFF086;
	s6 =	sadd.s32 @!p0 s3, s7;
	s7 =	simm.s32 @!p0 $0x108  }
0x21: {  	s3 =	sadd.s32 s3, s9;
	s6 =	sadd.s32 @!p0 $0x88, s6;
	s7 =	simm.s32 @p2 $0x1082  }
0x22: {  	[simem:s7], [sflag:s8] =	dma.local @!p0 [hbm:s6], $0xF7A  }
0x23: {  	s9 =	sor.u32 $0xD0000000, s2;
	s6 =	simm.s32 $0x108;
	_ =	swait.ge @!p0 [sflag:s8], $0x0  }
0x24: {  	s3 =	sadd.s32 $0x88, s3;
	s6 =	simm.s32 @!p1 $0x1082;
	[sflag:s4] =	ssyncset.s32 $0xFFFFF086  }
0x25: {  	[simem:s6], [sflag:s4] =	dma.local [hbm:s3], $0xF7A  }
0x26: {  	[smem:$0x3F99] =	sst s1;
	(tag) =	ssettag s2;
	_ =	strace s9  }
0x27: {  	s1 =	sld [smem:$0x3FA9]  }
0x28: {  	s2 =	sld [smem:$0x3FAA]  }
0x29: {  	s4 =	sld [smem:$0x3FAC]  }
0x2a: {  	p0 =	seq.s32 s5, $0x0;
	s5 =	sld [smem:$0x3FAD]  }
0x2b: {  	s6 =	sld [smem:$0x3FAE]  }
0x2c: {  	s7 =	sld [smem:$0x3FAF]  }
0x2d: {  	s3 =	simm.s32 $0x108;
	s8 =	sld [smem:$0x3FB0]  }
0x2e: {  	s3 =	simm.s32 @!p0 $0x1082;
	s9 =	sld [smem:$0x3FB1]  }
0x2f: {  	lr =	sadd.s32 s0, s3;
	s0 =	sld [smem:$0x3FA8]  }
0x30: {  	s3 =	sld [smem:$0x3FAB]  }
0x31: {  	[smem:$0x3FB4] =	sst s10  }
0x32: {  	s10 =	sld [smem:$0x3FB2];
	_ =	sdelay $0x3  }
0x33: {  	p0 =	seq.s32 s10, $0x1;
	s10 =	sld [smem:$0x3FB4];
	_ =	sdelay $0x3  }
0x34: {  	[smem:$0x3FB4] =	sst s10  }
0x35: {  	s10 =	sld [smem:$0x3FB3];
	_ =	sdelay $0x3  }
0x36: {  	p1 =	seq.s32 s10, $0x1;
	s10 =	sld [smem:$0x3FB4];
	_ =	sdelay $0x3  }
0x37: {  	[smem:$0x3FB4] =	sst s10  }
0x38: {  	s10 =	sld [smem:$0x3FB5]  }
0x39: {  	_ = 	snop;
	(pc) =	sbr.ind lr, $3  }
0x3a: {  	_ = 	snop  }
0x3b: {  	_ = 	snop  }
0x3c: {  	p2 =	seq.s32 s10, $0x1;
	s10 =	sld [smem:$0x3FB4]  }
0x3d: {  	_ =	shalt  }
0x3e: {  	_ =	shalt  }
0x3f: {  	_ =	shalt  }
0x40: {  	_ =	shalt  }
0x41: {  	_ =	shalt  }
0x42: {  	_ =	shalt  }
0x43: {  	_ =	shalt  }
0x44: {  	_ =	shalt  }
0x45: {  	_ =	shalt  }
0x46: {  	_ =	shalt  }
0x47: {  	_ =	shalt  }
0x48: {  	_ =	shalt  }
0x49: {  	_ =	shalt  }
0x4a: {  	_ =	shalt  }
0x4b: {  	_ =	shalt  }
0x4c: {  	_ =	shalt  }
0x4d: {  	_ =	shalt  }
0x4e: {  	_ =	shalt  }
0x4f: {  	_ =	shalt  }
0x50: {  	_ =	shalt  }
0x51: {  	_ =	shalt  }
0x52: {  	_ =	shalt  }
0x53: {  	_ =	shalt  }
0x54: {  	_ =	shalt  }
0x55: {  	_ =	shalt  }
0x56: {  	_ =	shalt  }
0x57: {  	_ =	shalt  }
0x58: {  	_ =	shalt  }
0x59: {  	_ =	shalt  }
0x5a: {  	_ =	shalt  }
0x5b: {  	_ =	shalt  }
0x5c: {  	_ =	shalt  }
0x5d: {  	_ =	shalt  }
0x5e: {  	_ =	shalt  }
0x5f: {  	_ =	shalt  }
0x60: {  	_ =	shalt  }
0x61: {  	_ =	shalt  }
0x62: {  	_ =	shalt  }
0x63: {  	_ =	shalt  }
0x64: {  	_ =	shalt  }
0x65: {  	_ =	shalt  }
0x66: {  	_ =	shalt  }
0x67: {  	_ =	shalt  }
0x68: {  	_ =	shalt  }
0x69: {  	_ =	shalt  }
0x6a: {  	_ =	shalt  }
0x6b: {  	_ =	shalt  }
0x6c: {  	_ =	shalt  }
0x6d: {  	_ =	shalt  }
0x6e: {  	_ =	shalt  }
0x6f: {  	_ =	shalt  }
0x70: {  	_ =	shalt  }
0x71: {  	_ =	shalt  }
0x72: {  	_ =	shalt  }
0x73: {  	_ =	shalt  }
0x74: {  	_ =	shalt  }
0x75: {  	_ =	shalt  }
0x76: {  	_ =	shalt  }
0x77: {  	_ =	shalt  }
0x78: {  	_ =	shalt  }
0x79: {  	_ =	shalt  }
0x7a: {  	_ =	shalt  }
0x7b: {  	_ =	shalt  }
0x7c: {  	_ =	shalt  }
0x7d: {  	_ =	shalt  }
0x7e: {  	_ =	shalt  }
0x7f: {  	_ =	shalt  }
0x80: {  	_ =	shalt  }
0x81: {  	_ =	shalt  }
0x82: {  	_ =	shalt  }
0x83: {  	_ =	shalt  }
0x84: {  	_ =	shalt  }
0x85: {  	_ =	shalt  }
0x86: {  	_ =	shalt  }
0x87: {  	_ =	shalt  }
.Lfunc_end0:
.L_simem_size_0:
called_computation.1_lowered:
.L_overlay_start_0:
0x88: {  	s2 =	sld [smem:$0x3FD9]  }
0x89: {  	s3 =	sld [smem:$0x3FFE];
	_ =	sdelay $0x1  }
0x8a: {  	s1 =	srdreg.scid  }
0x8b: {  	s0 =	sand.u32 $0x1, s1  }
0x8c: {  	s16 =	sshll.u32 s0, $0xA;
	s2 =	sadd.s32 s3, s2  }
0x8d: {  	s2 =	sadd.s32 s2, s16  }
0x8e: {  	[smem:$0x3FC0] =	sst s2  }
0x8f: {  	_ = 	snop  }
0x90: {  	(tm) =	ssettm $0x1  }
0x91: {  	s17 =	sld [smem:$0x3FFB];
	_ =	sdelay $0x3  }
0x92: {  	_ =	strace s17  }
0x93: {  	s2 =	sld [smem:$0x3FFC];
	_ =	sdelay $0x3  }
0x94: {  	_ =	strace s2  }
0x95: {  	s2 =	sld [smem:$0x3FFD];
	_ =	sdelay $0x3  }
0x96: {  	_ =	strace s2  }
0x97: {  	_ =	strace $0x8FFFFFFF  }
0x98: {  	s18 =	sld [smem:$0x3FDB];
	_ =	sdelay $0x1  }
0x99: {  	s19 =	simm.s32 $_scs_section_size  }
0x9a: {  	s4 =	simm.s32 $_size__tile_overlayer_lowered;
	s5 =	simm.s32 $_tile_overlayer_lowered  }
0x9b: {  	s22 =	simm.s32 $0x1BFF;
	s21 =	sshll.u32 s5, $0x1;
	s2 =	sadd.s32 s19, s18  }
0x9c: {  	s6 =	simm.s32 $0x0;
	s20 =	sshll.u32 s4, $0x1;
	s4 =	sadd.s32 s21, s2  }
0x9d: {  	[timem:s6], [sflag:s22] =	dma.local [hbm:s4], s20  }
0x9e: {  	_ =	swait.ge [sflag:s22], s20  }
0x9f: {  	s3 =	ssub.s32 $0x0, s20;
	[sflag:s22] =	ssyncset.done $0x0  }
0xa0: {  	[sflag:s22] =	ssyncadd.s32 s3;
	_ =	sdelay $0x1  }
0xa1: {  	s23 =	simm.s32 $0x1B8B  }
0xa2: {  	_ =	swait.ge [sflag:s23], $0x1  }
0xa3: {  	[sflag:s23] =	ssyncset.done $0x0  }
0xa4: {  	s25 =	simm.s32 $0x1B8E;
	s24 =	sld [smem:$0x3FFE];
	[sflag:s23] =	ssyncadd.s32 $0xFFFFFFFF  }
0xa5: {  	s26 =	simm.s32 $execute0_lowered;
	[smem:$0x3FD2] =	sst s25  }
0xa6: {  	s4 =	sshll.u32 s26, $0x1;
	_ =	strace $0x80000049;
	[dreg:$0x1] =	wrdreg $0xFFFFFFFF  }
0xa7: {  	s28 =	simm.s32 $_size_execute0_lowered;
	s2 =	sadd.s32 s2, s4;
	[dreg:$0x0] =	wrdreg $0x0  }
0xa8: {  	s4 =	sshll.u32 s28, $0x1;
	[dreg:$0x2] =	wrdreg s2  }
0xa9: {  	[dreg:$0x3] =	wrdreg s4  }
0xaa: {  	[dreg:$0x4] =	wrdreg $0xC0  }
0xab: {  	_ =	task [dreg:s6], $0x5FFFF  }
0xac: {  	[dreg:$0x1] =	wrdreg $0xFFFFFFFF  }
0xad: {  	[dreg:$0x0] =	wrdreg $0x60  }
0xae: {  	[dreg:$0x2] =	wrdreg s24  }
0xaf: {  	[dreg:$0x3] =	wrdreg $0x0  }
0xb0: {  	[dreg:$0x4] =	wrdreg $0x9  }
0xb1: {  	_ =	task.clear_ibuf [dreg:s6], $0x5FFFF;
	_ =	strace $0x90000049  }
0xb2: {  	s29 =	simm.s32 $0x9;
	_ =	strace $0x8000004B  }
0xb3: {  	_ =	swait.ge [sflag:s29], $0x1  }
0xb4: {  	[sflag:s29] =	ssyncadd.s32 $0xFFFFFFFF  }
0xb5: {  	_ =	strace $0x9000004B  }
0xb6: {  	_ =	sfence  }
0xb7: {  	s30 =	sld [smem:$0x0];
	_ =	sdelay $0x2  }
0xb8: {  	s31 =	sshll.u32 s1, $0xD;
	s1 =	sshrl.u32 s1, $0x2  }
0xb9: {  	s3 =	sand.u32 $0x4000, s31;
	s1 =	sadd.s32 s1, s30  }
0xba: {  	s0 =	sor.u32 s3, s0;
	s1 =	sshll.u32 s1, $0x11  }
0xbb: {  	s0 =	sor.u32 s1, s0  }
0xbc: {  	s0 =	sadd.s32 $0x8F2B, s0  }
0xbd: {  	[sflag:s0] =	ssyncadd.remote.s32 $0x1  }
0xbe: {  	_ =	sfence.sel $0xFFFF  }
0xbf: {  	[dreg:$0x0] =	wrdreg $0xFFFFFFFF;
	(pc) =	sbr.abs _section_cstart, $3  }
0xc0: {  	[dreg:$0x1] =	wrdreg $0xFFFFFFFF  }
0xc1: {  	_ =	task.clear_ibuf [dreg:s6], $0x2FFFF;
	_ =	strace $0x9FFFFFFF  }
0xc2: {  	(tm) =	ssettm $0x7FFFFFFF  }
0xc3: {  	_ =	shalt  }
tec
execute0_lowered:
.L_overlay_start_1:
0x0: {  	(tag) =	ssettag $0x1  }
0x1: {  	s0 =	srdreg.scid;
	s1 =	rddreg [dreg:$0x0]  }
0x2: {  	s10 =	stileid.u32;
	s2 =	rddreg [dreg:$0x1]  }
0x3: {  	s5 =	simm.s32 $0x0;
	s11 =	simm.s32 $0xB;
	s12 =	simm.s32 $0x18E00  }
0x4: {  	s15 =	simm.s32 $0x80;
	s16 =	simm.s32 $0x9E00;
	s18 =	simm.s32 $0xBE00  }
0x5: {  	s29 =	simm.s32 $0x6;
	s31 =	simm.s32 $0x3;
	s4 =	smul.u32 $0xA00, s10  }
0x6: {  	s30 =	simm.s32 $0x5;
	s0 =	sand.u32 $0x1, s0;
	s6 =	smul.u32 $0x9E00, s10  }
0x7: {  	s17 =	simm.s32 $0x9;
	s28 =	simm.s32 $0xA;
	s3 =	smul.u32 $0x13880, s0  }
0x8: {  	[smem:$0x7FF] =	sst s5;
	s26 =	sshll.u32 s10, $0x6;
	s19 =	smul.u32 $0x9E000, s0  }
0x9: {  	_ =	strace $0x8000004A;
	s0 =	ssub.s32 $0x2, s0;
	s13 =	sor.u32 $0x1C0B, s26  }
0xa: {  	s26 =	simm.s32 $0x2;
	s7 =	sadd.s32 s4, s1;
	s20 =	sshrl.u32 s6, $0x3  }
0xb: {  	s22 =	sshrl.u32 s0, $0x1;
	s14 =	sadd.s32 s6, s2;
	s3 =	sadd.s32 s3, s1  }
0xc: {  	s5 =	sadd.s32 s6, s19;
	s8 =	sadd.s32 s20, s1;
	s0 =	ssub.s32 s0, s22  }
0xd: {  	s23 =	sadd.s32 $0xBC00, s7;
	s24 =	sadd.s32 $0x1C00, s7;
	s14 =	sshrl.u32 s14, $0x3  }
0xe: {  	s20 =	simm.s32 $0xDE00;
	s22 =	simm.s32 $0xFE00;
	s19 =	simm.s32 $0x4  }
.Ltmp0:
0xf: {  	s21 =	sshrl.u32 s5, $0x3;
	[dreg:$0x3] =	wrdreg s23;
	(pc) =	sbr.rel .LBB2_1-.Ltmp0, $4  }
0x10: {  	[dreg:$0x4] =	wrdreg s24;
	s25 =	sadd.s32 $0x8B000, s8;
	s7 =	sadd.s32 $0x63E00, s3  }
0x11: {  	s9 =	smax.u32 s0, $0x1;
	s24 =	simm.s32 $0x11E00;
	s0 =	simm.s32 $0x7  }
0x12: {  	s23 =	simm.s32 $0x8;
	s1 =	sadd.s32 s21, s1;
	[dreg:$0x5] =	wrdreg s25  }
0x13: {  	s25 =	simm.s32 $0x1;
	s21 =	simm.s32 $0x0;
	s8 =	sadd.s32 $0x9EC00, s1  }
.LBB2_4:
0x14: {  	_ =	swait.ge [sflag:s30], $0x2000  }
0x15: {  	[sflag:s30] =	ssyncset.done $0x0  }
0x16: {  	s1 =	simm.s32 $0x1DD80;
	[sflag:s30] =	ssyncadd.s32 $0xFFFFE000  }
0x17: {  	[spmem:s2] =	stream.indirect.scatter.add.f32 [tilespmem:s24], [sflag:$0xA], $0x40, s1, s15, $0xb8;
	[tilespmem:$0x1DE00] =	vst v63  }
0x18: {  	_ =	swait.ge [sflag:s29], $0x2000  }
0x19: {  	[sflag:s29] =	ssyncset.done $0x0  }
0x1a: {  	[sflag:s29] =	ssyncadd.s32 $0xFFFFE000  }
0x1b: {  	_ =	swait.ge [sflag:s0], $0x2000  }
0x1c: {  	[sflag:s0] =	ssyncset.done $0x0  }
0x1d: {  	[sflag:s0] =	ssyncadd.s32 $0xFFFFE000  }
0x1e: {  	_ =	swait.ge [sflag:s23], $0x2000  }
0x1f: {  	[sflag:s23] =	ssyncset.done $0x0  }
0x20: {  	[sflag:s23] =	ssyncadd.s32 $0xFFFFE000  }
0x21: {  	_ =	swait.ge [sflag:s17], $0x2000  }
0x22: {  	[sflag:s17] =	ssyncset.done $0x0  }
0x23: {  	[sflag:s17] =	ssyncadd.s32 $0xFFFFE000  }
0x24: {  	_ =	swait.ge [sflag:s28], $0x2000  }
0x25: {  	s21 =	sadd.s32 $0x1, s21;
	[sflag:s28] =	ssyncset.done $0x0  }
0x26: {  	p0 =	sne.s32 s21, s9;
	[sflag:s28] =	ssyncadd.s32 $0xFFFFE000  }
.Ltmp1:
0x27: {  	[bflag:$0x0] =	sbarrier.arrive $0xFFFF;
	(pc) =	sbr.rel @!p0 .LBB2_5-.Ltmp1, $4  }
0x28: {  	[hbm:s8], [sflag:s13] =	dma.local [spmem:s14], $0x13C0  }
0x29: {  	_ =	swait.ge [sflag:s11], $0x13C0  }
0x2a: {  	[sflag:s11] =	ssyncset.done $0x0  }
0x2b: {  	[sflag:s11] =	ssyncadd.s32 $0xFFFFEC40  }
.LBB2_1:
0x2c: {  	s1 =	simm.s32 $0x0;
	s3 =	rddreg [dreg:$0x3];
	s4 =	simm.s32 $0x13E00  }
0x2d: {  	[tilespmem:s4], [sflag:$0xB] =	stream.linear.gather [hbm4b:s3+s1], $0x5000, $0x38;
	[tilespmem:$0x1DE00] =	vst v63  }
0x2e: {  	_ =	swait.ge [sflag:s11], $0x5000  }
0x2f: {  	[sflag:s11] =	ssyncset.done $0x0  }
0x30: {  	s10 =	rddreg [dreg:$0x4];
	[sflag:s11] =	ssyncadd.s32 $0xFFFFB000  }
0x31: {  	[tilespmem:s12], [sflag:$0xB] =	stream.linear.gather [hbm4b:s10+s1], $0x5000, $0x38;
	[tilespmem:$0x1DE00] =	vst v63  }
0x32: {  	_ =	swait.ge [sflag:s11], $0x5000  }
0x33: {  	[sflag:s11] =	ssyncset.done $0x0  }
0x34: {  	s5 =	rddreg [dreg:$0x5];
	[sflag:s11] =	ssyncadd.s32 $0xFFFFB000  }
0x35: {  	[spmem:s14], [sflag:s13] =	dma.local [hbm:s5], $0x13C0  }
0x36: {  	_ =	swait.ge [sflag:s11], $0x13C0  }
0x37: {  	[sflag:s11] =	ssyncset.done $0x0  }
0x38: {  	[sflag:s11] =	ssyncadd.s32 $0xFFFFEC40  }
0x39: {  	[bflag:$0x0] =	sbarrier.arrive $0xFFFF  }
0x3a: {  	[tilespmem:s16], [sflag:$0x1] =	stream.indirect.gather [hbm4b:s7+s15], $0x40, s4, s15, $0xb8;
	[tilespmem:$0x1DE00] =	vst v63  }
0x3b: {  	s6 =	simm.s32 $0x13E80  }
0x3c: {  	[tilespmem:s18], [sflag:$0x2] =	stream.indirect.gather [hbm4b:s7+s15], $0x40, s6, s15, $0xb8;
	[tilespmem:$0x1DE00] =	vst v63  }
0x3d: {  	s10 =	simm.s32 $0x13F00  }
0x3e: {  	[tilespmem:s20], [sflag:$0x3] =	stream.indirect.gather [hbm4b:s7+s15], $0x40, s10, s15, $0xb8;
	[tilespmem:$0x1DE00] =	vst v63  }
0x3f: {  	s3 =	simm.s32 $0x13F80  }
0x40: {  	[tilespmem:s22], [sflag:$0x4] =	stream.indirect.gather [hbm4b:s7+s15], $0x40, s3, s15, $0xb8;
	[tilespmem:$0x1DE00] =	vst v63  }
0x41: {  	s4 =	simm.s32 $0x14000  }
0x42: {  	[tilespmem:s24], [sflag:$0x5] =	stream.indirect.gather [hbm4b:s7+s15], $0x40, s4, s15, $0xb8;
	[tilespmem:$0x1DE00] =	vst v63  }
0x43: {  	_ =	swait.ge [sflag:s25], $0x2000  }
0x44: {  	[sflag:s25] =	ssyncset.done $0x0  }
0x45: {  	[sflag:s25] =	ssyncadd.s32 $0xFFFFE000  }
0x46: {  	[spmem:s2] =	stream.indirect.scatter.add.f32 [tilespmem:s16], [sflag:$0x6], $0x40, s12, s15, $0xb8;
	[tilespmem:$0x1DE00] =	vst v63  }
0x47: {  	_ =	swait.ge [sflag:s26], $0x2000  }
0x48: {  	[sflag:s26] =	ssyncset.done $0x0  }
0x49: {  	s5 =	simm.s32 $0x18E80;
	[sflag:s26] =	ssyncadd.s32 $0xFFFFE000  }
0x4a: {  	[spmem:s2] =	stream.indirect.scatter.add.f32 [tilespmem:s18], [sflag:$0x7], $0x40, s5, s15, $0xb8;
	[tilespmem:$0x1DE00] =	vst v63  }
0x4b: {  	_ =	swait.ge [sflag:s29], $0x2000  }
0x4c: {  	[sflag:s29] =	ssyncset.done $0x0  }
0x4d: {  	s6 =	simm.s32 $0x14080;
	[sflag:s29] =	ssyncadd.s32 $0xFFFFE000  }
0x4e: {  	[tilespmem:s16], [sflag:$0x1] =	stream.indirect.gather [hbm4b:s7+s15], $0x40, s6, s15, $0xb8;
	[tilespmem:$0x1DE00] =	vst v63  }
0x4f: {  	_ =	swait.ge [sflag:s31], $0x2000  }
0x50: {  	[sflag:s31] =	ssyncset.done $0x0  }
0x51: {  	s10 =	simm.s32 $0x18F00;
	[sflag:s31] =	ssyncadd.s32 $0xFFFFE000  }
0x52: {  	[spmem:s2] =	stream.indirect.scatter.add.f32 [tilespmem:s20], [sflag:$0x8], $0x40, s10, s15, $0xb8;
	[tilespmem:$0x1DE00] =	vst v63  }
0x53: {  	_ =	swait.ge [sflag:s0], $0x2000  }
0x54: {  	[sflag:s0] =	ssyncset.done $0x0  }
0x55: {  	s3 =	simm.s32 $0x14100;
	[sflag:s0] =	ssyncadd.s32 $0xFFFFE000  }
0x56: {  	[tilespmem:s18], [sflag:$0x2] =	stream.indirect.gather [hbm4b:s7+s15], $0x40, s3, s15, $0xb8;
	[tilespmem:$0x1DE00] =	vst v63  }
0x57: {  	_ =	swait.ge [sflag:s19], $0x2000  }
0x58: {  	[sflag:s19] =	ssyncset.done $0x0  }
0x59: {  	s4 =	simm.s32 $0x18F80;
	[sflag:s19] =	ssyncadd.s32 $0xFFFFE000  }
0x5a: {  	[spmem:s2] =	stream.indirect.scatter.add.f32 [tilespmem:s22], [sflag:$0x9], $0x40, s4, s15, $0xb8;
	[tilespmem:$0x1DE00] =	vst v63  }
0x5b: {  	_ =	swait.ge [sflag:s23], $0x2000  }
0x5c: {  	[sflag:s23] =	ssyncset.done $0x0  }
0x5d: {  	s5 =	simm.s32 $0x14180;
	[sflag:s23] =	ssyncadd.s32 $0xFFFFE000  }
0x5e: {  	[tilespmem:s20], [sflag:$0x3] =	stream.indirect.gather [hbm4b:s7+s15], $0x40, s5, s15, $0xb8;
	[tilespmem:$0x1DE00] =	vst v63  }
0x5f: {  	_ =	swait.ge [sflag:s30], $0x2000  }
0x60: {  	[sflag:s30] =	ssyncset.done $0x0  }
0x61: {  	s6 =	simm.s32 $0x19000;
	[sflag:s30] =	ssyncadd.s32 $0xFFFFE000  }
0x62: {  	[spmem:s2] =	stream.indirect.scatter.add.f32 [tilespmem:s24], [sflag:$0xA], $0x40, s6, s15, $0xb8;
	[tilespmem:$0x1DE00] =	vst v63  }
0x63: {  	_ =	swait.ge [sflag:s17], $0x2000  }
0x64: {  	[sflag:s17] =	ssyncset.done $0x0  }
0x65: {  	s1 =	simm.s32 $0x0;
	s10 =	simm.s32 $0x14200;
	[sflag:s17] =	ssyncadd.s32 $0xFFFFE000  }
0x66: {  	[tilespmem:s22], [sflag:$0x4] =	stream.indirect.gather [hbm4b:s7+s15], $0x40, s10, s15, $0xb8;
	[tilespmem:$0x1DE00] =	vst v63  }
.LBB2_2:
0x67: {  	_ =	swait.ge [sflag:s25], $0x2000  }
0x68: {  	s3 =	sshra.s32 s1, $0x2;
	[sflag:s25] =	ssyncset.done $0x0  }
0x69: {  	s4 =	sadd.s32 $0x19080, s3;
	[sflag:s25] =	ssyncadd.s32 $0xFFFFE000  }
0x6a: {  	[spmem:s2] =	stream.indirect.scatter.add.f32 [tilespmem:s16], [sflag:$0x6], $0x40, s4, s15, $0xb8;
	[tilespmem:$0x1DE00] =	vst v63  }
0x6b: {  	_ =	swait.ge [sflag:s28], $0x2000  }
0x6c: {  	[sflag:s28] =	ssyncset.done $0x0  }
0x6d: {  	s5 =	sadd.s32 $0x14280, s3;
	[sflag:s28] =	ssyncadd.s32 $0xFFFFE000  }
0x6e: {  	[tilespmem:s24], [sflag:$0x5] =	stream.indirect.gather [hbm4b:s7+s15], $0x40, s5, s15, $0xb8;
	[tilespmem:$0x1DE00] =	vst v63  }
0x6f: {  	_ =	swait.ge [sflag:s26], $0x2000  }
0x70: {  	p0 =	seq.s32 s1, $0x12C00;
	[sflag:s26] =	ssyncset.done $0x0  }
0x71: {  	s6 =	sadd.s32 $0x19100, s3;
	s4 =	simm.s32 @p0 $0x3;
	[sflag:s26] =	ssyncadd.s32 $0xFFFFE000  }
0x72: {  	[spmem:s2] =	stream.indirect.scatter.add.f32 [tilespmem:s18], [sflag:$0x7], $0x40, s6, s15, $0xb8;
	[tilespmem:$0x1DE00] =	vst v63  }
0x73: {  	_ =	swait.ge @p0 [sflag:s4], $0x2000  }
0x74: {  	[sflag:s4] =	ssyncset.done @p0 $0x0  }
0x75: {  	[sflag:s4] =	ssyncadd.s32 @p0 $0xFFFFE000;
	s4 =	sshra.s32 @p0 s1, $0x2  }
0x76: {  	s5 =	simm.s32 @p0 $0x80;
	s6 =	simm.s32 @p0 $0xDE00;
	s4 =	sadd.s32 @p0 $0x19180, s4  }
0x77: {  	[spmem:s2] =	stream.indirect.scatter.add.f32 @p0 [tilespmem:s6], [sflag:$0x8], $0x40, s4, s5, $0xb8;
	[tilespmem:$0x1DE00] =	vst v63  }
0x78: {  	s4 =	simm.s32 @!p0 $0x6  }
0x79: {  	_ =	swait.ge @!p0 [sflag:s4], $0x2000  }
0x7a: {  	[sflag:s4] =	ssyncset.done @!p0 $0x0  }
0x7b: {  	[sflag:s4] =	ssyncadd.s32 @!p0 $0xFFFFE000;
	s4 =	sshra.s32 @!p0 s1, $0x2  }
0x7c: {  	s10 =	simm.s32 @!p0 $0x9E00;
	s6 =	simm.s32 @!p0 $0x80;
	s5 =	sadd.s32 @!p0 $0x14300, s4  }
0x7d: {  	[tilespmem:s10], [sflag:$0x1] =	stream.indirect.gather @!p0 [hbm4b:s7+s6], $0x40, s5, s6, $0xb8;
	[tilespmem:$0x1DE00] =	vst v63  }
0x7e: {  	s5 =	simm.s32 @!p0 $0x3  }
0x7f: {  	_ =	swait.ge @!p0 [sflag:s5], $0x2000  }
0x80: {  	[sflag:s5] =	ssyncset.done @!p0 $0x0  }
0x81: {  	s10 =	simm.s32 @!p0 $0xDE00;
	[sflag:s5] =	ssyncadd.s32 @!p0 $0xFFFFE000;
	s5 =	sadd.s32 @!p0 $0x19180, s4  }
0x82: {  	[spmem:s2] =	stream.indirect.scatter.add.f32 @!p0 [tilespmem:s10], [sflag:$0x8], $0x40, s5, s6, $0xb8;
	[tilespmem:$0x1DE00] =	vst v63  }
0x83: {  	s5 =	simm.s32 @!p0 $0x7  }
0x84: {  	_ =	swait.ge @!p0 [sflag:s5], $0x2000  }
0x85: {  	[sflag:s5] =	ssyncset.done @!p0 $0x0  }
0x86: {  	s4 =	sadd.s32 @!p0 $0x14380, s4;
	[sflag:s5] =	ssyncadd.s32 @!p0 $0xFFFFE000;
	s5 =	simm.s32 @!p0 $0xBE00  }
0x87: {  	[tilespmem:s5], [sflag:$0x2] =	stream.indirect.gather @!p0 [hbm4b:s7+s6], $0x40, s4, s6, $0xb8;
	[tilespmem:$0x1DE00] =	vst v63  }
.Ltmp2:
0x88: {  	_ = 	snop;
	(pc) =	sbr.rel @p0 .LBB2_4-.Ltmp2, $4  }
0x89: {  	_ =	swait.ge [sflag:s19], $0x2000  }
0x8a: {  	[sflag:s19] =	ssyncset.done $0x0  }
0x8b: {  	s10 =	sadd.s32 $0x19200, s3;
	[sflag:s19] =	ssyncadd.s32 $0xFFFFE000  }
0x8c: {  	[spmem:s2] =	stream.indirect.scatter.add.f32 [tilespmem:s22], [sflag:$0x9], $0x40, s10, s15, $0xb8;
	[tilespmem:$0x1DE00] =	vst v63  }
0x8d: {  	_ =	swait.ge [sflag:s23], $0x2000  }
0x8e: {  	[sflag:s23] =	ssyncset.done $0x0  }
0x8f: {  	s4 =	sadd.s32 $0x14400, s3;
	[sflag:s23] =	ssyncadd.s32 $0xFFFFE000  }
0x90: {  	[tilespmem:s20], [sflag:$0x3] =	stream.indirect.gather [hbm4b:s7+s15], $0x40, s4, s15, $0xb8;
	[tilespmem:$0x1DE00] =	vst v63  }
0x91: {  	_ =	swait.ge [sflag:s30], $0x2000  }
0x92: {  	[sflag:s30] =	ssyncset.done $0x0  }
0x93: {  	s6 =	sadd.s32 $0x19280, s3;
	[sflag:s30] =	ssyncadd.s32 $0xFFFFE000  }
0x94: {  	[spmem:s2] =	stream.indirect.scatter.add.f32 [tilespmem:s24], [sflag:$0xA], $0x40, s6, s15, $0xb8;
	[tilespmem:$0x1DE00] =	vst v63  }
.Ltmp3:
0x95: {  	_ = 	snop;
	(pc) =	sbr.rel .LBB2_2-.Ltmp3, $4  }
0x96: {  	_ =	swait.ge [sflag:s17], $0x2000  }
0x97: {  	[sflag:s17] =	ssyncset.done $0x0  }
0x98: {  	s10 =	sadd.s32 $0x14480, s3;
	s1 =	sadd.s32 $0xA00, s1;
	[sflag:s17] =	ssyncadd.s32 $0xFFFFE000  }
0x99: {  	[tilespmem:s22], [sflag:$0x4] =	stream.indirect.gather [hbm4b:s7+s15], $0x40, s10, s15, $0xb8;
	[tilespmem:$0x1DE00] =	vst v63  }
.LBB2_5:
0x9a: {  	_ =	sfence.sel $0x180000  }
0x9b: {  	[bflag:$0x0] =	sbarrier.arrive $0xFFFF  }
0x9c: {  	_ =	strace $0x9000004A  }
0x9d: {  	s0 =	stileid.u32;
	[bflag:$0x2] =	sbarrier.arrive $0xFFFF  }
0x9e: {  	p0 =	sne.s32 s0, $0x0;
	s0 =	rddreg [dreg:$0x2]  }
0x9f: {  	s0 =	sadd.s32 @!p0 $0x100000, s0  }
0xa0: {  	[sflag:s0] =	ssyncadd.tile.s32 @!p0 $0x1;
	_ =	shalt  }
.Lfunc_end2:
_tile_overlayer_lowered:
.L_overlay_start_2:
0xa1: {  	(tag) =	ssettag $0x2  }
0xa2: {  	s0 =	rddreg [dreg:$0x0];
	s2 =	stileid.u32  }
0xa3: {  	s1 =	rddreg [dreg:$0x1];
	p0 =	sne.s32 s2, $0x0  }
0xa4: {  	s3 =	rddreg [dreg:$0x2];
	[bflag:$0x3] =	sbarrier.arrive $0xFFFF;
	s2 =	simm.s32 @!p0 $0x1C0B  }
0xa5: {  	[timem:s3], [sflag:s2] =	dma.local @!p0 [hbm:s0], s1  }
0xa6: {  	s0 =	simm.s32 @!p0 $0xB  }
0xa7: {  	_ =	swait.ge @!p0 [sflag:s0], s1  }
0xa8: {  	s1 =	ssub.s32 @!p0 $0x0, s1;
	[sflag:s0] =	ssyncset.done @!p0 $0x0  }
0xa9: {  	[sflag:s0] =	ssyncadd.s32 @!p0 s1  }
0xaa: {  	[bflag:$0x3] =	sbarrier.arrive $0xFFFF  }
0xab: {  	_ =	shalt  }

// kernel: kernel.15.cloned.1.call-start
scs
__scs_entry_jumppad:
0x0: {  	(pc) =	sbr.rel $0x88, $3  }
0x1: {  	(tag) =	ssettag $0x0;
	lr =	simm.s32 $0x1  }
0x2: {  	[smem:$0x3F99] =	sst lr;
	_ =	strace $0xD0000000  }
0x3: {  	_ = 	snop  }
0x4: {  	_ = 	snop  }
0x5: {  	_ = 	snop  }
0x6: {  	_ = 	snop  }
0x7: {  	_ = 	snop  }
__scs_overlays_trampoline_lowered:
0x8: {  	[smem:$0x3FA8] =	sst s0  }
0x9: {  	[smem:$0x3FA9] =	sst s1  }
0xa: {  	[smem:$0x3FAA] =	sst s2  }
0xb: {  	[smem:$0x3FAB] =	sst s3  }
0xc: {  	[smem:$0x3FAC] =	sst s4  }
0xd: {  	[smem:$0x3FAD] =	sst s5  }
0xe: {  	[smem:$0x3FAE] =	sst s6  }
0xf: {  	[smem:$0x3FAF] =	sst s7  }
0x10: {  	[smem:$0x3FB0] =	sst s8  }
0x11: {  	[smem:$0x3FB1] =	sst s9;
	s0 =	simm.s32 @!p0 $0x0  }
0x12: {  	s1 =	sld [smem:$0x3F97];
	s0 =	simm.s32 @p0 $0x1  }
0x13: {  	[smem:$0x3FB2] =	sst s0;
	s0 =	simm.s32 @!p1 $0x0  }
0x14: {  	s2 =	sld [smem:$0x3F96];
	s0 =	simm.s32 @p1 $0x1  }
0x15: {  	[smem:$0x3FB3] =	sst s0;
	s0 =	simm.s32 @!p2 $0x0  }
0x16: {  	s3 =	sld [smem:$0x3FDB];
	s0 =	simm.s32 @p2 $0x1  }
0x17: {  	s4 =	simm.s32 $0x1BF5;
	[smem:$0x3FB5] =	sst s0  }
0x18: {  	s0 =	sld [smem:$0x3F98];
	_ =	swait.ge [sflag:s4], $0x0  }
0x19: {  	s7 =	sld [smem:$0x3F99]  }
0x1a: {  	s8 =	sadd.s32 $0xFFFFE003, lr  }
0x1b: {  	s9 =	sadd.s32 $0xFFFFFEF7, lr;
	s5 =	simm.s32 $0xFFFFFFFF;
	p2 =	slt.u32 s8, $0xFFFFF086  }
0x1c: {  	p1 =	slt.u32 s9, $0xF7A;
	s5 =	simm.s32 @!p2 $0x0  }
0x1d: {  	s5 =	simm.s32 @p1 $0x1;
	p0 =	seq.s32 s7, s2  }
0x1e: {  	s7 =	smul.u32 @!p0 $0xF7A, s2;
	p2 =	seq.s32 @!p0 s5, $0x0  }
0x1f: {  	s9 =	smul.u32 $0xF7A, s1;
	s8 =	simm.s32 @!p0 $0x1BF5;
	p2 =	por !p2, p0  }
0x20: {  	[sflag:s8] =	ssyncset.s32 @!p0 $0xFFFFF086;
	s6 =	sadd.s32 @!p0 s3, s7;
	s7 =	simm.s32 @!p0 $0x108  }
0x21: {  	s3 =	sadd.s32 s3, s9;
	s6 =	sadd.s32 @!p0 $0x88, s6;
	s7 =	simm.s32 @p2 $0x1082  }
0x22: {  	[simem:s7], [sflag:s8] =	dma.local @!p0 [hbm:s6], $0xF7A  }
0x23: {  	s9 =	sor.u32 $0xD0000000, s2;
	s6 =	simm.s32 $0x108;
	_ =	swait.ge @!p0 [sflag:s8], $0x0  }
0x24: {  	s3 =	sadd.s32 $0x88, s3;
	s6 =	simm.s32 @!p1 $0x1082;
	[sflag:s4] =	ssyncset.s32 $0xFFFFF086  }
0x25: {  	[simem:s6], [sflag:s4] =	dma.local [hbm:s3], $0xF7A  }
0x26: {  	[smem:$0x3F99] =	sst s1;
	(tag) =	ssettag s2;
	_ =	strace s9  }
0x27: {  	s1 =	sld [smem:$0x3FA9]  }
0x28: {  	s2 =	sld [smem:$0x3FAA]  }
0x29: {  	s4 =	sld [smem:$0x3FAC]  }
0x2a: {  	p0 =	seq.s32 s5, $0x0;
	s5 =	sld [smem:$0x3FAD]  }
0x2b: {  	s6 =	sld [smem:$0x3FAE]  }
0x2c: {  	s7 =	sld [smem:$0x3FAF]  }
0x2d: {  	s3 =	simm.s32 $0x108;
	s8 =	sld [smem:$0x3FB0]  }
0x2e: {  	s3 =	simm.s32 @!p0 $0x1082;
	s9 =	sld [smem:$0x3FB1]  }
0x2f: {  	lr =	sadd.s32 s0, s3;
	s0 =	sld [smem:$0x3FA8]  }
0x30: {  	s3 =	sld [smem:$0x3FAB]  }
0x31: {  	[smem:$0x3FB4] =	sst s10  }
0x32: {  	s10 =	sld [smem:$0x3FB2];
	_ =	sdelay $0x3  }
0x33: {  	p0 =	seq.s32 s10, $0x1;
	s10 =	sld [smem:$0x3FB4];
	_ =	sdelay $0x3  }
0x34: {  	[smem:$0x3FB4] =	sst s10  }
0x35: {  	s10 =	sld [smem:$0x3FB3];
	_ =	sdelay $0x3  }
0x36: {  	p1 =	seq.s32 s10, $0x1;
	s10 =	sld [smem:$0x3FB4];
	_ =	sdelay $0x3  }
0x37: {  	[smem:$0x3FB4] =	sst s10  }
0x38: {  	s10 =	sld [smem:$0x3FB5]  }
0x39: {  	_ = 	snop;
	(pc) =	sbr.ind lr, $3  }
0x3a: {  	_ = 	snop  }
0x3b: {  	_ = 	snop  }
0x3c: {  	p2 =	seq.s32 s10, $0x1;
	s10 =	sld [smem:$0x3FB4]  }
0x3d: {  	_ =	shalt  }
0x3e: {  	_ =	shalt  }
0x3f: {  	_ =	shalt  }
0x40: {  	_ =	shalt  }
0x41: {  	_ =	shalt  }
0x42: {  	_ =	shalt  }
0x43: {  	_ =	shalt  }
0x44: {  	_ =	shalt  }
0x45: {  	_ =	shalt  }
0x46: {  	_ =	shalt  }
0x47: {  	_ =	shalt  }
0x48: {  	_ =	shalt  }
0x49: {  	_ =	shalt  }
0x4a: {  	_ =	shalt  }
0x4b: {  	_ =	shalt  }
0x4c: {  	_ =	shalt  }
0x4d: {  	_ =	shalt  }
0x4e: {  	_ =	shalt  }
0x4f: {  	_ =	shalt  }
0x50: {  	_ =	shalt  }
0x51: {  	_ =	shalt  }
0x52: {  	_ =	shalt  }
0x53: {  	_ =	shalt  }
0x54: {  	_ =	shalt  }
0x55: {  	_ =	shalt  }
0x56: {  	_ =	shalt  }
0x57: {  	_ =	shalt  }
0x58: {  	_ =	shalt  }
0x59: {  	_ =	shalt  }
0x5a: {  	_ =	shalt  }
0x5b: {  	_ =	shalt  }
0x5c: {  	_ =	shalt  }
0x5d: {  	_ =	shalt  }
0x5e: {  	_ =	shalt  }
0x5f: {  	_ =	shalt  }
0x60: {  	_ =	shalt  }
0x61: {  	_ =	shalt  }
0x62: {  	_ =	shalt  }
0x63: {  	_ =	shalt  }
0x64: {  	_ =	shalt  }
0x65: {  	_ =	shalt  }
0x66: {  	_ =	shalt  }
0x67: {  	_ =	shalt  }
0x68: {  	_ =	shalt  }
0x69: {  	_ =	shalt  }
0x6a: {  	_ =	shalt  }
0x6b: {  	_ =	shalt  }
0x6c: {  	_ =	shalt  }
0x6d: {  	_ =	shalt  }
0x6e: {  	_ =	shalt  }
0x6f: {  	_ =	shalt  }
0x70: {  	_ =	shalt  }
0x71: {  	_ =	shalt  }
0x72: {  	_ =	shalt  }
0x73: {  	_ =	shalt  }
0x74: {  	_ =	shalt  }
0x75: {  	_ =	shalt  }
0x76: {  	_ =	shalt  }
0x77: {  	_ =	shalt  }
0x78: {  	_ =	shalt  }
0x79: {  	_ =	shalt  }
0x7a: {  	_ =	shalt  }
0x7b: {  	_ =	shalt  }
0x7c: {  	_ =	shalt  }
0x7d: {  	_ =	shalt  }
0x7e: {  	_ =	shalt  }
0x7f: {  	_ =	shalt  }
0x80: {  	_ =	shalt  }
0x81: {  	_ =	shalt  }
0x82: {  	_ =	shalt  }
0x83: {  	_ =	shalt  }
0x84: {  	_ =	shalt  }
0x85: {  	_ =	shalt  }
0x86: {  	_ =	shalt  }
0x87: {  	_ =	shalt  }
.Lfunc_end0:
.L_simem_size_0:
called_computation.2_lowered:
.L_overlay_start_0:
0x88: {  	s2 =	sld [smem:$0x3FD9]  }
0x89: {  	s3 =	sld [smem:$0x3FFE];
	_ =	sdelay $0x1  }
0x8a: {  	s1 =	srdreg.scid  }
0x8b: {  	s0 =	sand.u32 $0x1, s1  }
0x8c: {  	s16 =	sshll.u32 s0, $0xA;
	s2 =	sadd.s32 s3, s2  }
0x8d: {  	s2 =	sadd.s32 s2, s16  }
0x8e: {  	[smem:$0x3FC0] =	sst s2  }
0x8f: {  	_ = 	snop  }
0x90: {  	(tm) =	ssettm $0x1  }
0x91: {  	s17 =	sld [smem:$0x3FFB];
	_ =	sdelay $0x3  }
0x92: {  	_ =	strace s17  }
0x93: {  	s2 =	sld [smem:$0x3FFC];
	_ =	sdelay $0x3  }
0x94: {  	_ =	strace s2  }
0x95: {  	s2 =	sld [smem:$0x3FFD];
	_ =	sdelay $0x3  }
0x96: {  	_ =	strace s2  }
0x97: {  	_ =	strace $0x8FFFFFFF  }
0x98: {  	s18 =	sld [smem:$0x3FDB];
	_ =	sdelay $0x1  }
0x99: {  	s19 =	simm.s32 $_scs_section_size  }
0x9a: {  	s4 =	simm.s32 $_size__tile_overlayer_lowered;
	s5 =	simm.s32 $_tile_overlayer_lowered  }
0x9b: {  	s22 =	simm.s32 $0x1BFF;
	s21 =	sshll.u32 s5, $0x1;
	s2 =	sadd.s32 s19, s18  }
0x9c: {  	s6 =	simm.s32 $0x0;
	s20 =	sshll.u32 s4, $0x1;
	s4 =	sadd.s32 s21, s2  }
0x9d: {  	[timem:s6], [sflag:s22] =	dma.local [hbm:s4], s20  }
0x9e: {  	_ =	swait.ge [sflag:s22], s20  }
0x9f: {  	s3 =	ssub.s32 $0x0, s20;
	[sflag:s22] =	ssyncset.done $0x0  }
0xa0: {  	[sflag:s22] =	ssyncadd.s32 s3;
	_ =	sdelay $0x1  }
0xa1: {  	s23 =	simm.s32 $0x1B8B  }
0xa2: {  	_ =	swait.ge [sflag:s23], $0x1  }
0xa3: {  	[sflag:s23] =	ssyncset.done $0x0  }
0xa4: {  	s25 =	simm.s32 $0x1B8E;
	s24 =	sld [smem:$0x3FFE];
	[sflag:s23] =	ssyncadd.s32 $0xFFFFFFFF  }
0xa5: {  	s26 =	simm.s32 $execute0_lowered;
	[smem:$0x3FD2] =	sst s25  }
0xa6: {  	s4 =	sshll.u32 s26, $0x1;
	_ =	strace $0x8000004C;
	[dreg:$0x1] =	wrdreg $0xFFFFFFFF  }
0xa7: {  	s28 =	simm.s32 $_size_execute0_lowered;
	s2 =	sadd.s32 s2, s4;
	[dreg:$0x0] =	wrdreg $0x0  }
0xa8: {  	s4 =	sshll.u32 s28, $0x1;
	[dreg:$0x2] =	wrdreg s2  }
0xa9: {  	[dreg:$0x3] =	wrdreg s4  }
0xaa: {  	[dreg:$0x4] =	wrdreg $0xC0  }
0xab: {  	_ =	task [dreg:s6], $0x5FFFF  }
0xac: {  	[dreg:$0x1] =	wrdreg $0xFFFFFFFF  }
0xad: {  	[dreg:$0x0] =	wrdreg $0x60  }
0xae: {  	[dreg:$0x2] =	wrdreg s24  }
0xaf: {  	[dreg:$0x3] =	wrdreg $0x0  }
0xb0: {  	[dreg:$0x4] =	wrdreg $0x9  }
0xb1: {  	_ =	task.clear_ibuf [dreg:s6], $0x5FFFF;
	_ =	strace $0x9000004C  }
0xb2: {  	s29 =	simm.s32 $0x9;
	_ =	strace $0x8000004E  }
0xb3: {  	_ =	swait.ge [sflag:s29], $0x1  }
0xb4: {  	[sflag:s29] =	ssyncadd.s32 $0xFFFFFFFF  }
0xb5: {  	_ =	strace $0x9000004E  }
0xb6: {  	_ =	sfence  }
0xb7: {  	s30 =	sld [smem:$0x0];
	_ =	sdelay $0x2  }
0xb8: {  	s31 =	sshll.u32 s1, $0xD;
	s1 =	sshrl.u32 s1, $0x2  }
0xb9: {  	s3 =	sand.u32 $0x4000, s31;
	s1 =	sadd.s32 s1, s30  }
0xba: {  	s0 =	sor.u32 s3, s0;
	s1 =	sshll.u32 s1, $0x11  }
0xbb: {  	s0 =	sor.u32 s1, s0  }
0xbc: {  	s0 =	sadd.s32 $0x8F2B, s0  }
0xbd: {  	[sflag:s0] =	ssyncadd.remote.s32 $0x1  }
0xbe: {  	_ =	sfence.sel $0xFFFF  }
0xbf: {  	[dreg:$0x0] =	wrdreg $0xFFFFFFFF;
	(pc) =	sbr.abs _section_cstart, $3  }
0xc0: {  	[dreg:$0x1] =	wrdreg $0xFFFFFFFF  }
0xc1: {  	_ =	task.clear_ibuf [dreg:s6], $0x2FFFF;
	_ =	strace $0x9FFFFFFF  }
0xc2: {  	(tm) =	ssettm $0x7FFFFFFF  }
0xc3: {  	_ =	shalt  }
tec
execute0_lowered:
.L_overlay_start_1:
0x0: {  	(tag) =	ssettag $0x1  }
0x1: {  	s0 =	srdreg.scid;
	s1 =	rddreg [dreg:$0x0]  }
0x2: {  	s10 =	stileid.u32;
	s2 =	rddreg [dreg:$0x1]  }
0x3: {  	s5 =	simm.s32 $0x0;
	s11 =	simm.s32 $0xB;
	s12 =	simm.s32 $0x18E00  }
0x4: {  	s15 =	simm.s32 $0x80;
	s16 =	simm.s32 $0x9E00;
	s18 =	simm.s32 $0xBE00  }
0x5: {  	s29 =	simm.s32 $0x6;
	s31 =	simm.s32 $0x3;
	s4 =	smul.u32 $0xA00, s10  }
0x6: {  	s30 =	simm.s32 $0x5;
	s0 =	sand.u32 $0x1, s0;
	s6 =	smul.u32 $0x9E00, s10  }
0x7: {  	s17 =	simm.s32 $0x9;
	s28 =	simm.s32 $0xA;
	s3 =	smul.u32 $0x13880, s0  }
0x8: {  	[smem:$0x7FF] =	sst s5;
	s26 =	sshll.u32 s10, $0x6;
	s19 =	smul.u32 $0x9E000, s0  }
0x9: {  	_ =	strace $0x8000004D;
	s0 =	ssub.s32 $0x2, s0;
	s13 =	sor.u32 $0x1C0B, s26  }
0xa: {  	s26 =	simm.s32 $0x2;
	s7 =	sadd.s32 s4, s1;
	s20 =	sshrl.u32 s6, $0x3  }
0xb: {  	s22 =	sshrl.u32 s0, $0x1;
	s14 =	sadd.s32 s6, s2;
	s3 =	sadd.s32 s3, s1  }
0xc: {  	s5 =	sadd.s32 s6, s19;
	s8 =	sadd.s32 s20, s1;
	s0 =	ssub.s32 s0, s22  }
0xd: {  	s23 =	sadd.s32 $0xBC00, s7;
	s24 =	sadd.s32 $0x1C00, s7;
	s14 =	sshrl.u32 s14, $0x3  }
0xe: {  	s20 =	simm.s32 $0xDE00;
	s22 =	simm.s32 $0xFE00;
	s19 =	simm.s32 $0x4  }
.Ltmp0:
0xf: {  	s21 =	sshrl.u32 s5, $0x3;
	[dreg:$0x3] =	wrdreg s23;
	(pc) =	sbr.rel .LBB2_1-.Ltmp0, $4  }
0x10: {  	[dreg:$0x4] =	wrdreg s24;
	s25 =	sadd.s32 $0x8B000, s8;
	s7 =	sadd.s32 $0x15C00, s3  }
0x11: {  	s9 =	smax.u32 s0, $0x1;
	s24 =	simm.s32 $0x11E00;
	s0 =	simm.s32 $0x7  }
0x12: {  	s23 =	simm.s32 $0x8;
	s1 =	sadd.s32 s21, s1;
	[dreg:$0x5] =	wrdreg s25  }
0x13: {  	s25 =	simm.s32 $0x1;
	s21 =	simm.s32 $0x0;
	s8 =	sadd.s32 $0x3CE00, s1  }
.LBB2_4:
0x14: {  	_ =	swait.ge [sflag:s30], $0x2000  }
0x15: {  	[sflag:s30] =	ssyncset.done $0x0  }
0x16: {  	s1 =	simm.s32 $0x1DD80;
	[sflag:s30] =	ssyncadd.s32 $0xFFFFE000  }
0x17: {  	[spmem:s2] =	stream.indirect.scatter.add.f32 [tilespmem:s24], [sflag:$0xA], $0x40, s1, s15, $0xb8;
	[tilespmem:$0x1DE00] =	vst v63  }
0x18: {  	_ =	swait.ge [sflag:s29], $0x2000  }
0x19: {  	[sflag:s29] =	ssyncset.done $0x0  }
0x1a: {  	[sflag:s29] =	ssyncadd.s32 $0xFFFFE000  }
0x1b: {  	_ =	swait.ge [sflag:s0], $0x2000  }
0x1c: {  	[sflag:s0] =	ssyncset.done $0x0  }
0x1d: {  	[sflag:s0] =	ssyncadd.s32 $0xFFFFE000  }
0x1e: {  	_ =	swait.ge [sflag:s23], $0x2000  }
0x1f: {  	[sflag:s23] =	ssyncset.done $0x0  }
0x20: {  	[sflag:s23] =	ssyncadd.s32 $0xFFFFE000  }
0x21: {  	_ =	swait.ge [sflag:s17], $0x2000  }
0x22: {  	[sflag:s17] =	ssyncset.done $0x0  }
0x23: {  	[sflag:s17] =	ssyncadd.s32 $0xFFFFE000  }
0x24: {  	_ =	swait.ge [sflag:s28], $0x2000  }
0x25: {  	s21 =	sadd.s32 $0x1, s21;
	[sflag:s28] =	ssyncset.done $0x0  }
0x26: {  	p0 =	sne.s32 s21, s9;
	[sflag:s28] =	ssyncadd.s32 $0xFFFFE000  }
.Ltmp1:
0x27: {  	[bflag:$0x0] =	sbarrier.arrive $0xFFFF;
	(pc) =	sbr.rel @!p0 .LBB2_5-.Ltmp1, $4  }
0x28: {  	[hbm:s8], [sflag:s13] =	dma.local [spmem:s14], $0x13C0  }
0x29: {  	_ =	swait.ge [sflag:s11], $0x13C0  }
0x2a: {  	[sflag:s11] =	ssyncset.done $0x0  }
0x2b: {  	[sflag:s11] =	ssyncadd.s32 $0xFFFFEC40  }
.LBB2_1:
0x2c: {  	s1 =	simm.s32 $0x0;
	s3 =	rddreg [dreg:$0x3];
	s4 =	simm.s32 $0x13E00  }
0x2d: {  	[tilespmem:s4], [sflag:$0xB] =	stream.linear.gather [hbm4b:s3+s1], $0x5000, $0x38;
	[tilespmem:$0x1DE00] =	vst v63  }
0x2e: {  	_ =	swait.ge [sflag:s11], $0x5000  }
0x2f: {  	[sflag:s11] =	ssyncset.done $0x0  }
0x30: {  	s10 =	rddreg [dreg:$0x4];
	[sflag:s11] =	ssyncadd.s32 $0xFFFFB000  }
0x31: {  	[tilespmem:s12], [sflag:$0xB] =	stream.linear.gather [hbm4b:s10+s1], $0x5000, $0x38;
	[tilespmem:$0x1DE00] =	vst v63  }
0x32: {  	_ =	swait.ge [sflag:s11], $0x5000  }
0x33: {  	[sflag:s11] =	ssyncset.done $0x0  }
0x34: {  	s5 =	rddreg [dreg:$0x5];
	[sflag:s11] =	ssyncadd.s32 $0xFFFFB000  }
0x35: {  	[spmem:s14], [sflag:s13] =	dma.local [hbm:s5], $0x13C0  }
0x36: {  	_ =	swait.ge [sflag:s11], $0x13C0  }
0x37: {  	[sflag:s11] =	ssyncset.done $0x0  }
0x38: {  	[sflag:s11] =	ssyncadd.s32 $0xFFFFEC40  }
0x39: {  	[bflag:$0x0] =	sbarrier.arrive $0xFFFF  }
0x3a: {  	[tilespmem:s16], [sflag:$0x1] =	stream.indirect.gather [hbm4b:s7+s15], $0x40, s4, s15, $0xb8;
	[tilespmem:$0x1DE00] =	vst v63  }
0x3b: {  	s6 =	simm.s32 $0x13E80  }
0x3c: {  	[tilespmem:s18], [sflag:$0x2] =	stream.indirect.gather [hbm4b:s7+s15], $0x40, s6, s15, $0xb8;
	[tilespmem:$0x1DE00] =	vst v63  }
0x3d: {  	s10 =	simm.s32 $0x13F00  }
0x3e: {  	[tilespmem:s20], [sflag:$0x3] =	stream.indirect.gather [hbm4b:s7+s15], $0x40, s10, s15, $0xb8;
	[tilespmem:$0x1DE00] =	vst v63  }
0x3f: {  	s3 =	simm.s32 $0x13F80  }
0x40: {  	[tilespmem:s22], [sflag:$0x4] =	stream.indirect.gather [hbm4b:s7+s15], $0x40, s3, s15, $0xb8;
	[tilespmem:$0x1DE00] =	vst v63  }
0x41: {  	s4 =	simm.s32 $0x14000  }
0x42: {  	[tilespmem:s24], [sflag:$0x5] =	stream.indirect.gather [hbm4b:s7+s15], $0x40, s4, s15, $0xb8;
	[tilespmem:$0x1DE00] =	vst v63  }
0x43: {  	_ =	swait.ge [sflag:s25], $0x2000  }
0x44: {  	[sflag:s25] =	ssyncset.done $0x0  }
0x45: {  	[sflag:s25] =	ssyncadd.s32 $0xFFFFE000  }
0x46: {  	[spmem:s2] =	stream.indirect.scatter.add.f32 [tilespmem:s16], [sflag:$0x6], $0x40, s12, s15, $0xb8;
	[tilespmem:$0x1DE00] =	vst v63  }
0x47: {  	_ =	swait.ge [sflag:s26], $0x2000  }
0x48: {  	[sflag:s26] =	ssyncset.done $0x0  }
0x49: {  	s5 =	simm.s32 $0x18E80;
	[sflag:s26] =	ssyncadd.s32 $0xFFFFE000  }
0x4a: {  	[spmem:s2] =	stream.indirect.scatter.add.f32 [tilespmem:s18], [sflag:$0x7], $0x40, s5, s15, $0xb8;
	[tilespmem:$0x1DE00] =	vst v63  }
0x4b: {  	_ =	swait.ge [sflag:s29], $0x2000  }
0x4c: {  	[sflag:s29] =	ssyncset.done $0x0  }
0x4d: {  	s6 =	simm.s32 $0x14080;
	[sflag:s29] =	ssyncadd.s32 $0xFFFFE000  }
0x4e: {  	[tilespmem:s16], [sflag:$0x1] =	stream.indirect.gather [hbm4b:s7+s15], $0x40, s6, s15, $0xb8;
	[tilespmem:$0x1DE00] =	vst v63  }
0x4f: {  	_ =	swait.ge [sflag:s31], $0x2000  }
0x50: {  	[sflag:s31] =	ssyncset.done $0x0  }
0x51: {  	s10 =	simm.s32 $0x18F00;
	[sflag:s31] =	ssyncadd.s32 $0xFFFFE000  }
0x52: {  	[spmem:s2] =	stream.indirect.scatter.add.f32 [tilespmem:s20], [sflag:$0x8], $0x40, s10, s15, $0xb8;
	[tilespmem:$0x1DE00] =	vst v63  }
0x53: {  	_ =	swait.ge [sflag:s0], $0x2000  }
0x54: {  	[sflag:s0] =	ssyncset.done $0x0  }
0x55: {  	s3 =	simm.s32 $0x14100;
	[sflag:s0] =	ssyncadd.s32 $0xFFFFE000  }
0x56: {  	[tilespmem:s18], [sflag:$0x2] =	stream.indirect.gather [hbm4b:s7+s15], $0x40, s3, s15, $0xb8;
	[tilespmem:$0x1DE00] =	vst v63  }
0x57: {  	_ =	swait.ge [sflag:s19], $0x2000  }
0x58: {  	[sflag:s19] =	ssyncset.done $0x0  }
0x59: {  	s4 =	simm.s32 $0x18F80;
	[sflag:s19] =	ssyncadd.s32 $0xFFFFE000  }
0x5a: {  	[spmem:s2] =	stream.indirect.scatter.add.f32 [tilespmem:s22], [sflag:$0x9], $0x40, s4, s15, $0xb8;
	[tilespmem:$0x1DE00] =	vst v63  }
0x5b: {  	_ =	swait.ge [sflag:s23], $0x2000  }
0x5c: {  	[sflag:s23] =	ssyncset.done $0x0  }
0x5d: {  	s5 =	simm.s32 $0x14180;
	[sflag:s23] =	ssyncadd.s32 $0xFFFFE000  }
0x5e: {  	[tilespmem:s20], [sflag:$0x3] =	stream.indirect.gather [hbm4b:s7+s15], $0x40, s5, s15, $0xb8;
	[tilespmem:$0x1DE00] =	vst v63  }
0x5f: {  	_ =	swait.ge [sflag:s30], $0x2000  }
0x60: {  	[sflag:s30] =	ssyncset.done $0x0  }
0x61: {  	s6 =	simm.s32 $0x19000;
	[sflag:s30] =	ssyncadd.s32 $0xFFFFE000  }
0x62: {  	[spmem:s2] =	stream.indirect.scatter.add.f32 [tilespmem:s24], [sflag:$0xA], $0x40, s6, s15, $0xb8;
	[tilespmem:$0x1DE00] =	vst v63  }
0x63: {  	_ =	swait.ge [sflag:s17], $0x2000  }
0x64: {  	[sflag:s17] =	ssyncset.done $0x0  }
0x65: {  	s1 =	simm.s32 $0x0;
	s10 =	simm.s32 $0x14200;
	[sflag:s17] =	ssyncadd.s32 $0xFFFFE000  }
0x66: {  	[tilespmem:s22], [sflag:$0x4] =	stream.indirect.gather [hbm4b:s7+s15], $0x40, s10, s15, $0xb8;
	[tilespmem:$0x1DE00] =	vst v63  }
.LBB2_2:
0x67: {  	_ =	swait.ge [sflag:s25], $0x2000  }
0x68: {  	s3 =	sshra.s32 s1, $0x2;
	[sflag:s25] =	ssyncset.done $0x0  }
0x69: {  	s4 =	sadd.s32 $0x19080, s3;
	[sflag:s25] =	ssyncadd.s32 $0xFFFFE000  }
0x6a: {  	[spmem:s2] =	stream.indirect.scatter.add.f32 [tilespmem:s16], [sflag:$0x6], $0x40, s4, s15, $0xb8;
	[tilespmem:$0x1DE00] =	vst v63  }
0x6b: {  	_ =	swait.ge [sflag:s28], $0x2000  }
0x6c: {  	[sflag:s28] =	ssyncset.done $0x0  }
0x6d: {  	s5 =	sadd.s32 $0x14280, s3;
	[sflag:s28] =	ssyncadd.s32 $0xFFFFE000  }
0x6e: {  	[tilespmem:s24], [sflag:$0x5] =	stream.indirect.gather [hbm4b:s7+s15], $0x40, s5, s15, $0xb8;
	[tilespmem:$0x1DE00] =	vst v63  }
0x6f: {  	_ =	swait.ge [sflag:s26], $0x2000  }
0x70: {  	p0 =	seq.s32 s1, $0x12C00;
	[sflag:s26] =	ssyncset.done $0x0  }
0x71: {  	s6 =	sadd.s32 $0x19100, s3;
	s4 =	simm.s32 @p0 $0x3;
	[sflag:s26] =	ssyncadd.s32 $0xFFFFE000  }
0x72: {  	[spmem:s2] =	stream.indirect.scatter.add.f32 [tilespmem:s18], [sflag:$0x7], $0x40, s6, s15, $0xb8;
	[tilespmem:$0x1DE00] =	vst v63  }
0x73: {  	_ =	swait.ge @p0 [sflag:s4], $0x2000  }
0x74: {  	[sflag:s4] =	ssyncset.done @p0 $0x0  }
0x75: {  	[sflag:s4] =	ssyncadd.s32 @p0 $0xFFFFE000;
	s4 =	sshra.s32 @p0 s1, $0x2  }
0x76: {  	s5 =	simm.s32 @p0 $0x80;
	s6 =	simm.s32 @p0 $0xDE00;
	s4 =	sadd.s32 @p0 $0x19180, s4  }
0x77: {  	[spmem:s2] =	stream.indirect.scatter.add.f32 @p0 [tilespmem:s6], [sflag:$0x8], $0x40, s4, s5, $0xb8;
	[tilespmem:$0x1DE00] =	vst v63  }
0x78: {  	s4 =	simm.s32 @!p0 $0x6  }
0x79: {  	_ =	swait.ge @!p0 [sflag:s4], $0x2000  }
0x7a: {  	[sflag:s4] =	ssyncset.done @!p0 $0x0  }
0x7b: {  	[sflag:s4] =	ssyncadd.s32 @!p0 $0xFFFFE000;
	s4 =	sshra.s32 @!p0 s1, $0x2  }
0x7c: {  	s10 =	simm.s32 @!p0 $0x9E00;
	s6 =	simm.s32 @!p0 $0x80;
	s5 =	sadd.s32 @!p0 $0x14300, s4  }
0x7d: {  	[tilespmem:s10], [sflag:$0x1] =	stream.indirect.gather @!p0 [hbm4b:s7+s6], $0x40, s5, s6, $0xb8;
	[tilespmem:$0x1DE00] =	vst v63  }
0x7e: {  	s5 =	simm.s32 @!p0 $0x3  }
0x7f: {  	_ =	swait.ge @!p0 [sflag:s5], $0x2000  }
0x80: {  	[sflag:s5] =	ssyncset.done @!p0 $0x0  }
0x81: {  	s10 =	simm.s32 @!p0 $0xDE00;
	[sflag:s5] =	ssyncadd.s32 @!p0 $0xFFFFE000;
	s5 =	sadd.s32 @!p0 $0x19180, s4  }
0x82: {  	[spmem:s2] =	stream.indirect.scatter.add.f32 @!p0 [tilespmem:s10], [sflag:$0x8], $0x40, s5, s6, $0xb8;
	[tilespmem:$0x1DE00] =	vst v63  }
0x83: {  	s5 =	simm.s32 @!p0 $0x7  }
0x84: {  	_ =	swait.ge @!p0 [sflag:s5], $0x2000  }
0x85: {  	[sflag:s5] =	ssyncset.done @!p0 $0x0  }
0x86: {  	s4 =	sadd.s32 @!p0 $0x14380, s4;
	[sflag:s5] =	ssyncadd.s32 @!p0 $0xFFFFE000;
	s5 =	simm.s32 @!p0 $0xBE00  }
0x87: {  	[tilespmem:s5], [sflag:$0x2] =	stream.indirect.gather @!p0 [hbm4b:s7+s6], $0x40, s4, s6, $0xb8;
	[tilespmem:$0x1DE00] =	vst v63  }
.Ltmp2:
0x88: {  	_ = 	snop;
	(pc) =	sbr.rel @p0 .LBB2_4-.Ltmp2, $4  }
0x89: {  	_ =	swait.ge [sflag:s19], $0x2000  }
0x8a: {  	[sflag:s19] =	ssyncset.done $0x0  }
0x8b: {  	s10 =	sadd.s32 $0x19200, s3;
	[sflag:s19] =	ssyncadd.s32 $0xFFFFE000  }
0x8c: {  	[spmem:s2] =	stream.indirect.scatter.add.f32 [tilespmem:s22], [sflag:$0x9], $0x40, s10, s15, $0xb8;
	[tilespmem:$0x1DE00] =	vst v63  }
0x8d: {  	_ =	swait.ge [sflag:s23], $0x2000  }
0x8e: {  	[sflag:s23] =	ssyncset.done $0x0  }
0x8f: {  	s4 =	sadd.s32 $0x14400, s3;
	[sflag:s23] =	ssyncadd.s32 $0xFFFFE000  }
0x90: {  	[tilespmem:s20], [sflag:$0x3] =	stream.indirect.gather [hbm4b:s7+s15], $0x40, s4, s15, $0xb8;
	[tilespmem:$0x1DE00] =	vst v63  }
0x91: {  	_ =	swait.ge [sflag:s30], $0x2000  }
0x92: {  	[sflag:s30] =	ssyncset.done $0x0  }
0x93: {  	s6 =	sadd.s32 $0x19280, s3;
	[sflag:s30] =	ssyncadd.s32 $0xFFFFE000  }
0x94: {  	[spmem:s2] =	stream.indirect.scatter.add.f32 [tilespmem:s24], [sflag:$0xA], $0x40, s6, s15, $0xb8;
	[tilespmem:$0x1DE00] =	vst v63  }
.Ltmp3:
0x95: {  	_ = 	snop;
	(pc) =	sbr.rel .LBB2_2-.Ltmp3, $4  }
0x96: {  	_ =	swait.ge [sflag:s17], $0x2000  }
0x97: {  	[sflag:s17] =	ssyncset.done $0x0  }
0x98: {  	s10 =	sadd.s32 $0x14480, s3;
	s1 =	sadd.s32 $0xA00, s1;
	[sflag:s17] =	ssyncadd.s32 $0xFFFFE000  }
0x99: {  	[tilespmem:s22], [sflag:$0x4] =	stream.indirect.gather [hbm4b:s7+s15], $0x40, s10, s15, $0xb8;
	[tilespmem:$0x1DE00] =	vst v63  }
.LBB2_5:
0x9a: {  	_ =	sfence.sel $0x180000  }
0x9b: {  	[bflag:$0x0] =	sbarrier.arrive $0xFFFF  }
0x9c: {  	_ =	strace $0x9000004D  }
0x9d: {  	s0 =	stileid.u32;
	[bflag:$0x2] =	sbarrier.arrive $0xFFFF  }
0x9e: {  	p0 =	sne.s32 s0, $0x0;
	s0 =	rddreg [dreg:$0x2]  }
0x9f: {  	s0 =	sadd.s32 @!p0 $0x100000, s0  }
0xa0: {  	[sflag:s0] =	ssyncadd.tile.s32 @!p0 $0x1;
	_ =	shalt  }
.Lfunc_end2:
_tile_overlayer_lowered:
.L_overlay_start_2:
0xa1: {  	(tag) =	ssettag $0x2  }
0xa2: {  	s0 =	rddreg [dreg:$0x0];
	s2 =	stileid.u32  }
0xa3: {  	s1 =	rddreg [dreg:$0x1];
	p0 =	sne.s32 s2, $0x0  }
0xa4: {  	s3 =	rddreg [dreg:$0x2];
	[bflag:$0x3] =	sbarrier.arrive $0xFFFF;
	s2 =	simm.s32 @!p0 $0x1C0B  }
0xa5: {  	[timem:s3], [sflag:s2] =	dma.local @!p0 [hbm:s0], s1  }
0xa6: {  	s0 =	simm.s32 @!p0 $0xB  }
0xa7: {  	_ =	swait.ge @!p0 [sflag:s0], s1  }
0xa8: {  	s1 =	ssub.s32 @!p0 $0x0, s1;
	[sflag:s0] =	ssyncset.done @!p0 $0x0  }
0xa9: {  	[sflag:s0] =	ssyncadd.s32 @!p0 s1  }
0xaa: {  	[bflag:$0x3] =	sbarrier.arrive $0xFFFF  }
0xab: {  	_ =	shalt  }

// kernel: kernel.9.cloned.1.call-start
scs
__scs_entry_jumppad:
0x0: {  	(pc) =	sbr.rel $0x88, $3  }
0x1: {  	(tag) =	ssettag $0x0;
	lr =	simm.s32 $0x1  }
0x2: {  	[smem:$0x3F99] =	sst lr;
	_ =	strace $0xD0000000  }
0x3: {  	_ = 	snop  }
0x4: {  	_ = 	snop  }
0x5: {  	_ = 	snop  }
0x6: {  	_ = 	snop  }
0x7: {  	_ = 	snop  }
__scs_overlays_trampoline_lowered:
0x8: {  	[smem:$0x3FA8] =	sst s0  }
0x9: {  	[smem:$0x3FA9] =	sst s1  }
0xa: {  	[smem:$0x3FAA] =	sst s2  }
0xb: {  	[smem:$0x3FAB] =	sst s3  }
0xc: {  	[smem:$0x3FAC] =	sst s4  }
0xd: {  	[smem:$0x3FAD] =	sst s5  }
0xe: {  	[smem:$0x3FAE] =	sst s6  }
0xf: {  	[smem:$0x3FAF] =	sst s7  }
0x10: {  	[smem:$0x3FB0] =	sst s8  }
0x11: {  	[smem:$0x3FB1] =	sst s9;
	s0 =	simm.s32 @!p0 $0x0  }
0x12: {  	s1 =	sld [smem:$0x3F97];
	s0 =	simm.s32 @p0 $0x1  }
0x13: {  	[smem:$0x3FB2] =	sst s0;
	s0 =	simm.s32 @!p1 $0x0  }
0x14: {  	s2 =	sld [smem:$0x3F96];
	s0 =	simm.s32 @p1 $0x1  }
0x15: {  	[smem:$0x3FB3] =	sst s0;
	s0 =	simm.s32 @!p2 $0x0  }
0x16: {  	s3 =	sld [smem:$0x3FDB];
	s0 =	simm.s32 @p2 $0x1  }
0x17: {  	s4 =	simm.s32 $0x1BF5;
	[smem:$0x3FB5] =	sst s0  }
0x18: {  	s0 =	sld [smem:$0x3F98];
	_ =	swait.ge [sflag:s4], $0x0  }
0x19: {  	s7 =	sld [smem:$0x3F99]  }
0x1a: {  	s8 =	sadd.s32 $0xFFFFE003, lr  }
0x1b: {  	s9 =	sadd.s32 $0xFFFFFEF7, lr;
	s5 =	simm.s32 $0xFFFFFFFF;
	p2 =	slt.u32 s8, $0xFFFFF086  }
0x1c: {  	p1 =	slt.u32 s9, $0xF7A;
	s5 =	simm.s32 @!p2 $0x0  }
0x1d: {  	s5 =	simm.s32 @p1 $0x1;
	p0 =	seq.s32 s7, s2  }
0x1e: {  	s7 =	smul.u32 @!p0 $0xF7A, s2;
	p2 =	seq.s32 @!p0 s5, $0x0  }
0x1f: {  	s9 =	smul.u32 $0xF7A, s1;
	s8 =	simm.s32 @!p0 $0x1BF5;
	p2 =	por !p2, p0  }
0x20: {  	[sflag:s8] =	ssyncset.s32 @!p0 $0xFFFFF086;
	s6 =	sadd.s32 @!p0 s3, s7;
	s7 =	simm.s32 @!p0 $0x108  }
0x21: {  	s3 =	sadd.s32 s3, s9;
	s6 =	sadd.s32 @!p0 $0x88, s6;
	s7 =	simm.s32 @p2 $0x1082  }
0x22: {  	[simem:s7], [sflag:s8] =	dma.local @!p0 [hbm:s6], $0xF7A  }
0x23: {  	s9 =	sor.u32 $0xD0000000, s2;
	s6 =	simm.s32 $0x108;
	_ =	swait.ge @!p0 [sflag:s8], $0x0  }
0x24: {  	s3 =	sadd.s32 $0x88, s3;
	s6 =	simm.s32 @!p1 $0x1082;
	[sflag:s4] =	ssyncset.s32 $0xFFFFF086  }
0x25: {  	[simem:s6], [sflag:s4] =	dma.local [hbm:s3], $0xF7A  }
0x26: {  	[smem:$0x3F99] =	sst s1;
	(tag) =	ssettag s2;
	_ =	strace s9  }
0x27: {  	s1 =	sld [smem:$0x3FA9]  }
0x28: {  	s2 =	sld [smem:$0x3FAA]  }
0x29: {  	s4 =	sld [smem:$0x3FAC]  }
0x2a: {  	p0 =	seq.s32 s5, $0x0;
	s5 =	sld [smem:$0x3FAD]  }
0x2b: {  	s6 =	sld [smem:$0x3FAE]  }
0x2c: {  	s7 =	sld [smem:$0x3FAF]  }
0x2d: {  	s3 =	simm.s32 $0x108;
	s8 =	sld [smem:$0x3FB0]  }
0x2e: {  	s3 =	simm.s32 @!p0 $0x1082;
	s9 =	sld [smem:$0x3FB1]  }
0x2f: {  	lr =	sadd.s32 s0, s3;
	s0 =	sld [smem:$0x3FA8]  }
0x30: {  	s3 =	sld [smem:$0x3FAB]  }
0x31: {  	[smem:$0x3FB4] =	sst s10  }
0x32: {  	s10 =	sld [smem:$0x3FB2];
	_ =	sdelay $0x3  }
0x33: {  	p0 =	seq.s32 s10, $0x1;
	s10 =	sld [smem:$0x3FB4];
	_ =	sdelay $0x3  }
0x34: {  	[smem:$0x3FB4] =	sst s10  }
0x35: {  	s10 =	sld [smem:$0x3FB3];
	_ =	sdelay $0x3  }
0x36: {  	p1 =	seq.s32 s10, $0x1;
	s10 =	sld [smem:$0x3FB4];
	_ =	sdelay $0x3  }
0x37: {  	[smem:$0x3FB4] =	sst s10  }
0x38: {  	s10 =	sld [smem:$0x3FB5]  }
0x39: {  	_ = 	snop;
	(pc) =	sbr.ind lr, $3  }
0x3a: {  	_ = 	snop  }
0x3b: {  	_ = 	snop  }
0x3c: {  	p2 =	seq.s32 s10, $0x1;
	s10 =	sld [smem:$0x3FB4]  }
0x3d: {  	_ =	shalt  }
0x3e: {  	_ =	shalt  }
0x3f: {  	_ =	shalt  }
0x40: {  	_ =	shalt  }
0x41: {  	_ =	shalt  }
0x42: {  	_ =	shalt  }
0x43: {  	_ =	shalt  }
0x44: {  	_ =	shalt  }
0x45: {  	_ =	shalt  }
0x46: {  	_ =	shalt  }
0x47: {  	_ =	shalt  }
0x48: {  	_ =	shalt  }
0x49: {  	_ =	shalt  }
0x4a: {  	_ =	shalt  }
0x4b: {  	_ =	shalt  }
0x4c: {  	_ =	shalt  }
0x4d: {  	_ =	shalt  }
0x4e: {  	_ =	shalt  }
0x4f: {  	_ =	shalt  }
0x50: {  	_ =	shalt  }
0x51: {  	_ =	shalt  }
0x52: {  	_ =	shalt  }
0x53: {  	_ =	shalt  }
0x54: {  	_ =	shalt  }
0x55: {  	_ =	shalt  }
0x56: {  	_ =	shalt  }
0x57: {  	_ =	shalt  }
0x58: {  	_ =	shalt  }
0x59: {  	_ =	shalt  }
0x5a: {  	_ =	shalt  }
0x5b: {  	_ =	shalt  }
0x5c: {  	_ =	shalt  }
0x5d: {  	_ =	shalt  }
0x5e: {  	_ =	shalt  }
0x5f: {  	_ =	shalt  }
0x60: {  	_ =	shalt  }
0x61: {  	_ =	shalt  }
0x62: {  	_ =	shalt  }
0x63: {  	_ =	shalt  }
0x64: {  	_ =	shalt  }
0x65: {  	_ =	shalt  }
0x66: {  	_ =	shalt  }
0x67: {  	_ =	shalt  }
0x68: {  	_ =	shalt  }
0x69: {  	_ =	shalt  }
0x6a: {  	_ =	shalt  }
0x6b: {  	_ =	shalt  }
0x6c: {  	_ =	shalt  }
0x6d: {  	_ =	shalt  }
0x6e: {  	_ =	shalt  }
0x6f: {  	_ =	shalt  }
0x70: {  	_ =	shalt  }
0x71: {  	_ =	shalt  }
0x72: {  	_ =	shalt  }
0x73: {  	_ =	shalt  }
0x74: {  	_ =	shalt  }
0x75: {  	_ =	shalt  }
0x76: {  	_ =	shalt  }
0x77: {  	_ =	shalt  }
0x78: {  	_ =	shalt  }
0x79: {  	_ =	shalt  }
0x7a: {  	_ =	shalt  }
0x7b: {  	_ =	shalt  }
0x7c: {  	_ =	shalt  }
0x7d: {  	_ =	shalt  }
0x7e: {  	_ =	shalt  }
0x7f: {  	_ =	shalt  }
0x80: {  	_ =	shalt  }
0x81: {  	_ =	shalt  }
0x82: {  	_ =	shalt  }
0x83: {  	_ =	shalt  }
0x84: {  	_ =	shalt  }
0x85: {  	_ =	shalt  }
0x86: {  	_ =	shalt  }
0x87: {  	_ =	shalt  }
.Lfunc_end0:
.L_simem_size_0:
called_computation_lowered:
.L_overlay_start_0:
0x88: {  	s2 =	sld [smem:$0x3FD9]  }
0x89: {  	s3 =	sld [smem:$0x3FFE];
	_ =	sdelay $0x1  }
0x8a: {  	s1 =	srdreg.scid  }
0x8b: {  	s0 =	sand.u32 $0x1, s1  }
0x8c: {  	s16 =	sshll.u32 s0, $0xA;
	s2 =	sadd.s32 s3, s2  }
0x8d: {  	s2 =	sadd.s32 s2, s16  }
0x8e: {  	[smem:$0x3FC0] =	sst s2  }
0x8f: {  	_ = 	snop  }
0x90: {  	(tm) =	ssettm $0x1  }
0x91: {  	s17 =	sld [smem:$0x3FFB];
	_ =	sdelay $0x3  }
0x92: {  	_ =	strace s17  }
0x93: {  	s2 =	sld [smem:$0x3FFC];
	_ =	sdelay $0x3  }
0x94: {  	_ =	strace s2  }
0x95: {  	s2 =	sld [smem:$0x3FFD];
	_ =	sdelay $0x3  }
0x96: {  	_ =	strace s2  }
0x97: {  	_ =	strace $0x8FFFFFFF  }
0x98: {  	s18 =	sld [smem:$0x3FDB];
	_ =	sdelay $0x1  }
0x99: {  	s19 =	simm.s32 $_scs_section_size  }
0x9a: {  	s4 =	simm.s32 $_size__tile_overlayer_lowered;
	s5 =	simm.s32 $_tile_overlayer_lowered  }
0x9b: {  	s22 =	simm.s32 $0x1BFF;
	s21 =	sshll.u32 s5, $0x1;
	s2 =	sadd.s32 s19, s18  }
0x9c: {  	s6 =	simm.s32 $0x0;
	s20 =	sshll.u32 s4, $0x1;
	s4 =	sadd.s32 s21, s2  }
0x9d: {  	[timem:s6], [sflag:s22] =	dma.local [hbm:s4], s20  }
0x9e: {  	_ =	swait.ge [sflag:s22], s20  }
0x9f: {  	s3 =	ssub.s32 $0x0, s20;
	[sflag:s22] =	ssyncset.done $0x0  }
0xa0: {  	[sflag:s22] =	ssyncadd.s32 s3;
	_ =	sdelay $0x1  }
0xa1: {  	s23 =	simm.s32 $0x1B8B  }
0xa2: {  	_ =	swait.ge [sflag:s23], $0x1  }
0xa3: {  	[sflag:s23] =	ssyncset.done $0x0  }
0xa4: {  	s25 =	simm.s32 $0x1B8E;
	s24 =	sld [smem:$0x3FFE];
	[sflag:s23] =	ssyncadd.s32 $0xFFFFFFFF  }
0xa5: {  	s26 =	simm.s32 $execute0_lowered;
	[smem:$0x3FD2] =	sst s25  }
0xa6: {  	s4 =	sshll.u32 s26, $0x1;
	_ =	strace $0x80000046;
	[dreg:$0x1] =	wrdreg $0xFFFFFFFF  }
0xa7: {  	s28 =	simm.s32 $_size_execute0_lowered;
	s2 =	sadd.s32 s2, s4;
	[dreg:$0x0] =	wrdreg $0x0  }
0xa8: {  	s4 =	sshll.u32 s28, $0x1;
	[dreg:$0x2] =	wrdreg s2  }
0xa9: {  	[dreg:$0x3] =	wrdreg s4  }
0xaa: {  	[dreg:$0x4] =	wrdreg $0xC0  }
0xab: {  	_ =	task [dreg:s6], $0x5FFFF  }
0xac: {  	[dreg:$0x1] =	wrdreg $0xFFFFFFFF  }
0xad: {  	[dreg:$0x0] =	wrdreg $0x60  }
0xae: {  	[dreg:$0x2] =	wrdreg s24  }
0xaf: {  	[dreg:$0x3] =	wrdreg $0x0  }
0xb0: {  	[dreg:$0x4] =	wrdreg $0x9  }
0xb1: {  	_ =	task.clear_ibuf [dreg:s6], $0x5FFFF;
	_ =	strace $0x90000046  }
0xb2: {  	s29 =	simm.s32 $0x9;
	_ =	strace $0x80000048  }
0xb3: {  	_ =	swait.ge [sflag:s29], $0x1  }
0xb4: {  	[sflag:s29] =	ssyncadd.s32 $0xFFFFFFFF  }
0xb5: {  	_ =	strace $0x90000048  }
0xb6: {  	_ =	sfence  }
0xb7: {  	s30 =	sld [smem:$0x0];
	_ =	sdelay $0x2  }
0xb8: {  	s31 =	sshll.u32 s1, $0xD;
	s1 =	sshrl.u32 s1, $0x2  }
0xb9: {  	s3 =	sand.u32 $0x4000, s31;
	s1 =	sadd.s32 s1, s30  }
0xba: {  	s0 =	sor.u32 s3, s0;
	s1 =	sshll.u32 s1, $0x11  }
0xbb: {  	s0 =	sor.u32 s1, s0  }
0xbc: {  	s0 =	sadd.s32 $0x8F2B, s0  }
0xbd: {  	[sflag:s0] =	ssyncadd.remote.s32 $0x1  }
0xbe: {  	_ =	sfence.sel $0xFFFF  }
0xbf: {  	[dreg:$0x0] =	wrdreg $0xFFFFFFFF;
	(pc) =	sbr.abs _section_cstart, $3  }
0xc0: {  	[dreg:$0x1] =	wrdreg $0xFFFFFFFF  }
0xc1: {  	_ =	task.clear_ibuf [dreg:s6], $0x2FFFF;
	_ =	strace $0x9FFFFFFF  }
0xc2: {  	(tm) =	ssettm $0x7FFFFFFF  }
0xc3: {  	_ =	shalt  }
tec
execute0_lowered:
.L_overlay_start_1:
0x0: {  	(tag) =	ssettag $0x1  }
0x1: {  	s5 =	rddreg [dreg:$0x0]  }
0x2: {  	s0 =	srdreg.scid;
	s2 =	rddreg [dreg:$0x1];
	s3 =	simm.s32 $0x0  }
0x3: {  	s12 =	simm.s32 $0x40;
	s13 =	simm.s32 $0x2780;
	s14 =	simm.s32 $0x2BC0  }
0x4: {  	s15 =	simm.s32 $0x2C00;
	s16 =	simm.s32 $0x2C40;
	s17 =	simm.s32 $0x1  }
0x5: {  	s18 =	simm.s32 $0x2;
	s19 =	simm.s32 $0x3;
	s20 =	simm.s32 $0x4  }
0x6: {  	s21 =	simm.s32 $0x0;
	s4 =	sand.u32 $0x1, s0;
	s0 =	stileid.u32  }
0x7: {  	[smem:$0x7FF] =	sst s3;
	s1 =	sshll.u32 s4, $0x4;
	s7 =	smul.u32 $0x2780, s0  }
0x8: {  	s8 =	smul.u32 $0x27800, s4;
	s4 =	ssub.s32 $0x2, s4;
	s1 =	sor.u32 s0, s1  }
0x9: {  	s31 =	sshll.u32 s0, $0x6;
	s30 =	sshrl.u32 s4, $0x1;
	s6 =	smul.u32 $0x500, s1  }
0xa: {  	s1 =	rddreg [dreg:$0x2];
	_ =	strace $0x80000047;
	s8 =	sadd.s32 s7, s8  }
0xb: {  	s9 =	sshrl.u32 s7, $0x3;
	s10 =	ssub.s32 s4, s30;
	s11 =	sadd.s32 s7, s2  }
0xc: {  	s8 =	sshrl.u32 s8, $0x3;
	s9 =	sadd.s32 s9, s5;
	s7 =	smax.u32 s10, $0x1  }
0xd: {  	s10 =	sor.u32 $0x1C05, s31;
	s11 =	sshrl.u32 s11, $0x3;
	s6 =	sadd.s32 s6, s5  }
0xe: {  	s8 =	sadd.s32 s8, s5;
	s5 =	sadd.s32 $0x15C00, s9;
	s9 =	simm.s32 $0x5  }
0xf: {  	v0 =	vimm.f32 $1.000000000e+00;
	s4 =	sadd.s32 $0x1C00, s6;
	s6 =	sadd.s32 $0x1AC00, s8;
	s8 =	simm.s32 $0x2B80  }
.LBB2_1:
0x10: {  	s22 =	simm.s32 $0x40;
	s23 =	simm.s32 $0x0  }
.LBB2_2:
0x11: {  	p0 =	sne.s32 s22, $0xFC0;
	[tilespmem:s23+$0x2780] =	vst v0;
	s23 =	smov.u32 s22;
	s22 =	sadd.s32 $0x40, s22  }
.Ltmp0:
0x12: {  	(pc) =	sbr.rel @p0 .LBB2_2-.Ltmp0, $2  }
0x13: {  	_ =	sdelay $0x2  }
0x14: {  	s23 =	sshra.s32 s23, $0x2  }
0x15: {  	[tilespmem:s23+$0x2780] =	vst v0  }
0x16: {  	[tilespmem:s8], [sflag:$0x5] =	stream.linear.gather [hbm4b:s4+s3], $0x2800, $0x38;
	[tilespmem:$0x5380] =	vst v63  }
0x17: {  	_ =	swait.ge [sflag:s9], $0x2800  }
0x18: {  	[sflag:s9] =	ssyncset.done $0x0  }
0x19: {  	[sflag:s9] =	ssyncadd.s32 $0xFFFFD800  }
0x1a: {  	[spmem:s11], [sflag:s10] =	dma.local [hbm:s5], $0x4F0  }
0x1b: {  	_ =	swait.ge [sflag:s9], $0x4F0  }
0x1c: {  	[sflag:s9] =	ssyncset.done $0x0  }
0x1d: {  	[sflag:s9] =	ssyncadd.s32 $0xFFFFFB10  }
0x1e: {  	[bflag:$0x0] =	sbarrier.arrive $0xFFFF  }
0x1f: {  	[spmem:s2] =	stream.indirect.scatter.add.f32 [tilespmem:s13], [sflag:$0x1], $0x10, s8, s12, $0xb8;
	[tilespmem:$0x5380] =	vst v63  }
0x20: {  	_ = 	snop  }
0x21: {  	[spmem:s2] =	stream.indirect.scatter.add.f32 [tilespmem:s13], [sflag:$0x2], $0x10, s14, s12, $0xb8;
	[tilespmem:$0x5380] =	vst v63  }
0x22: {  	_ = 	snop  }
0x23: {  	[spmem:s2] =	stream.indirect.scatter.add.f32 [tilespmem:s13], [sflag:$0x3], $0x10, s15, s12, $0xb8;
	[tilespmem:$0x5380] =	vst v63  }
0x24: {  	_ = 	snop  }
0x25: {  	[spmem:s2] =	stream.indirect.scatter.add.f32 [tilespmem:s13], [sflag:$0x4], $0x10, s16, s12, $0xb8;
	[tilespmem:$0x5380] =	vst v63  }
0x26: {  	_ =	swait.ge [sflag:s17], $0x400  }
0x27: {  	[sflag:s17] =	ssyncset.done $0x0  }
0x28: {  	s22 =	simm.s32 $0x2C80;
	[sflag:s17] =	ssyncadd.s32 $0xFFFFFC00  }
0x29: {  	[spmem:s2] =	stream.indirect.scatter.add.f32 [tilespmem:s13], [sflag:$0x1], $0x10, s22, s12, $0xb8;
	[tilespmem:$0x5380] =	vst v63  }
0x2a: {  	_ =	swait.ge [sflag:s18], $0x400  }
0x2b: {  	[sflag:s18] =	ssyncset.done $0x0  }
0x2c: {  	s30 =	simm.s32 $0x2CC0;
	[sflag:s18] =	ssyncadd.s32 $0xFFFFFC00  }
0x2d: {  	[spmem:s2] =	stream.indirect.scatter.add.f32 [tilespmem:s13], [sflag:$0x2], $0x10, s30, s12, $0xb8;
	[tilespmem:$0x5380] =	vst v63  }
0x2e: {  	_ =	swait.ge [sflag:s19], $0x400  }
0x2f: {  	[sflag:s19] =	ssyncset.done $0x0  }
0x30: {  	s31 =	simm.s32 $0x2D00;
	[sflag:s19] =	ssyncadd.s32 $0xFFFFFC00  }
0x31: {  	[spmem:s2] =	stream.indirect.scatter.add.f32 [tilespmem:s13], [sflag:$0x3], $0x10, s31, s12, $0xb8;
	[tilespmem:$0x5380] =	vst v63  }
0x32: {  	_ =	swait.ge [sflag:s20], $0x400  }
0x33: {  	[sflag:s20] =	ssyncset.done $0x0  }
0x34: {  	s23 =	simm.s32 $0x2D40;
	s22 =	simm.s32 $0xFFFF6800;
	[sflag:s20] =	ssyncadd.s32 $0xFFFFFC00  }
.LBB2_4:
0x35: {  	[spmem:s2] =	stream.indirect.scatter.add.f32 [tilespmem:s13], [sflag:$0x4], $0x10, s23, s12, $0xb8;
	[tilespmem:$0x5380] =	vst v63  }
0x36: {  	s23 =	smov.u32 s22  }
0x37: {  	p0 =	sne.s32 s22, $0xFFFFFC00;
	s22 =	sadd.s32 $0x400, s22;
	_ =	swait.ge [sflag:s17], $0x400  }
0x38: {  	s23 =	sshra.s32 s23, $0x2;
	[sflag:s17] =	ssyncset.done $0x0  }
0x39: {  	s24 =	sadd.s32 $0x5380, s23;
	[sflag:s17] =	ssyncadd.s32 $0xFFFFFC00  }
0x3a: {  	[spmem:s2] =	stream.indirect.scatter.add.f32 [tilespmem:s13], [sflag:$0x1], $0x10, s24, s12, $0xb8;
	[tilespmem:$0x5380] =	vst v63  }
0x3b: {  	_ =	swait.ge [sflag:s18], $0x400  }
0x3c: {  	[sflag:s18] =	ssyncset.done $0x0  }
0x3d: {  	s24 =	sadd.s32 $0x53C0, s23;
	[sflag:s18] =	ssyncadd.s32 $0xFFFFFC00  }
0x3e: {  	[spmem:s2] =	stream.indirect.scatter.add.f32 [tilespmem:s13], [sflag:$0x2], $0x10, s24, s12, $0xb8;
	[tilespmem:$0x5380] =	vst v63  }
0x3f: {  	_ =	swait.ge [sflag:s19], $0x400  }
0x40: {  	[sflag:s19] =	ssyncset.done $0x0  }
.Ltmp1:
0x41: {  	s24 =	sadd.s32 $0x5400, s23;
	[sflag:s19] =	ssyncadd.s32 $0xFFFFFC00;
	(pc) =	sbr.rel @p0 .LBB2_4-.Ltmp1, $4  }
0x42: {  	[spmem:s2] =	stream.indirect.scatter.add.f32 [tilespmem:s13], [sflag:$0x3], $0x10, s24, s12, $0xb8;
	[tilespmem:$0x5380] =	vst v63  }
0x43: {  	_ =	swait.ge [sflag:s20], $0x400  }
0x44: {  	[sflag:s20] =	ssyncset.done $0x0  }
0x45: {  	s23 =	sadd.s32 $0x5440, s23;
	[sflag:s20] =	ssyncadd.s32 $0xFFFFFC00  }
0x46: {  	[spmem:s2] =	stream.indirect.scatter.add.f32 [tilespmem:s13], [sflag:$0x4], $0x10, s23, s12, $0xb8;
	[tilespmem:$0x5380] =	vst v63  }
0x47: {  	_ =	swait.ge [sflag:s17], $0x400  }
0x48: {  	[sflag:s17] =	ssyncset.done $0x0  }
0x49: {  	[sflag:s17] =	ssyncadd.s32 $0xFFFFFC00  }
0x4a: {  	_ =	swait.ge [sflag:s18], $0x400  }
0x4b: {  	[sflag:s18] =	ssyncset.done $0x0  }
0x4c: {  	[sflag:s18] =	ssyncadd.s32 $0xFFFFFC00  }
0x4d: {  	_ =	swait.ge [sflag:s19], $0x400  }
0x4e: {  	[sflag:s19] =	ssyncset.done $0x0  }
0x4f: {  	[sflag:s19] =	ssyncadd.s32 $0xFFFFFC00  }
0x50: {  	_ =	swait.ge [sflag:s20], $0x400  }
0x51: {  	s21 =	sadd.s32 $0x1, s21;
	[sflag:s20] =	ssyncset.done $0x0  }
0x52: {  	p0 =	sne.s32 s21, s7;
	[sflag:s20] =	ssyncadd.s32 $0xFFFFFC00  }
.Ltmp2:
0x53: {  	[bflag:$0x0] =	sbarrier.arrive $0xFFFF;
	(pc) =	sbr.rel @p0 .LBB2_1-.Ltmp2, $4  }
0x54: {  	[hbm:s6], [sflag:s10] =	dma.local [spmem:s11], $0x4F0  }
0x55: {  	_ =	swait.ge [sflag:s9], $0x4F0  }
0x56: {  	[sflag:s9] =	ssyncset.done $0x0  }
0x57: {  	[sflag:s9] =	ssyncadd.s32 $0xFFFFFB10  }
0x58: {  	_ =	sfence.sel $0x180000  }
0x59: {  	[bflag:$0x0] =	sbarrier.arrive $0xFFFF  }
0x5a: {  	p0 =	sne.s32 s0, $0x0;
	_ =	strace $0x90000047  }
0x5b: {  	s0 =	sadd.s32 @!p0 $0x100000, s1;
	[bflag:$0x2] =	sbarrier.arrive $0xFFFF  }
0x5c: {  	[sflag:s0] =	ssyncadd.tile.s32 @!p0 $0x1;
	_ =	shalt  }
.Lfunc_end2:
_tile_overlayer_lowered:
.L_overlay_start_2:
0x5d: {  	(tag) =	ssettag $0x2  }
0x5e: {  	s0 =	rddreg [dreg:$0x0];
	s2 =	stileid.u32  }
0x5f: {  	s1 =	rddreg [dreg:$0x1];
	p0 =	sne.s32 s2, $0x0  }
0x60: {  	s3 =	rddreg [dreg:$0x2];
	[bflag:$0x3] =	sbarrier.arrive $0xFFFF;
	s2 =	simm.s32 @!p0 $0x1C05  }
0x61: {  	[timem:s3], [sflag:s2] =	dma.local @!p0 [hbm:s0], s1  }
0x62: {  	s0 =	simm.s32 @!p0 $0x5  }
0x63: {  	_ =	swait.ge @!p0 [sflag:s0], s1  }
0x64: {  	s1 =	ssub.s32 @!p0 $0x0, s1;
	[sflag:s0] =	ssyncset.done @!p0 $0x0  }
0x65: {  	[sflag:s0] =	ssyncadd.s32 @!p0 s1  }
0x66: {  	[bflag:$0x3] =	sbarrier.arrive $0xFFFF  }
0x67: {  	_ =	shalt  }

</sc_bundles>
